<compile_context>
chip_gen: v7x
topology: tpu7x:2x2x1
jax: 0.10.2.dev20260603
libtpu: 0.0.44.dev20260713+nightly
codegen_flags: <defaults>
</compile_context>

<pallas_src>
import functools

import jax
import jax.numpy as jnp
from jax import lax
from jax.experimental import pallas as pl
from jax.experimental.pallas import tpu as pltpu
from jax.experimental.pallas import tpu_sc as plsc

NC = 2
NS = 16
NW = NC * NS
CH = 64
IB = 40
KB = 4
LA = 2


def _sc_mesh():
    return plsc.VectorSubcoreMesh(core_axis_name="c", subcore_axis_name="s")


def _make_deg_kernel(n_pad, nch):
    trows = n_pad // NS

    @functools.partial(
        pl.kernel,
        out_type=jax.ShapeDtypeStruct((NC, n_pad), jnp.float32),
        mesh=_sc_mesh(),
        scratch_types=[
            pltpu.VMEM((nch, CH), jnp.int32),
            pltpu.VMEM((CH,), jnp.float32),
            pltpu.VMEM_SHARED((n_pad,), jnp.float32),
            pltpu.SemaphoreType.DMA,
        ],
    )
    def deg_kernel(dstw_hbm, zeros_hbm, out_hbm, idx_v, ones_v, acc, dsem):
        c = lax.axis_index("c")
        s = lax.axis_index("s")
        wid = c * NS + s
        pltpu.sync_copy(dstw_hbm.at[wid], idx_v)
        for i in range(CH // 16):
            ones_v[pl.ds(i * 16, 16)] = jnp.ones((16,), jnp.float32)
        pltpu.sync_copy(zeros_hbm.at[pl.ds(s * trows, trows)],
                        acc.at[pl.ds(s * trows, trows)])
        plsc.subcore_barrier()

        gr = 8

        def body(g, carry):
            for b in range(gr):
                pltpu.async_copy(ones_v, acc.at[idx_v.at[g * gr + b]], dsem,
                                 add=True)
            for b in range(gr):
                pltpu.make_async_copy(ones_v, acc.at[idx_v.at[g * gr + b]],
                                      dsem).wait()
            return carry

        lax.fori_loop(0, nch // gr, body, 0)
        plsc.subcore_barrier()
        pltpu.sync_copy(acc.at[pl.ds(s * trows, trows)],
                        out_hbm.at[c].at[pl.ds(s * trows, trows)])

    return deg_kernel


def _make_agg_kernel(n_pad, nch, d):
    trows = n_pad // NS
    nblk = nch // IB

    @functools.partial(
        pl.kernel,
        out_type=jax.ShapeDtypeStruct((NC, n_pad, d), jnp.float32),
        mesh=_sc_mesh(),
        scratch_types=[
            pltpu.VMEM((IB, CH), jnp.int32),
            pltpu.VMEM((IB, CH), jnp.int32),
            pltpu.VMEM((CH, d), jnp.float32),
            pltpu.VMEM((CH, d), jnp.float32),
            pltpu.VMEM((CH, d), jnp.float32),
            pltpu.VMEM((CH, d), jnp.float32),
            pltpu.VMEM_SHARED((n_pad, d), jnp.float32),
            pltpu.SemaphoreType.DMA,
            pltpu.SemaphoreType.DMA,
            pltpu.SemaphoreType.DMA,
            pltpu.SemaphoreType.DMA,
            pltpu.SemaphoreType.DMA,
            pltpu.SemaphoreType.DMA,
            pltpu.SemaphoreType.DMA,
            pltpu.SemaphoreType.DMA,
            pltpu.SemaphoreType.DMA,
            pltpu.SemaphoreType.DMA,
        ],
    )
    def agg_kernel(hp_hbm, srcw_hbm, dstw_hbm, zeros_hbm, out_hbm,
                   src_i, dst_i, b0, b1, b2, b3, acc,
                   g0, g1, g2, g3, s0, s1, s2, s3, zsem, isem):
        bufs = (b0, b1, b2, b3)
        gsems = (g0, g1, g2, g3)
        ssems = (s0, s1, s2, s3)
        c = lax.axis_index("c")
        s = lax.axis_index("s")
        wid = c * NS + s
        def load_blk(blk):
            pltpu.async_copy(srcw_hbm.at[wid].at[pl.ds(blk * IB, IB)],
                             src_i, isem)
            pltpu.async_copy(dstw_hbm.at[wid].at[pl.ds(blk * IB, IB)],
                             dst_i, isem)
            pltpu.make_async_copy(srcw_hbm.at[wid].at[pl.ds(blk * IB, IB)],
                                  src_i, isem).wait()
            pltpu.make_async_copy(dstw_hbm.at[wid].at[pl.ds(blk * IB, IB)],
                                  dst_i, isem).wait()

        pltpu.async_copy(zeros_hbm, acc.at[pl.ds(s * trows, trows)], zsem)
        load_blk(0)
        pltpu.async_copy(hp_hbm.at[src_i.at[0]], bufs[0], gsems[0])
        pltpu.async_copy(hp_hbm.at[src_i.at[1]], bufs[1], gsems[1])
        pltpu.make_async_copy(zeros_hbm, acc.at[pl.ds(s * trows, trows)],
                              zsem).wait()
        plsc.subcore_barrier()

        for blk in range(nblk):
            src_v = src_i
            dst_v = dst_i
            if blk > 0:
                load_blk(blk)
                for b in range(LA):
                    pltpu.async_copy(hp_hbm.at[src_v.at[b]], bufs[b],
                                     gsems[b])

            def body(g, carry):
                for b in range(KB):
                    j = g * KB + b
                    jj = j + LA
                    bb = (b + LA) % KB

                    @pl.when(jj < IB)
                    def _():
                        @pl.when(j >= LA)
                        def _():
                            pltpu.make_async_copy(
                                bufs[bb], acc.at[dst_v.at[j - LA]],
                                ssems[bb]).wait()

                        pltpu.async_copy(hp_hbm.at[src_v.at[jj]], bufs[bb],
                                         gsems[bb])

                    pltpu.make_async_copy(hp_hbm.at[src_v.at[j]], bufs[b],
                                          gsems[b]).wait()
                    pltpu.async_copy(bufs[b], acc.at[dst_v.at[j]], ssems[b],
                                     add=True)
                return carry

            lax.fori_loop(0, IB // KB, body, 0)
            for j in range(IB - KB, IB):
                b = j % KB
                pltpu.make_async_copy(bufs[b], acc.at[dst_v.at[j]],
                                      ssems[b]).wait()
        plsc.subcore_barrier()
        pltpu.sync_copy(acc.at[pl.ds(s * trows, trows)],
                        out_hbm.at[c].at[pl.ds(s * trows, trows)])

    return agg_kernel


def _scale(t, deg_ref):
    n_pad, d = t.shape
    g = n_pad // 128
    dis = lax.rsqrt(1.0 + deg_ref[0] + deg_ref[1])
    return (t.reshape(g, 128, d) * dis[:, :, None]).reshape(n_pad, d)


def _hprime_body(x_ref, w_ref, deg_ref, out_ref):
    h = jnp.dot(x_ref[...], w_ref[...],
                preferred_element_type=jnp.float32,
                precision=lax.Precision.HIGHEST)
    out_ref[...] = _scale(h, deg_ref)


def _out_body(s_ref, hp_ref, deg_ref, bgc_ref, wfc_ref, bfc_ref, out_ref):
    t = _scale(s_ref[0] + s_ref[1] + hp_ref[...], deg_ref) + bgc_ref[...]
    out_ref[...] = jnp.dot(t, wfc_ref[...],
                           preferred_element_type=jnp.float32,
                           precision=lax.Precision.HIGHEST) + bfc_ref[...]


def kernel(x, edge_index_adj, W_gc, b_gc, W_fc, b_fc):
    n, d_in = x.shape
    d_h = W_gc.shape[1]
    d_out = W_fc.shape[1]
    e = edge_index_adj.shape[1]

    n_pad = -(-n // 2048) * 2048
    epw = -(-e // (NW * CH * IB)) * CH * IB
    e_pad = epw * NW
    nch = epw // CH

    src = edge_index_adj[0]
    dst = edge_index_adj[1]
    pad = e_pad - e
    if pad:
        ar = jnp.arange(pad, dtype=jnp.int32)
        src = jnp.concatenate([src, n + ar % (n_pad - n)])
        dst_deg = jnp.concatenate([dst, n + ar % (n_pad - n)])
        dst = jnp.concatenate([dst, (ar * 997) % n_pad])
    else:
        dst_deg = dst
    srcw = src.reshape(NW, nch, CH)
    dstw = dst.reshape(NW, nch, CH)
    dstw_deg = dst_deg.reshape(NW, nch, CH)

    x_pad = jnp.pad(x, ((0, n_pad - n), (0, 0)))
    zeros1 = jnp.zeros((n_pad,), jnp.float32)
    zeros2 = jnp.zeros((n_pad // NS, d_h), jnp.float32)

    deg_parts = _make_deg_kernel(n_pad, nch)(dstw_deg, zeros1)
    deg3 = deg_parts.reshape(NC, n_pad // 128, 128)

    hp = pl.pallas_call(
        _hprime_body,
        out_shape=jax.ShapeDtypeStruct((n_pad, d_h), jnp.float32),
    )(x_pad, W_gc, deg3)

    s_parts = _make_agg_kernel(n_pad, nch, d_h)(hp, srcw, dstw, zeros2)

    out = pl.pallas_call(
        _out_body,
        out_shape=jax.ShapeDtypeStruct((n_pad, d_out), jnp.float32),
    )(s_parts, hp, deg3, b_gc, W_fc, b_fc)

    return out[:n]

# --- scband reference (transcript-rebuilt; emitter-appended) ---
"""Pipeline reference for scband-encoder-gcn-70428873720344 (READ-ONLY COPY).

The authoritative reference and input builder live on the scoring server;
editing this copy changes nothing except your own understanding.
"""

import jax, jax.numpy as jnp
import numpy as np

N = 10000
E = 320000
D_IN = 128
D_H = 128
D_OUT = 128


def setup_inputs(seed: int = 0) -> dict:
    key = jax.random.key(seed)
    k1, k2, k3, k4, k5, k6 = jax.random.split(key, 6)
    x = jax.random.normal(k1, (N, D_IN), dtype=jnp.float32)
    edge_index_adj = jax.random.randint(k2, (2, E), 0, N, dtype=jnp.int32)
    # GCNConv params: lin has no bias; separate bias added after aggregation
    W_gc = jax.random.normal(k3, (D_IN, D_H), dtype=jnp.float32) * (1.0 / np.sqrt(D_IN))
    b_gc = jnp.zeros((D_H,), dtype=jnp.float32)
    # fc1 Linear params
    W_fc = jax.random.normal(k4, (D_H, D_OUT), dtype=jnp.float32) * (1.0 / np.sqrt(D_H))
    b_fc = jax.random.uniform(k5, (D_OUT,), dtype=jnp.float32, minval=-1.0 / np.sqrt(D_H), maxval=1.0 / np.sqrt(D_H))
    return {"x": x, "edge_index_adj": edge_index_adj, "W_gc": W_gc, "b_gc": b_gc, "W_fc": W_fc, "b_fc": b_fc}


def gcn_conv(x, edge_index, W, b):
    n = x.shape[0]
    h = x @ W
    src = edge_index[0]
    dst = edge_index[1]
    loop = jnp.arange(n, dtype=src.dtype)
    src = jnp.concatenate([src, loop])
    dst = jnp.concatenate([dst, loop])
    deg = jnp.zeros((n,), dtype=x.dtype).at[dst].add(1.0)
    deg_inv_sqrt = jnp.where(deg > 0, jax.lax.rsqrt(jnp.maximum(deg, 1e-12)), 0.0)
    norm = deg_inv_sqrt[src] * deg_inv_sqrt[dst]
    msg = h[src] * norm[:, None]
    agg = jnp.zeros((n, h.shape[1]), dtype=x.dtype).at[dst].add(msg)
    return agg + b


def reference(x, edge_index_adj, W_gc, b_gc, W_fc, b_fc):
    h = gcn_conv(x, edge_index_adj, W_gc, b_gc)
    out = h @ W_fc + b_fc
    return out

if __name__ == "__main__":
    import jax
    _d = setup_inputs()
    print(jax.jit(kernel)(*tuple(_d.values())))

</pallas_src>

<mosaic_0001>
#map = affine_map<(d0, d1) -> (0, 0)>
#map1 = affine_map<(d0, d1) -> (0, 0, 0)>
module attributes {stable_mosaic.version = 14 : i64} {
  func.func @agg_kernel(%arg0: i32, %arg1: i32, %arg2: memref<10240x128xf32, #tpu.memory_space<hbm>>, %arg3: memref<32x160x64xi32, #tpu.memory_space<hbm>>, %arg4: memref<32x160x64xi32, #tpu.memory_space<hbm>>, %arg5: memref<640x128xf32, #tpu.memory_space<hbm>>, %arg6: memref<2x10240x128xf32, #tpu.memory_space<hbm>>, %arg7: memref<40x64xi32, #tpu.memory_space<vmem>>, %arg8: memref<40x64xi32, #tpu.memory_space<vmem>>, %arg9: memref<64x128xf32, #tpu.memory_space<vmem>>, %arg10: memref<64x128xf32, #tpu.memory_space<vmem>>, %arg11: memref<64x128xf32, #tpu.memory_space<vmem>>, %arg12: memref<64x128xf32, #tpu.memory_space<vmem>>, %arg13: memref<10240x128xf32, #tpu.memory_space<vmem_shared>>, %arg14: memref<!tpu.dma_semaphore, #tpu.memory_space<semaphore_mem>>, %arg15: memref<!tpu.dma_semaphore, #tpu.memory_space<semaphore_mem>>, %arg16: memref<!tpu.dma_semaphore, #tpu.memory_space<semaphore_mem>>, %arg17: memref<!tpu.dma_semaphore, #tpu.memory_space<semaphore_mem>>, %arg18: memref<!tpu.dma_semaphore, #tpu.memory_space<semaphore_mem>>, %arg19: memref<!tpu.dma_semaphore, #tpu.memory_space<semaphore_mem>>, %arg20: memref<!tpu.dma_semaphore, #tpu.memory_space<semaphore_mem>>, %arg21: memref<!tpu.dma_semaphore, #tpu.memory_space<semaphore_mem>>, %arg22: memref<!tpu.dma_semaphore, #tpu.memory_space<semaphore_mem>>, %arg23: memref<!tpu.dma_semaphore, #tpu.memory_space<semaphore_mem>>) attributes {dimension_semantics = [#tpu.dimension_semantics<core_parallel>, #tpu.dimension_semantics<subcore_parallel>], iteration_bounds = array<i64: 2, 16>, scalar_prefetch = 0 : i64, scratch_operands = 17 : i64, tpu.core_type = #tpu.core_type<sc_vector_subcore>, window_params = [{transform_indices = #map}, {transform_indices = #map1}, {transform_indices = #map1}, {transform_indices = #map}, {transform_indices = #map1}]} {
    %mul3A = arith.constant 16 : i32
    %mul3A_0 = arith.muli %arg0, %mul3A : i32
    %add3A = arith.addi %mul3A_0, %arg1 : i32
    %mul3A_1 = arith.constant 640 : i32
    %mul3A_2 = arith.muli %arg1, %mul3A_1 : i32
    %dma_start3A = arith.constant 0 : i32
    %dma_start3A_3 = tpu.memref_slice %arg13[%mul3A_2, %dma_start3A] : memref<10240x128xf32, #tpu.memory_space<vmem_shared>> -> memref<640x128xf32, #tpu.memory_space<vmem_shared>>
    tpu.enqueue_dma source(%arg5 : memref<640x128xf32, #tpu.memory_space<hbm>>) target(%dma_start3A_3 : memref<640x128xf32, #tpu.memory_space<vmem_shared>>) target_semaphore(%arg22 : memref<!tpu.dma_semaphore, #tpu.memory_space<semaphore_mem>>)
    %dma_start3A_4 = arith.constant 0 : i32
    %dma_start3A_5 = arith.constant 0 : i32
    %dma_start3A_6 = tpu.memref_slice %arg3[%add3A, %dma_start3A_4, %dma_start3A_5] : memref<32x160x64xi32, #tpu.memory_space<hbm>> -> memref<1x160x64xi32, #tpu.memory_space<hbm>>
    %dma_start3A_7 = tpu.memref_squeeze %dma_start3A_6 : memref<1x160x64xi32, #tpu.memory_space<hbm>> -> memref<160x64xi32, #tpu.memory_space<hbm>>
    %dma_start3A_8 = arith.constant 0 : i32
    %dma_start3A_9 = arith.constant 0 : i32
    %dma_start3A_10 = tpu.memref_slice %dma_start3A_7[%dma_start3A_8, %dma_start3A_9] : memref<160x64xi32, #tpu.memory_space<hbm>> -> memref<40x64xi32, #tpu.memory_space<hbm>>
    %dma_start3A_11 = arith.constant 0 : i32
    %dma_start3A_12 = arith.constant 0 : i32
    %dma_start3A_13 = tpu.memref_slice %arg3[%add3A, %dma_start3A_11, %dma_start3A_12] : memref<32x160x64xi32, #tpu.memory_space<hbm>> -> memref<1x160x64xi32, #tpu.memory_space<hbm>>
    %dma_start3A_14 = tpu.memref_squeeze %dma_start3A_13 : memref<1x160x64xi32, #tpu.memory_space<hbm>> -> memref<160x64xi32, #tpu.memory_space<hbm>>
    %dma_start3A_15 = arith.constant 0 : i32
    %dma_start3A_16 = arith.constant 0 : i32
    %dma_start3A_17 = tpu.memref_slice %dma_start3A_14[%dma_start3A_15, %dma_start3A_16] : memref<160x64xi32, #tpu.memory_space<hbm>> -> memref<40x64xi32, #tpu.memory_space<hbm>>
    tpu.enqueue_dma source(%dma_start3A_17 : memref<40x64xi32, #tpu.memory_space<hbm>>) target(%arg7 : memref<40x64xi32, #tpu.memory_space<vmem>>) target_semaphore(%arg23 : memref<!tpu.dma_semaphore, #tpu.memory_space<semaphore_mem>>)
    %dma_start3A_18 = arith.constant 0 : i32
    %dma_start3A_19 = arith.constant 0 : i32
    %dma_start3A_20 = tpu.memref_slice %arg4[%add3A, %dma_start3A_18, %dma_start3A_19] : memref<32x160x64xi32, #tpu.memory_space<hbm>> -> memref<1x160x64xi32, #tpu.memory_space<hbm>>
    %dma_start3A_21 = tpu.memref_squeeze %dma_start3A_20 : memref<1x160x64xi32, #tpu.memory_space<hbm>> -> memref<160x64xi32, #tpu.memory_space<hbm>>
    %dma_start3A_22 = arith.constant 0 : i32
    %dma_start3A_23 = arith.constant 0 : i32
    %dma_start3A_24 = tpu.memref_slice %dma_start3A_21[%dma_start3A_22, %dma_start3A_23] : memref<160x64xi32, #tpu.memory_space<hbm>> -> memref<40x64xi32, #tpu.memory_space<hbm>>
    %dma_start3A_25 = arith.constant 0 : i32
    %dma_start3A_26 = arith.constant 0 : i32
    %dma_start3A_27 = tpu.memref_slice %arg4[%add3A, %dma_start3A_25, %dma_start3A_26] : memref<32x160x64xi32, #tpu.memory_space<hbm>> -> memref<1x160x64xi32, #tpu.memory_space<hbm>>
    %dma_start3A_28 = tpu.memref_squeeze %dma_start3A_27 : memref<1x160x64xi32, #tpu.memory_space<hbm>> -> memref<160x64xi32, #tpu.memory_space<hbm>>
    %dma_start3A_29 = arith.constant 0 : i32
    %dma_start3A_30 = arith.constant 0 : i32
    %dma_start3A_31 = tpu.memref_slice %dma_start3A_28[%dma_start3A_29, %dma_start3A_30] : memref<160x64xi32, #tpu.memory_space<hbm>> -> memref<40x64xi32, #tpu.memory_space<hbm>>
    tpu.enqueue_dma source(%dma_start3A_31 : memref<40x64xi32, #tpu.memory_space<hbm>>) target(%arg8 : memref<40x64xi32, #tpu.memory_space<vmem>>) target_semaphore(%arg23 : memref<!tpu.dma_semaphore, #tpu.memory_space<semaphore_mem>>)
    %dma_wait3A = arith.constant 0 : i32
    %dma_wait3A_32 = arith.constant 0 : i32
    %dma_wait3A_33 = tpu.memref_slice %arg3[%add3A, %dma_wait3A, %dma_wait3A_32] : memref<32x160x64xi32, #tpu.memory_space<hbm>> -> memref<1x160x64xi32, #tpu.memory_space<hbm>>
    %dma_wait3A_34 = tpu.memref_squeeze %dma_wait3A_33 : memref<1x160x64xi32, #tpu.memory_space<hbm>> -> memref<160x64xi32, #tpu.memory_space<hbm>>
    %dma_wait3A_35 = arith.constant 0 : i32
    %dma_wait3A_36 = arith.constant 0 : i32
    %dma_wait3A_37 = tpu.memref_slice %dma_wait3A_34[%dma_wait3A_35, %dma_wait3A_36] : memref<160x64xi32, #tpu.memory_space<hbm>> -> memref<40x64xi32, #tpu.memory_space<hbm>>
    %dma_wait3A_38 = arith.constant 0 : i32
    %dma_wait3A_39 = arith.constant 0 : i32
    %dma_wait3A_40 = tpu.memref_slice %arg3[%add3A, %dma_wait3A_38, %dma_wait3A_39] : memref<32x160x64xi32, #tpu.memory_space<hbm>> -> memref<1x160x64xi32, #tpu.memory_space<hbm>>
    %dma_wait3A_41 = tpu.memref_squeeze %dma_wait3A_40 : memref<1x160x64xi32, #tpu.memory_space<hbm>> -> memref<160x64xi32, #tpu.memory_space<hbm>>
    %dma_wait3A_42 = arith.constant 0 : i32
    %dma_wait3A_43 = arith.constant 0 : i32
    %dma_wait3A_44 = tpu.memref_slice %dma_wait3A_41[%dma_wait3A_42, %dma_wait3A_43] : memref<160x64xi32, #tpu.memory_space<hbm>> -> memref<40x64xi32, #tpu.memory_space<hbm>>
    tpu.wait_dma2 semaphore(%arg23 : memref<!tpu.dma_semaphore, #tpu.memory_space<semaphore_mem>>) src(%dma_wait3A_44 : memref<40x64xi32, #tpu.memory_space<hbm>>) dst(%arg7 : memref<40x64xi32, #tpu.memory_space<vmem>>)
    %dma_wait3A_45 = arith.constant 0 : i32
    %dma_wait3A_46 = arith.constant 0 : i32
    %dma_wait3A_47 = tpu.memref_slice %arg4[%add3A, %dma_wait3A_45, %dma_wait3A_46] : memref<32x160x64xi32, #tpu.memory_space<hbm>> -> memref<1x160x64xi32, #tpu.memory_space<hbm>>
    %dma_wait3A_48 = tpu.memref_squeeze %dma_wait3A_47 : memref<1x160x64xi32, #tpu.memory_space<hbm>> -> memref<160x64xi32, #tpu.memory_space<hbm>>
    %dma_wait3A_49 = arith.constant 0 : i32
    %dma_wait3A_50 = arith.constant 0 : i32
    %dma_wait3A_51 = tpu.memref_slice %dma_wait3A_48[%dma_wait3A_49, %dma_wait3A_50] : memref<160x64xi32, #tpu.memory_space<hbm>> -> memref<40x64xi32, #tpu.memory_space<hbm>>
    %dma_wait3A_52 = arith.constant 0 : i32
    %dma_wait3A_53 = arith.constant 0 : i32
    %dma_wait3A_54 = tpu.memref_slice %arg4[%add3A, %dma_wait3A_52, %dma_wait3A_53] : memref<32x160x64xi32, #tpu.memory_space<hbm>> -> memref<1x160x64xi32, #tpu.memory_space<hbm>>
    %dma_wait3A_55 = tpu.memref_squeeze %dma_wait3A_54 : memref<1x160x64xi32, #tpu.memory_space<hbm>> -> memref<160x64xi32, #tpu.memory_space<hbm>>
    %dma_wait3A_56 = arith.constant 0 : i32
    %dma_wait3A_57 = arith.constant 0 : i32
    %dma_wait3A_58 = tpu.memref_slice %dma_wait3A_55[%dma_wait3A_56, %dma_wait3A_57] : memref<160x64xi32, #tpu.memory_space<hbm>> -> memref<40x64xi32, #tpu.memory_space<hbm>>
    tpu.wait_dma2 semaphore(%arg23 : memref<!tpu.dma_semaphore, #tpu.memory_space<semaphore_mem>>) src(%dma_wait3A_58 : memref<40x64xi32, #tpu.memory_space<hbm>>) dst(%arg8 : memref<40x64xi32, #tpu.memory_space<vmem>>)
    %dma_start3A_59 = arith.constant 0 : i32
    %dma_start3A_60 = arith.constant 0 : i32
    %dma_start3A_61 = tpu.memref_slice %arg7[%dma_start3A_59, %dma_start3A_60] : memref<40x64xi32, #tpu.memory_space<vmem>> -> memref<1x64xi32, #tpu.memory_space<vmem>>
    %dma_start3A_62 = tpu.memref_squeeze %dma_start3A_61 : memref<1x64xi32, #tpu.memory_space<vmem>> -> memref<64xi32, #tpu.memory_space<vmem>>
    %dma_start3A_63 = arith.constant 0 : i32
    %dma_start3A_64 = arith.constant 0 : i32
    %dma_start3A_65 = tpu.memref_slice %arg2[%dma_start3A_63, %dma_start3A_64] : memref<10240x128xf32, #tpu.memory_space<hbm>> -> memref<10240x128xf32, #tpu.memory_space<hbm>>
    tpu.enqueue_indirect_dma source(%dma_start3A_65 : memref<10240x128xf32, #tpu.memory_space<hbm>>) target(%arg9 : memref<64x128xf32, #tpu.memory_space<vmem>>) offsets(%dma_start3A_62 : memref<64xi32, #tpu.memory_space<vmem>>) semaphore(%arg14 : memref<!tpu.dma_semaphore, #tpu.memory_space<semaphore_mem>>)
    %dma_start3A_66 = arith.constant 1 : i32
    %dma_start3A_67 = arith.constant 0 : i32
    %dma_start3A_68 = tpu.memref_slice %arg7[%dma_start3A_66, %dma_start3A_67] : memref<40x64xi32, #tpu.memory_space<vmem>> -> memref<1x64xi32, #tpu.memory_space<vmem>>
    %dma_start3A_69 = tpu.memref_squeeze %dma_start3A_68 : memref<1x64xi32, #tpu.memory_space<vmem>> -> memref<64xi32, #tpu.memory_space<vmem>>
    %dma_start3A_70 = arith.constant 0 : i32
    %dma_start3A_71 = arith.constant 0 : i32
    %dma_start3A_72 = tpu.memref_slice %arg2[%dma_start3A_70, %dma_start3A_71] : memref<10240x128xf32, #tpu.memory_space<hbm>> -> memref<10240x128xf32, #tpu.memory_space<hbm>>
    tpu.enqueue_indirect_dma source(%dma_start3A_72 : memref<10240x128xf32, #tpu.memory_space<hbm>>) target(%arg10 : memref<64x128xf32, #tpu.memory_space<vmem>>) offsets(%dma_start3A_69 : memref<64xi32, #tpu.memory_space<vmem>>) semaphore(%arg15 : memref<!tpu.dma_semaphore, #tpu.memory_space<semaphore_mem>>)
    %mul3A_73 = arith.constant 640 : i32
    %mul3A_74 = arith.muli %arg1, %mul3A_73 : i32
    %dma_wait3A_75 = arith.constant 0 : i32
    %dma_wait3A_76 = tpu.memref_slice %arg13[%mul3A_74, %dma_wait3A_75] : memref<10240x128xf32, #tpu.memory_space<vmem_shared>> -> memref<640x128xf32, #tpu.memory_space<vmem_shared>>
    tpu.wait_dma2 semaphore(%arg22 : memref<!tpu.dma_semaphore, #tpu.memory_space<semaphore_mem>>) src(%arg5 : memref<640x128xf32, #tpu.memory_space<hbm>>) dst(%dma_wait3A_76 : memref<640x128xf32, #tpu.memory_space<vmem_shared>>)
    %barrier3A = arith.constant 0 : index
    tpu.barrier barrier_id(%barrier3A)
    %scan3A = arith.constant 0 : i32
    %scan3A_77 = arith.constant 0 : i32
    %scan3A_78 = arith.constant 10 : i32
    %scan3A_79 = arith.addi %scan3A_77, %scan3A_78 : i32
    %scan3A_80 = arith.constant 1 : i32
    scf.for %scan3A_427 = %scan3A_77 to %scan3A_79 step %scan3A_80  : i32 {
      %mul3A_428 = arith.constant 4 : i32
      %mul3A_429 = arith.muli %scan3A_427, %mul3A_428 : i32
      %add3A_430 = arith.constant 0 : i32
      %add3A_431 = arith.addi %mul3A_429, %add3A_430 : i32
      %add3A_432 = arith.constant 2 : i32
      %add3A_433 = arith.addi %add3A_431, %add3A_432 : i32
      %lt3A = arith.constant 40 : i32
      %lt3A_434 = arith.cmpi slt, %add3A_433, %lt3A : i32
      %convert_element_type3A = arith.extui %lt3A_434 : i1 to i32
      %cond3A = arith.constant 0 : i32
      %cond3A_435 = arith.cmpi ne, %convert_element_type3A, %cond3A : i32
      scf.if %cond3A_435 {
        %ge3A = arith.constant 2 : i32
        %ge3A_517 = arith.cmpi sge, %add3A_431, %ge3A : i32
        %convert_element_type3A_518 = arith.extui %ge3A_517 : i1 to i32
        %cond3A_519 = arith.constant 0 : i32
        %cond3A_520 = arith.cmpi ne, %convert_element_type3A_518, %cond3A_519 : i32
        scf.if %cond3A_520 {
          %sub3A = arith.constant 2 : i32
          %sub3A_527 = arith.subi %add3A_431, %sub3A : i32
          %dma_wait3A_528 = arith.constant 0 : i32
          %dma_wait3A_529 = tpu.memref_slice %arg8[%sub3A_527, %dma_wait3A_528] : memref<40x64xi32, #tpu.memory_space<vmem>> -> memref<1x64xi32, #tpu.memory_space<vmem>>
          %dma_wait3A_530 = tpu.memref_squeeze %dma_wait3A_529 : memref<1x64xi32, #tpu.memory_space<vmem>> -> memref<64xi32, #tpu.memory_space<vmem>>
          %dma_wait3A_531 = arith.constant 0 : i32
          %dma_wait3A_532 = arith.constant 0 : i32
          %dma_wait3A_533 = tpu.memref_slice %arg13[%dma_wait3A_531, %dma_wait3A_532] : memref<10240x128xf32, #tpu.memory_space<vmem_shared>> -> memref<10240x128xf32, #tpu.memory_space<vmem_shared>>
          tpu.wait_indirect_dma semaphore(%arg20 : memref<!tpu.dma_semaphore, #tpu.memory_space<semaphore_mem>>) src(%arg11 : memref<64x128xf32, #tpu.memory_space<vmem>>) dst(%dma_wait3A_533 : memref<10240x128xf32, #tpu.memory_space<vmem_shared>>)
        } else {
        }
        %dma_start3A_521 = arith.constant 0 : i32
        %dma_start3A_522 = tpu.memref_slice %arg7[%add3A_433, %dma_start3A_521] : memref<40x64xi32, #tpu.memory_space<vmem>> -> memref<1x64xi32, #tpu.memory_space<vmem>>
        %dma_start3A_523 = tpu.memref_squeeze %dma_start3A_522 : memref<1x64xi32, #tpu.memory_space<vmem>> -> memref<64xi32, #tpu.memory_space<vmem>>
        %dma_start3A_524 = arith.constant 0 : i32
        %dma_start3A_525 = arith.constant 0 : i32
        %dma_start3A_526 = tpu.memref_slice %arg2[%dma_start3A_524, %dma_start3A_525] : memref<10240x128xf32, #tpu.memory_space<hbm>> -> memref<10240x128xf32, #tpu.memory_space<hbm>>
        tpu.enqueue_indirect_dma source(%dma_start3A_526 : memref<10240x128xf32, #tpu.memory_space<hbm>>) target(%arg11 : memref<64x128xf32, #tpu.memory_space<vmem>>) offsets(%dma_start3A_523 : memref<64xi32, #tpu.memory_space<vmem>>) semaphore(%arg16 : memref<!tpu.dma_semaphore, #tpu.memory_space<semaphore_mem>>)
      } else {
      }
      %dma_wait3A_436 = arith.constant 0 : i32
      %dma_wait3A_437 = tpu.memref_slice %arg7[%add3A_431, %dma_wait3A_436] : memref<40x64xi32, #tpu.memory_space<vmem>> -> memref<1x64xi32, #tpu.memory_space<vmem>>
      %dma_wait3A_438 = tpu.memref_squeeze %dma_wait3A_437 : memref<1x64xi32, #tpu.memory_space<vmem>> -> memref<64xi32, #tpu.memory_space<vmem>>
      %dma_wait3A_439 = arith.constant 0 : i32
      %dma_wait3A_440 = arith.constant 0 : i32
      %dma_wait3A_441 = tpu.memref_slice %arg2[%dma_wait3A_439, %dma_wait3A_440] : memref<10240x128xf32, #tpu.memory_space<hbm>> -> memref<10240x128xf32, #tpu.memory_space<hbm>>
      tpu.wait_indirect_dma semaphore(%arg14 : memref<!tpu.dma_semaphore, #tpu.memory_space<semaphore_mem>>) src(%dma_wait3A_441 : memref<10240x128xf32, #tpu.memory_space<hbm>>) dst(%arg9 : memref<64x128xf32, #tpu.memory_space<vmem>>)
      %dma_start3A_442 = arith.constant 0 : i32
      %dma_start3A_443 = tpu.memref_slice %arg8[%add3A_431, %dma_start3A_442] : memref<40x64xi32, #tpu.memory_space<vmem>> -> memref<1x64xi32, #tpu.memory_space<vmem>>
      %dma_start3A_444 = tpu.memref_squeeze %dma_start3A_443 : memref<1x64xi32, #tpu.memory_space<vmem>> -> memref<64xi32, #tpu.memory_space<vmem>>
      %dma_start3A_445 = arith.constant 0 : i32
      %dma_start3A_446 = arith.constant 0 : i32
      %dma_start3A_447 = tpu.memref_slice %arg13[%dma_start3A_445, %dma_start3A_446] : memref<10240x128xf32, #tpu.memory_space<vmem_shared>> -> memref<10240x128xf32, #tpu.memory_space<vmem_shared>>
      tpu.enqueue_indirect_dma source(%arg9 : memref<64x128xf32, #tpu.memory_space<vmem>>) target(%dma_start3A_447 : memref<10240x128xf32, #tpu.memory_space<vmem_shared>>) offsets(%dma_start3A_444 : memref<64xi32, #tpu.memory_space<vmem>>) semaphore(%arg18 : memref<!tpu.dma_semaphore, #tpu.memory_space<semaphore_mem>>) {add = true}
      %mul3A_448 = arith.constant 4 : i32
      %mul3A_449 = arith.muli %scan3A_427, %mul3A_448 : i32
      %add3A_450 = arith.constant 1 : i32
      %add3A_451 = arith.addi %mul3A_449, %add3A_450 : i32
      %add3A_452 = arith.constant 2 : i32
      %add3A_453 = arith.addi %add3A_451, %add3A_452 : i32
      %lt3A_454 = arith.constant 40 : i32
      %lt3A_455 = arith.cmpi slt, %add3A_453, %lt3A_454 : i32
      %convert_element_type3A_456 = arith.extui %lt3A_455 : i1 to i32
      %cond3A_457 = arith.constant 0 : i32
      %cond3A_458 = arith.cmpi ne, %convert_element_type3A_456, %cond3A_457 : i32
      scf.if %cond3A_458 {
        %ge3A = arith.constant 2 : i32
        %ge3A_517 = arith.cmpi sge, %add3A_451, %ge3A : i32
        %convert_element_type3A_518 = arith.extui %ge3A_517 : i1 to i32
        %cond3A_519 = arith.constant 0 : i32
        %cond3A_520 = arith.cmpi ne, %convert_element_type3A_518, %cond3A_519 : i32
        scf.if %cond3A_520 {
          %sub3A = arith.constant 2 : i32
          %sub3A_527 = arith.subi %add3A_451, %sub3A : i32
          %dma_wait3A_528 = arith.constant 0 : i32
          %dma_wait3A_529 = tpu.memref_slice %arg8[%sub3A_527, %dma_wait3A_528] : memref<40x64xi32, #tpu.memory_space<vmem>> -> memref<1x64xi32, #tpu.memory_space<vmem>>
          %dma_wait3A_530 = tpu.memref_squeeze %dma_wait3A_529 : memref<1x64xi32, #tpu.memory_space<vmem>> -> memref<64xi32, #tpu.memory_space<vmem>>
          %dma_wait3A_531 = arith.constant 0 : i32
          %dma_wait3A_532 = arith.constant 0 : i32
          %dma_wait3A_533 = tpu.memref_slice %arg13[%dma_wait3A_531, %dma_wait3A_532] : memref<10240x128xf32, #tpu.memory_space<vmem_shared>> -> memref<10240x128xf32, #tpu.memory_space<vmem_shared>>
          tpu.wait_indirect_dma semaphore(%arg21 : memref<!tpu.dma_semaphore, #tpu.memory_space<semaphore_mem>>) src(%arg12 : memref<64x128xf32, #tpu.memory_space<vmem>>) dst(%dma_wait3A_533 : memref<10240x128xf32, #tpu.memory_space<vmem_shared>>)
        } else {
        }
        %dma_start3A_521 = arith.constant 0 : i32
        %dma_start3A_522 = tpu.memref_slice %arg7[%add3A_453, %dma_start3A_521] : memref<40x64xi32, #tpu.memory_space<vmem>> -> memref<1x64xi32, #tpu.memory_space<vmem>>
        %dma_start3A_523 = tpu.memref_squeeze %dma_start3A_522 : memref<1x64xi32, #tpu.memory_space<vmem>> -> memref<64xi32, #tpu.memory_space<vmem>>
        %dma_start3A_524 = arith.constant 0 : i32
        %dma_start3A_525 = arith.constant 0 : i32
        %dma_start3A_526 = tpu.memref_slice %arg2[%dma_start3A_524, %dma_start3A_525] : memref<10240x128xf32, #tpu.memory_space<hbm>> -> memref<10240x128xf32, #tpu.memory_space<hbm>>
        tpu.enqueue_indirect_dma source(%dma_start3A_526 : memref<10240x128xf32, #tpu.memory_space<hbm>>) target(%arg12 : memref<64x128xf32, #tpu.memory_space<vmem>>) offsets(%dma_start3A_523 : memref<64xi32, #tpu.memory_space<vmem>>) semaphore(%arg17 : memref<!tpu.dma_semaphore, #tpu.memory_space<semaphore_mem>>)
      } else {
      }
      %dma_wait3A_459 = arith.constant 0 : i32
      %dma_wait3A_460 = tpu.memref_slice %arg7[%add3A_451, %dma_wait3A_459] : memref<40x64xi32, #tpu.memory_space<vmem>> -> memref<1x64xi32, #tpu.memory_space<vmem>>
      %dma_wait3A_461 = tpu.memref_squeeze %dma_wait3A_460 : memref<1x64xi32, #tpu.memory_space<vmem>> -> memref<64xi32, #tpu.memory_space<vmem>>
      %dma_wait3A_462 = arith.constant 0 : i32
      %dma_wait3A_463 = arith.constant 0 : i32
      %dma_wait3A_464 = tpu.memref_slice %arg2[%dma_wait3A_462, %dma_wait3A_463] : memref<10240x128xf32, #tpu.memory_space<hbm>> -> memref<10240x128xf32, #tpu.memory_space<hbm>>
      tpu.wait_indirect_dma semaphore(%arg15 : memref<!tpu.dma_semaphore, #tpu.memory_space<semaphore_mem>>) src(%dma_wait3A_464 : memref<10240x128xf32, #tpu.memory_space<hbm>>) dst(%arg10 : memref<64x128xf32, #tpu.memory_space<vmem>>)
      %dma_start3A_465 = arith.constant 0 : i32
      %dma_start3A_466 = tpu.memref_slice %arg8[%add3A_451, %dma_start3A_465] : memref<40x64xi32, #tpu.memory_space<vmem>> -> memref<1x64xi32, #tpu.memory_space<vmem>>
      %dma_start3A_467 = tpu.memref_squeeze %dma_start3A_466 : memref<1x64xi32, #tpu.memory_space<vmem>> -> memref<64xi32, #tpu.memory_space<vmem>>
      %dma_start3A_468 = arith.constant 0 : i32
      %dma_start3A_469 = arith.constant 0 : i32
      %dma_start3A_470 = tpu.memref_slice %arg13[%dma_start3A_468, %dma_start3A_469] : memref<10240x128xf32, #tpu.memory_space<vmem_shared>> -> memref<10240x128xf32, #tpu.memory_space<vmem_shared>>
      tpu.enqueue_indirect_dma source(%arg10 : memref<64x128xf32, #tpu.memory_space<vmem>>) target(%dma_start3A_470 : memref<10240x128xf32, #tpu.memory_space<vmem_shared>>) offsets(%dma_start3A_467 : memref<64xi32, #tpu.memory_space<vmem>>) semaphore(%arg19 : memref<!tpu.dma_semaphore, #tpu.memory_space<semaphore_mem>>) {add = true}
      %mul3A_471 = arith.constant 4 : i32
      %mul3A_472 = arith.muli %scan3A_427, %mul3A_471 : i32
      %add3A_473 = arith.constant 2 : i32
      %add3A_474 = arith.addi %mul3A_472, %add3A_473 : i32
      %add3A_475 = arith.constant 2 : i32
      %add3A_476 = arith.addi %add3A_474, %add3A_475 : i32
      %lt3A_477 = arith.constant 40 : i32
      %lt3A_478 = arith.cmpi slt, %add3A_476, %lt3A_477 : i32
      %convert_element_type3A_479 = arith.extui %lt3A_478 : i1 to i32
      %cond3A_480 = arith.constant 0 : i32
      %cond3A_481 = arith.cmpi ne, %convert_element_type3A_479, %cond3A_480 : i32
      scf.if %cond3A_481 {
        %ge3A = arith.constant 2 : i32
        %ge3A_517 = arith.cmpi sge, %add3A_474, %ge3A : i32
        %convert_element_type3A_518 = arith.extui %ge3A_517 : i1 to i32
        %cond3A_519 = arith.constant 0 : i32
        %cond3A_520 = arith.cmpi ne, %convert_element_type3A_518, %cond3A_519 : i32
        scf.if %cond3A_520 {
          %sub3A = arith.constant 2 : i32
          %sub3A_527 = arith.subi %add3A_474, %sub3A : i32
          %dma_wait3A_528 = arith.constant 0 : i32
          %dma_wait3A_529 = tpu.memref_slice %arg8[%sub3A_527, %dma_wait3A_528] : memref<40x64xi32, #tpu.memory_space<vmem>> -> memref<1x64xi32, #tpu.memory_space<vmem>>
          %dma_wait3A_530 = tpu.memref_squeeze %dma_wait3A_529 : memref<1x64xi32, #tpu.memory_space<vmem>> -> memref<64xi32, #tpu.memory_space<vmem>>
          %dma_wait3A_531 = arith.constant 0 : i32
          %dma_wait3A_532 = arith.constant 0 : i32
          %dma_wait3A_533 = tpu.memref_slice %arg13[%dma_wait3A_531, %dma_wait3A_532] : memref<10240x128xf32, #tpu.memory_space<vmem_shared>> -> memref<10240x128xf32, #tpu.memory_space<vmem_shared>>
          tpu.wait_indirect_dma semaphore(%arg18 : memref<!tpu.dma_semaphore, #tpu.memory_space<semaphore_mem>>) src(%arg9 : memref<64x128xf32, #tpu.memory_space<vmem>>) dst(%dma_wait3A_533 : memref<10240x128xf32, #tpu.memory_space<vmem_shared>>)
        } else {
        }
        %dma_start3A_521 = arith.constant 0 : i32
        %dma_start3A_522 = tpu.memref_slice %arg7[%add3A_476, %dma_start3A_521] : memref<40x64xi32, #tpu.memory_space<vmem>> -> memref<1x64xi32, #tpu.memory_space<vmem>>
        %dma_start3A_523 = tpu.memref_squeeze %dma_start3A_522 : memref<1x64xi32, #tpu.memory_space<vmem>> -> memref<64xi32, #tpu.memory_space<vmem>>
        %dma_start3A_524 = arith.constant 0 : i32
        %dma_start3A_525 = arith.constant 0 : i32
        %dma_start3A_526 = tpu.memref_slice %arg2[%dma_start3A_524, %dma_start3A_525] : memref<10240x128xf32, #tpu.memory_space<hbm>> -> memref<10240x128xf32, #tpu.memory_space<hbm>>
        tpu.enqueue_indirect_dma source(%dma_start3A_526 : memref<10240x128xf32, #tpu.memory_space<hbm>>) target(%arg9 : memref<64x128xf32, #tpu.memory_space<vmem>>) offsets(%dma_start3A_523 : memref<64xi32, #tpu.memory_space<vmem>>) semaphore(%arg14 : memref<!tpu.dma_semaphore, #tpu.memory_space<semaphore_mem>>)
      } else {
      }
      %dma_wait3A_482 = arith.constant 0 : i32
      %dma_wait3A_483 = tpu.memref_slice %arg7[%add3A_474, %dma_wait3A_482] : memref<40x64xi32, #tpu.memory_space<vmem>> -> memref<1x64xi32, #tpu.memory_space<vmem>>
      %dma_wait3A_484 = tpu.memref_squeeze %dma_wait3A_483 : memref<1x64xi32, #tpu.memory_space<vmem>> -> memref<64xi32, #tpu.memory_space<vmem>>
      %dma_wait3A_485 = arith.constant 0 : i32
      %dma_wait3A_486 = arith.constant 0 : i32
      %dma_wait3A_487 = tpu.memref_slice %arg2[%dma_wait3A_485, %dma_wait3A_486] : memref<10240x128xf32, #tpu.memory_space<hbm>> -> memref<10240x128xf32, #tpu.memory_space<hbm>>
      tpu.wait_indirect_dma semaphore(%arg16 : memref<!tpu.dma_semaphore, #tpu.memory_space<semaphore_mem>>) src(%dma_wait3A_487 : memref<10240x128xf32, #tpu.memory_space<hbm>>) dst(%arg11 : memref<64x128xf32, #tpu.memory_space<vmem>>)
      %dma_start3A_488 = arith.constant 0 : i32
      %dma_start3A_489 = tpu.memref_slice %arg8[%add3A_474, %dma_start3A_488] : memref<40x64xi32, #tpu.memory_space<vmem>> -> memref<1x64xi32, #tpu.memory_space<vmem>>
      %dma_start3A_490 = tpu.memref_squeeze %dma_start3A_489 : memref<1x64xi32, #tpu.memory_space<vmem>> -> memref<64xi32, #tpu.memory_space<vmem>>
      %dma_start3A_491 = arith.constant 0 : i32
      %dma_start3A_492 = arith.constant 0 : i32
      %dma_start3A_493 = tpu.memref_slice %arg13[%dma_start3A_491, %dma_start3A_492] : memref<10240x128xf32, #tpu.memory_space<vmem_shared>> -> memref<10240x128xf32, #tpu.memory_space<vmem_shared>>
      tpu.enqueue_indirect_dma source(%arg11 : memref<64x128xf32, #tpu.memory_space<vmem>>) target(%dma_start3A_493 : memref<10240x128xf32, #tpu.memory_space<vmem_shared>>) offsets(%dma_start3A_490 : memref<64xi32, #tpu.memory_space<vmem>>) semaphore(%arg20 : memref<!tpu.dma_semaphore, #tpu.memory_space<semaphore_mem>>) {add = true}
      %mul3A_494 = arith.constant 4 : i32
      %mul3A_495 = arith.muli %scan3A_427, %mul3A_494 : i32
      %add3A_496 = arith.constant 3 : i32
      %add3A_497 = arith.addi %mul3A_495, %add3A_496 : i32
      %add3A_498 = arith.constant 2 : i32
      %add3A_499 = arith.addi %add3A_497, %add3A_498 : i32
      %lt3A_500 = arith.constant 40 : i32
      %lt3A_501 = arith.cmpi slt, %add3A_499, %lt3A_500 : i32
      %convert_element_type3A_502 = arith.extui %lt3A_501 : i1 to i32
      %cond3A_503 = arith.constant 0 : i32
      %cond3A_504 = arith.cmpi ne, %convert_element_type3A_502, %cond3A_503 : i32
      scf.if %cond3A_504 {
        %ge3A = arith.constant 2 : i32
        %ge3A_517 = arith.cmpi sge, %add3A_497, %ge3A : i32
        %convert_element_type3A_518 = arith.extui %ge3A_517 : i1 to i32
        %cond3A_519 = arith.constant 0 : i32
        %cond3A_520 = arith.cmpi ne, %convert_element_type3A_518, %cond3A_519 : i32
        scf.if %cond3A_520 {
          %sub3A = arith.constant 2 : i32
          %sub3A_527 = arith.subi %add3A_497, %sub3A : i32
          %dma_wait3A_528 = arith.constant 0 : i32
          %dma_wait3A_529 = tpu.memref_slice %arg8[%sub3A_527, %dma_wait3A_528] : memref<40x64xi32, #tpu.memory_space<vmem>> -> memref<1x64xi32, #tpu.memory_space<vmem>>
          %dma_wait3A_530 = tpu.memref_squeeze %dma_wait3A_529 : memref<1x64xi32, #tpu.memory_space<vmem>> -> memref<64xi32, #tpu.memory_space<vmem>>
          %dma_wait3A_531 = arith.constant 0 : i32
          %dma_wait3A_532 = arith.constant 0 : i32
          %dma_wait3A_533 = tpu.memref_slice %arg13[%dma_wait3A_531, %dma_wait3A_532] : memref<10240x128xf32, #tpu.memory_space<vmem_shared>> -> memref<10240x128xf32, #tpu.memory_space<vmem_shared>>
          tpu.wait_indirect_dma semaphore(%arg19 : memref<!tpu.dma_semaphore, #tpu.memory_space<semaphore_mem>>) src(%arg10 : memref<64x128xf32, #tpu.memory_space<vmem>>) dst(%dma_wait3A_533 : memref<10240x128xf32, #tpu.memory_space<vmem_shared>>)
        } else {
        }
        %dma_start3A_521 = arith.constant 0 : i32
        %dma_start3A_522 = tpu.memref_slice %arg7[%add3A_499, %dma_start3A_521] : memref<40x64xi32, #tpu.memory_space<vmem>> -> memref<1x64xi32, #tpu.memory_space<vmem>>
        %dma_start3A_523 = tpu.memref_squeeze %dma_start3A_522 : memref<1x64xi32, #tpu.memory_space<vmem>> -> memref<64xi32, #tpu.memory_space<vmem>>
        %dma_start3A_524 = arith.constant 0 : i32
        %dma_start3A_525 = arith.constant 0 : i32
        %dma_start3A_526 = tpu.memref_slice %arg2[%dma_start3A_524, %dma_start3A_525] : memref<10240x128xf32, #tpu.memory_space<hbm>> -> memref<10240x128xf32, #tpu.memory_space<hbm>>
        tpu.enqueue_indirect_dma source(%dma_start3A_526 : memref<10240x128xf32, #tpu.memory_space<hbm>>) target(%arg10 : memref<64x128xf32, #tpu.memory_space<vmem>>) offsets(%dma_start3A_523 : memref<64xi32, #tpu.memory_space<vmem>>) semaphore(%arg15 : memref<!tpu.dma_semaphore, #tpu.memory_space<semaphore_mem>>)
      } else {
      }
      %dma_wait3A_505 = arith.constant 0 : i32
      %dma_wait3A_506 = tpu.memref_slice %arg7[%add3A_497, %dma_wait3A_505] : memref<40x64xi32, #tpu.memory_space<vmem>> -> memref<1x64xi32, #tpu.memory_space<vmem>>
      %dma_wait3A_507 = tpu.memref_squeeze %dma_wait3A_506 : memref<1x64xi32, #tpu.memory_space<vmem>> -> memref<64xi32, #tpu.memory_space<vmem>>
      %dma_wait3A_508 = arith.constant 0 : i32
      %dma_wait3A_509 = arith.constant 0 : i32
      %dma_wait3A_510 = tpu.memref_slice %arg2[%dma_wait3A_508, %dma_wait3A_509] : memref<10240x128xf32, #tpu.memory_space<hbm>> -> memref<10240x128xf32, #tpu.memory_space<hbm>>
      tpu.wait_indirect_dma semaphore(%arg17 : memref<!tpu.dma_semaphore, #tpu.memory_space<semaphore_mem>>) src(%dma_wait3A_510 : memref<10240x128xf32, #tpu.memory_space<hbm>>) dst(%arg12 : memref<64x128xf32, #tpu.memory_space<vmem>>)
      %dma_start3A_511 = arith.constant 0 : i32
      %dma_start3A_512 = tpu.memref_slice %arg8[%add3A_497, %dma_start3A_511] : memref<40x64xi32, #tpu.memory_space<vmem>> -> memref<1x64xi32, #tpu.memory_space<vmem>>
      %dma_start3A_513 = tpu.memref_squeeze %dma_start3A_512 : memref<1x64xi32, #tpu.memory_space<vmem>> -> memref<64xi32, #tpu.memory_space<vmem>>
      %dma_start3A_514 = arith.constant 0 : i32
      %dma_start3A_515 = arith.constant 0 : i32
      %dma_start3A_516 = tpu.memref_slice %arg13[%dma_start3A_514, %dma_start3A_515] : memref<10240x128xf32, #tpu.memory_space<vmem_shared>> -> memref<10240x128xf32, #tpu.memory_space<vmem_shared>>
      tpu.enqueue_indirect_dma source(%arg12 : memref<64x128xf32, #tpu.memory_space<vmem>>) target(%dma_start3A_516 : memref<10240x128xf32, #tpu.memory_space<vmem_shared>>) offsets(%dma_start3A_513 : memref<64xi32, #tpu.memory_space<vmem>>) semaphore(%arg21 : memref<!tpu.dma_semaphore, #tpu.memory_space<semaphore_mem>>) {add = true}
    }
    %scan3A_81 = arith.constant 10 : i32
    %dma_wait3A_82 = arith.constant 36 : i32
    %dma_wait3A_83 = arith.constant 0 : i32
    %dma_wait3A_84 = tpu.memref_slice %arg8[%dma_wait3A_82, %dma_wait3A_83] : memref<40x64xi32, #tpu.memory_space<vmem>> -> memref<1x64xi32, #tpu.memory_space<vmem>>
    %dma_wait3A_85 = tpu.memref_squeeze %dma_wait3A_84 : memref<1x64xi32, #tpu.memory_space<vmem>> -> memref<64xi32, #tpu.memory_space<vmem>>
    %dma_wait3A_86 = arith.constant 0 : i32
    %dma_wait3A_87 = arith.constant 0 : i32
    %dma_wait3A_88 = tpu.memref_slice %arg13[%dma_wait3A_86, %dma_wait3A_87] : memref<10240x128xf32, #tpu.memory_space<vmem_shared>> -> memref<10240x128xf32, #tpu.memory_space<vmem_shared>>
    tpu.wait_indirect_dma semaphore(%arg18 : memref<!tpu.dma_semaphore, #tpu.memory_space<semaphore_mem>>) src(%arg9 : memref<64x128xf32, #tpu.memory_space<vmem>>) dst(%dma_wait3A_88 : memref<10240x128xf32, #tpu.memory_space<vmem_shared>>)
    %dma_wait3A_89 = arith.constant 37 : i32
    %dma_wait3A_90 = arith.constant 0 : i32
    %dma_wait3A_91 = tpu.memref_slice %arg8[%dma_wait3A_89, %dma_wait3A_90] : memref<40x64xi32, #tpu.memory_space<vmem>> -> memref<1x64xi32, #tpu.memory_space<vmem>>
    %dma_wait3A_92 = tpu.memref_squeeze %dma_wait3A_91 : memref<1x64xi32, #tpu.memory_space<vmem>> -> memref<64xi32, #tpu.memory_space<vmem>>
    %dma_wait3A_93 = arith.constant 0 : i32
    %dma_wait3A_94 = arith.constant 0 : i32
    %dma_wait3A_95 = tpu.memref_slice %arg13[%dma_wait3A_93, %dma_wait3A_94] : memref<10240x128xf32, #tpu.memory_space<vmem_shared>> -> memref<10240x128xf32, #tpu.memory_space<vmem_shared>>
    tpu.wait_indirect_dma semaphore(%arg19 : memref<!tpu.dma_semaphore, #tpu.memory_space<semaphore_mem>>) src(%arg10 : memref<64x128xf32, #tpu.memory_space<vmem>>) dst(%dma_wait3A_95 : memref<10240x128xf32, #tpu.memory_space<vmem_shared>>)
    %dma_wait3A_96 = arith.constant 38 : i32
    %dma_wait3A_97 = arith.constant 0 : i32
    %dma_wait3A_98 = tpu.memref_slice %arg8[%dma_wait3A_96, %dma_wait3A_97] : memref<40x64xi32, #tpu.memory_space<vmem>> -> memref<1x64xi32, #tpu.memory_space<vmem>>
    %dma_wait3A_99 = tpu.memref_squeeze %dma_wait3A_98 : memref<1x64xi32, #tpu.memory_space<vmem>> -> memref<64xi32, #tpu.memory_space<vmem>>
    %dma_wait3A_100 = arith.constant 0 : i32
    %dma_wait3A_101 = arith.constant 0 : i32
    %dma_wait3A_102 = tpu.memref_slice %arg13[%dma_wait3A_100, %dma_wait3A_101] : memref<10240x128xf32, #tpu.memory_space<vmem_shared>> -> memref<10240x128xf32, #tpu.memory_space<vmem_shared>>
    tpu.wait_indirect_dma semaphore(%arg20 : memref<!tpu.dma_semaphore, #tpu.memory_space<semaphore_mem>>) src(%arg11 : memref<64x128xf32, #tpu.memory_space<vmem>>) dst(%dma_wait3A_102 : memref<10240x128xf32, #tpu.memory_space<vmem_shared>>)
    %dma_wait3A_103 = arith.constant 39 : i32
    %dma_wait3A_104 = arith.constant 0 : i32
    %dma_wait3A_105 = tpu.memref_slice %arg8[%dma_wait3A_103, %dma_wait3A_104] : memref<40x64xi32, #tpu.memory_space<vmem>> -> memref<1x64xi32, #tpu.memory_space<vmem>>
    %dma_wait3A_106 = tpu.memref_squeeze %dma_wait3A_105 : memref<1x64xi32, #tpu.memory_space<vmem>> -> memref<64xi32, #tpu.memory_space<vmem>>
    %dma_wait3A_107 = arith.constant 0 : i32
    %dma_wait3A_108 = arith.constant 0 : i32
    %dma_wait3A_109 = tpu.memref_slice %arg13[%dma_wait3A_107, %dma_wait3A_108] : memref<10240x128xf32, #tpu.memory_space<vmem_shared>> -> memref<10240x128xf32, #tpu.memory_space<vmem_shared>>
    tpu.wait_indirect_dma semaphore(%arg21 : memref<!tpu.dma_semaphore, #tpu.memory_space<semaphore_mem>>) src(%arg12 : memref<64x128xf32, #tpu.memory_space<vmem>>) dst(%dma_wait3A_109 : memref<10240x128xf32, #tpu.memory_space<vmem_shared>>)
    %dma_start3A_110 = arith.constant 0 : i32
    %dma_start3A_111 = arith.constant 0 : i32
    %dma_start3A_112 = tpu.memref_slice %arg3[%add3A, %dma_start3A_110, %dma_start3A_111] : memref<32x160x64xi32, #tpu.memory_space<hbm>> -> memref<1x160x64xi32, #tpu.memory_space<hbm>>
    %dma_start3A_113 = tpu.memref_squeeze %dma_start3A_112 : memref<1x160x64xi32, #tpu.memory_space<hbm>> -> memref<160x64xi32, #tpu.memory_space<hbm>>
    %dma_start3A_114 = arith.constant 40 : i32
    %dma_start3A_115 = arith.constant 0 : i32
    %dma_start3A_116 = tpu.memref_slice %dma_start3A_113[%dma_start3A_114, %dma_start3A_115] : memref<160x64xi32, #tpu.memory_space<hbm>> -> memref<40x64xi32, #tpu.memory_space<hbm>>
    %dma_start3A_117 = arith.constant 0 : i32
    %dma_start3A_118 = arith.constant 0 : i32
    %dma_start3A_119 = tpu.memref_slice %arg3[%add3A, %dma_start3A_117, %dma_start3A_118] : memref<32x160x64xi32, #tpu.memory_space<hbm>> -> memref<1x160x64xi32, #tpu.memory_space<hbm>>
    %dma_start3A_120 = tpu.memref_squeeze %dma_start3A_119 : memref<1x160x64xi32, #tpu.memory_space<hbm>> -> memref<160x64xi32, #tpu.memory_space<hbm>>
    %dma_start3A_121 = arith.constant 40 : i32
    %dma_start3A_122 = arith.constant 0 : i32
    %dma_start3A_123 = tpu.memref_slice %dma_start3A_120[%dma_start3A_121, %dma_start3A_122] : memref<160x64xi32, #tpu.memory_space<hbm>> -> memref<40x64xi32, #tpu.memory_space<hbm>>
    tpu.enqueue_dma source(%dma_start3A_123 : memref<40x64xi32, #tpu.memory_space<hbm>>) target(%arg7 : memref<40x64xi32, #tpu.memory_space<vmem>>) target_semaphore(%arg23 : memref<!tpu.dma_semaphore, #tpu.memory_space<semaphore_mem>>)
    %dma_start3A_124 = arith.constant 0 : i32
    %dma_start3A_125 = arith.constant 0 : i32
    %dma_start3A_126 = tpu.memref_slice %arg4[%add3A, %dma_start3A_124, %dma_start3A_125] : memref<32x160x64xi32, #tpu.memory_space<hbm>> -> memref<1x160x64xi32, #tpu.memory_space<hbm>>
    %dma_start3A_127 = tpu.memref_squeeze %dma_start3A_126 : memref<1x160x64xi32, #tpu.memory_space<hbm>> -> memref<160x64xi32, #tpu.memory_space<hbm>>
    %dma_start3A_128 = arith.constant 40 : i32
    %dma_start3A_129 = arith.constant 0 : i32
    %dma_start3A_130 = tpu.memref_slice %dma_start3A_127[%dma_start3A_128, %dma_start3A_129] : memref<160x64xi32, #tpu.memory_space<hbm>> -> memref<40x64xi32, #tpu.memory_space<hbm>>
    %dma_start3A_131 = arith.constant 0 : i32
    %dma_start3A_132 = arith.constant 0 : i32
    %dma_start3A_133 = tpu.memref_slice %arg4[%add3A, %dma_start3A_131, %dma_start3A_132] : memref<32x160x64xi32, #tpu.memory_space<hbm>> -> memref<1x160x64xi32, #tpu.memory_space<hbm>>
    %dma_start3A_134 = tpu.memref_squeeze %dma_start3A_133 : memref<1x160x64xi32, #tpu.memory_space<hbm>> -> memref<160x64xi32, #tpu.memory_space<hbm>>
    %dma_start3A_135 = arith.constant 40 : i32
    %dma_start3A_136 = arith.constant 0 : i32
    %dma_start3A_137 = tpu.memref_slice %dma_start3A_134[%dma_start3A_135, %dma_start3A_136] : memref<160x64xi32, #tpu.memory_space<hbm>> -> memref<40x64xi32, #tpu.memory_space<hbm>>
    tpu.enqueue_dma source(%dma_start3A_137 : memref<40x64xi32, #tpu.memory_space<hbm>>) target(%arg8 : memref<40x64xi32, #tpu.memory_space<vmem>>) target_semaphore(%arg23 : memref<!tpu.dma_semaphore, #tpu.memory_space<semaphore_mem>>)
    %dma_wait3A_138 = arith.constant 0 : i32
    %dma_wait3A_139 = arith.constant 0 : i32
    %dma_wait3A_140 = tpu.memref_slice %arg3[%add3A, %dma_wait3A_138, %dma_wait3A_139] : memref<32x160x64xi32, #tpu.memory_space<hbm>> -> memref<1x160x64xi32, #tpu.memory_space<hbm>>
    %dma_wait3A_141 = tpu.memref_squeeze %dma_wait3A_140 : memref<1x160x64xi32, #tpu.memory_space<hbm>> -> memref<160x64xi32, #tpu.memory_space<hbm>>
    %dma_wait3A_142 = arith.constant 40 : i32
    %dma_wait3A_143 = arith.constant 0 : i32
    %dma_wait3A_144 = tpu.memref_slice %dma_wait3A_141[%dma_wait3A_142, %dma_wait3A_143] : memref<160x64xi32, #tpu.memory_space<hbm>> -> memref<40x64xi32, #tpu.memory_space<hbm>>
    %dma_wait3A_145 = arith.constant 0 : i32
    %dma_wait3A_146 = arith.constant 0 : i32
    %dma_wait3A_147 = tpu.memref_slice %arg3[%add3A, %dma_wait3A_145, %dma_wait3A_146] : memref<32x160x64xi32, #tpu.memory_space<hbm>> -> memref<1x160x64xi32, #tpu.memory_space<hbm>>
    %dma_wait3A_148 = tpu.memref_squeeze %dma_wait3A_147 : memref<1x160x64xi32, #tpu.memory_space<hbm>> -> memref<160x64xi32, #tpu.memory_space<hbm>>
    %dma_wait3A_149 = arith.constant 40 : i32
    %dma_wait3A_150 = arith.constant 0 : i32
    %dma_wait3A_151 = tpu.memref_slice %dma_wait3A_148[%dma_wait3A_149, %dma_wait3A_150] : memref<160x64xi32, #tpu.memory_space<hbm>> -> memref<40x64xi32, #tpu.memory_space<hbm>>
    tpu.wait_dma2 semaphore(%arg23 : memref<!tpu.dma_semaphore, #tpu.memory_space<semaphore_mem>>) src(%dma_wait3A_151 : memref<40x64xi32, #tpu.memory_space<hbm>>) dst(%arg7 : memref<40x64xi32, #tpu.memory_space<vmem>>)
    %dma_wait3A_152 = arith.constant 0 : i32
    %dma_wait3A_153 = arith.constant 0 : i32
    %dma_wait3A_154 = tpu.memref_slice %arg4[%add3A, %dma_wait3A_152, %dma_wait3A_153] : memref<32x160x64xi32, #tpu.memory_space<hbm>> -> memref<1x160x64xi32, #tpu.memory_space<hbm>>
    %dma_wait3A_155 = tpu.memref_squeeze %dma_wait3A_154 : memref<1x160x64xi32, #tpu.memory_space<hbm>> -> memref<160x64xi32, #tpu.memory_space<hbm>>
    %dma_wait3A_156 = arith.constant 40 : i32
    %dma_wait3A_157 = arith.constant 0 : i32
    %dma_wait3A_158 = tpu.memref_slice %dma_wait3A_155[%dma_wait3A_156, %dma_wait3A_157] : memref<160x64xi32, #tpu.memory_space<hbm>> -> memref<40x64xi32, #tpu.memory_space<hbm>>
    %dma_wait3A_159 = arith.constant 0 : i32
    %dma_wait3A_160 = arith.constant 0 : i32
    %dma_wait3A_161 = tpu.memref_slice %arg4[%add3A, %dma_wait3A_159, %dma_wait3A_160] : memref<32x160x64xi32, #tpu.memory_space<hbm>> -> memref<1x160x64xi32, #tpu.memory_space<hbm>>
    %dma_wait3A_162 = tpu.memref_squeeze %dma_wait3A_161 : memref<1x160x64xi32, #tpu.memory_space<hbm>> -> memref<160x64xi32, #tpu.memory_space<hbm>>
    %dma_wait3A_163 = arith.constant 40 : i32
    %dma_wait3A_164 = arith.constant 0 : i32
    %dma_wait3A_165 = tpu.memref_slice %dma_wait3A_162[%dma_wait3A_163, %dma_wait3A_164] : memref<160x64xi32, #tpu.memory_space<hbm>> -> memref<40x64xi32, #tpu.memory_space<hbm>>
    tpu.wait_dma2 semaphore(%arg23 : memref<!tpu.dma_semaphore, #tpu.memory_space<semaphore_mem>>) src(%dma_wait3A_165 : memref<40x64xi32, #tpu.memory_space<hbm>>) dst(%arg8 : memref<40x64xi32, #tpu.memory_space<vmem>>)
    %dma_start3A_166 = arith.constant 0 : i32
    %dma_start3A_167 = arith.constant 0 : i32
    %dma_start3A_168 = tpu.memref_slice %arg7[%dma_start3A_166, %dma_start3A_167] : memref<40x64xi32, #tpu.memory_space<vmem>> -> memref<1x64xi32, #tpu.memory_space<vmem>>
    %dma_start3A_169 = tpu.memref_squeeze %dma_start3A_168 : memref<1x64xi32, #tpu.memory_space<vmem>> -> memref<64xi32, #tpu.memory_space<vmem>>
    %dma_start3A_170 = arith.constant 0 : i32
    %dma_start3A_171 = arith.constant 0 : i32
    %dma_start3A_172 = tpu.memref_slice %arg2[%dma_start3A_170, %dma_start3A_171] : memref<10240x128xf32, #tpu.memory_space<hbm>> -> memref<10240x128xf32, #tpu.memory_space<hbm>>
    tpu.enqueue_indirect_dma source(%dma_start3A_172 : memref<10240x128xf32, #tpu.memory_space<hbm>>) target(%arg9 : memref<64x128xf32, #tpu.memory_space<vmem>>) offsets(%dma_start3A_169 : memref<64xi32, #tpu.memory_space<vmem>>) semaphore(%arg14 : memref<!tpu.dma_semaphore, #tpu.memory_space<semaphore_mem>>)
    %dma_start3A_173 = arith.constant 1 : i32
    %dma_start3A_174 = arith.constant 0 : i32
    %dma_start3A_175 = tpu.memref_slice %arg7[%dma_start3A_173, %dma_start3A_174] : memref<40x64xi32, #tpu.memory_space<vmem>> -> memref<1x64xi32, #tpu.memory_space<vmem>>
    %dma_start3A_176 = tpu.memref_squeeze %dma_start3A_175 : memref<1x64xi32, #tpu.memory_space<vmem>> -> memref<64xi32, #tpu.memory_space<vmem>>
    %dma_start3A_177 = arith.constant 0 : i32
    %dma_start3A_178 = arith.constant 0 : i32
    %dma_start3A_179 = tpu.memref_slice %arg2[%dma_start3A_177, %dma_start3A_178] : memref<10240x128xf32, #tpu.memory_space<hbm>> -> memref<10240x128xf32, #tpu.memory_space<hbm>>
    tpu.enqueue_indirect_dma source(%dma_start3A_179 : memref<10240x128xf32, #tpu.memory_space<hbm>>) target(%arg10 : memref<64x128xf32, #tpu.memory_space<vmem>>) offsets(%dma_start3A_176 : memref<64xi32, #tpu.memory_space<vmem>>) semaphore(%arg15 : memref<!tpu.dma_semaphore, #tpu.memory_space<semaphore_mem>>)
    %scan3A_180 = arith.constant 0 : i32
    %scan3A_181 = arith.constant 0 : i32
    %scan3A_182 = arith.constant 10 : i32
    %scan3A_183 = arith.addi %scan3A_181, %scan3A_182 : i32
    %scan3A_184 = arith.constant 1 : i32
    scf.for %scan3A_427 = %scan3A_181 to %scan3A_183 step %scan3A_184  : i32 {
      %mul3A_428 = arith.constant 4 : i32
      %mul3A_429 = arith.muli %scan3A_427, %mul3A_428 : i32
      %add3A_430 = arith.constant 0 : i32
      %add3A_431 = arith.addi %mul3A_429, %add3A_430 : i32
      %add3A_432 = arith.constant 2 : i32
      %add3A_433 = arith.addi %add3A_431, %add3A_432 : i32
      %lt3A = arith.constant 40 : i32
      %lt3A_434 = arith.cmpi slt, %add3A_433, %lt3A : i32
      %convert_element_type3A = arith.extui %lt3A_434 : i1 to i32
      %cond3A = arith.constant 0 : i32
      %cond3A_435 = arith.cmpi ne, %convert_element_type3A, %cond3A : i32
      scf.if %cond3A_435 {
        %ge3A = arith.constant 2 : i32
        %ge3A_517 = arith.cmpi sge, %add3A_431, %ge3A : i32
        %convert_element_type3A_518 = arith.extui %ge3A_517 : i1 to i32
        %cond3A_519 = arith.constant 0 : i32
        %cond3A_520 = arith.cmpi ne, %convert_element_type3A_518, %cond3A_519 : i32
        scf.if %cond3A_520 {
          %sub3A = arith.constant 2 : i32
          %sub3A_527 = arith.subi %add3A_431, %sub3A : i32
          %dma_wait3A_528 = arith.constant 0 : i32
          %dma_wait3A_529 = tpu.memref_slice %arg8[%sub3A_527, %dma_wait3A_528] : memref<40x64xi32, #tpu.memory_space<vmem>> -> memref<1x64xi32, #tpu.memory_space<vmem>>
          %dma_wait3A_530 = tpu.memref_squeeze %dma_wait3A_529 : memref<1x64xi32, #tpu.memory_space<vmem>> -> memref<64xi32, #tpu.memory_space<vmem>>
          %dma_wait3A_531 = arith.constant 0 : i32
          %dma_wait3A_532 = arith.constant 0 : i32
          %dma_wait3A_533 = tpu.memref_slice %arg13[%dma_wait3A_531, %dma_wait3A_532] : memref<10240x128xf32, #tpu.memory_space<vmem_shared>> -> memref<10240x128xf32, #tpu.memory_space<vmem_shared>>
          tpu.wait_indirect_dma semaphore(%arg20 : memref<!tpu.dma_semaphore, #tpu.memory_space<semaphore_mem>>) src(%arg11 : memref<64x128xf32, #tpu.memory_space<vmem>>) dst(%dma_wait3A_533 : memref<10240x128xf32, #tpu.memory_space<vmem_shared>>)
        } else {
        }
        %dma_start3A_521 = arith.constant 0 : i32
        %dma_start3A_522 = tpu.memref_slice %arg7[%add3A_433, %dma_start3A_521] : memref<40x64xi32, #tpu.memory_space<vmem>> -> memref<1x64xi32, #tpu.memory_space<vmem>>
        %dma_start3A_523 = tpu.memref_squeeze %dma_start3A_522 : memref<1x64xi32, #tpu.memory_space<vmem>> -> memref<64xi32, #tpu.memory_space<vmem>>
        %dma_start3A_524 = arith.constant 0 : i32
        %dma_start3A_525 = arith.constant 0 : i32
        %dma_start3A_526 = tpu.memref_slice %arg2[%dma_start3A_524, %dma_start3A_525] : memref<10240x128xf32, #tpu.memory_space<hbm>> -> memref<10240x128xf32, #tpu.memory_space<hbm>>
        tpu.enqueue_indirect_dma source(%dma_start3A_526 : memref<10240x128xf32, #tpu.memory_space<hbm>>) target(%arg11 : memref<64x128xf32, #tpu.memory_space<vmem>>) offsets(%dma_start3A_523 : memref<64xi32, #tpu.memory_space<vmem>>) semaphore(%arg16 : memref<!tpu.dma_semaphore, #tpu.memory_space<semaphore_mem>>)
      } else {
      }
      %dma_wait3A_436 = arith.constant 0 : i32
      %dma_wait3A_437 = tpu.memref_slice %arg7[%add3A_431, %dma_wait3A_436] : memref<40x64xi32, #tpu.memory_space<vmem>> -> memref<1x64xi32, #tpu.memory_space<vmem>>
      %dma_wait3A_438 = tpu.memref_squeeze %dma_wait3A_437 : memref<1x64xi32, #tpu.memory_space<vmem>> -> memref<64xi32, #tpu.memory_space<vmem>>
      %dma_wait3A_439 = arith.constant 0 : i32
      %dma_wait3A_440 = arith.constant 0 : i32
      %dma_wait3A_441 = tpu.memref_slice %arg2[%dma_wait3A_439, %dma_wait3A_440] : memref<10240x128xf32, #tpu.memory_space<hbm>> -> memref<10240x128xf32, #tpu.memory_space<hbm>>
      tpu.wait_indirect_dma semaphore(%arg14 : memref<!tpu.dma_semaphore, #tpu.memory_space<semaphore_mem>>) src(%dma_wait3A_441 : memref<10240x128xf32, #tpu.memory_space<hbm>>) dst(%arg9 : memref<64x128xf32, #tpu.memory_space<vmem>>)
      %dma_start3A_442 = arith.constant 0 : i32
      %dma_start3A_443 = tpu.memref_slice %arg8[%add3A_431, %dma_start3A_442] : memref<40x64xi32, #tpu.memory_space<vmem>> -> memref<1x64xi32, #tpu.memory_space<vmem>>
      %dma_start3A_444 = tpu.memref_squeeze %dma_start3A_443 : memref<1x64xi32, #tpu.memory_space<vmem>> -> memref<64xi32, #tpu.memory_space<vmem>>
      %dma_start3A_445 = arith.constant 0 : i32
      %dma_start3A_446 = arith.constant 0 : i32
      %dma_start3A_447 = tpu.memref_slice %arg13[%dma_start3A_445, %dma_start3A_446] : memref<10240x128xf32, #tpu.memory_space<vmem_shared>> -> memref<10240x128xf32, #tpu.memory_space<vmem_shared>>
      tpu.enqueue_indirect_dma source(%arg9 : memref<64x128xf32, #tpu.memory_space<vmem>>) target(%dma_start3A_447 : memref<10240x128xf32, #tpu.memory_space<vmem_shared>>) offsets(%dma_start3A_444 : memref<64xi32, #tpu.memory_space<vmem>>) semaphore(%arg18 : memref<!tpu.dma_semaphore, #tpu.memory_space<semaphore_mem>>) {add = true}
      %mul3A_448 = arith.constant 4 : i32
      %mul3A_449 = arith.muli %scan3A_427, %mul3A_448 : i32
      %add3A_450 = arith.constant 1 : i32
      %add3A_451 = arith.addi %mul3A_449, %add3A_450 : i32
      %add3A_452 = arith.constant 2 : i32
      %add3A_453 = arith.addi %add3A_451, %add3A_452 : i32
      %lt3A_454 = arith.constant 40 : i32
      %lt3A_455 = arith.cmpi slt, %add3A_453, %lt3A_454 : i32
      %convert_element_type3A_456 = arith.extui %lt3A_455 : i1 to i32
      %cond3A_457 = arith.constant 0 : i32
      %cond3A_458 = arith.cmpi ne, %convert_element_type3A_456, %cond3A_457 : i32
      scf.if %cond3A_458 {
        %ge3A = arith.constant 2 : i32
        %ge3A_517 = arith.cmpi sge, %add3A_451, %ge3A : i32
        %convert_element_type3A_518 = arith.extui %ge3A_517 : i1 to i32
        %cond3A_519 = arith.constant 0 : i32
        %cond3A_520 = arith.cmpi ne, %convert_element_type3A_518, %cond3A_519 : i32
        scf.if %cond3A_520 {
          %sub3A = arith.constant 2 : i32
          %sub3A_527 = arith.subi %add3A_451, %sub3A : i32
          %dma_wait3A_528 = arith.constant 0 : i32
          %dma_wait3A_529 = tpu.memref_slice %arg8[%sub3A_527, %dma_wait3A_528] : memref<40x64xi32, #tpu.memory_space<vmem>> -> memref<1x64xi32, #tpu.memory_space<vmem>>
          %dma_wait3A_530 = tpu.memref_squeeze %dma_wait3A_529 : memref<1x64xi32, #tpu.memory_space<vmem>> -> memref<64xi32, #tpu.memory_space<vmem>>
          %dma_wait3A_531 = arith.constant 0 : i32
          %dma_wait3A_532 = arith.constant 0 : i32
          %dma_wait3A_533 = tpu.memref_slice %arg13[%dma_wait3A_531, %dma_wait3A_532] : memref<10240x128xf32, #tpu.memory_space<vmem_shared>> -> memref<10240x128xf32, #tpu.memory_space<vmem_shared>>
          tpu.wait_indirect_dma semaphore(%arg21 : memref<!tpu.dma_semaphore, #tpu.memory_space<semaphore_mem>>) src(%arg12 : memref<64x128xf32, #tpu.memory_space<vmem>>) dst(%dma_wait3A_533 : memref<10240x128xf32, #tpu.memory_space<vmem_shared>>)
        } else {
        }
        %dma_start3A_521 = arith.constant 0 : i32
        %dma_start3A_522 = tpu.memref_slice %arg7[%add3A_453, %dma_start3A_521] : memref<40x64xi32, #tpu.memory_space<vmem>> -> memref<1x64xi32, #tpu.memory_space<vmem>>
        %dma_start3A_523 = tpu.memref_squeeze %dma_start3A_522 : memref<1x64xi32, #tpu.memory_space<vmem>> -> memref<64xi32, #tpu.memory_space<vmem>>
        %dma_start3A_524 = arith.constant 0 : i32
        %dma_start3A_525 = arith.constant 0 : i32
        %dma_start3A_526 = tpu.memref_slice %arg2[%dma_start3A_524, %dma_start3A_525] : memref<10240x128xf32, #tpu.memory_space<hbm>> -> memref<10240x128xf32, #tpu.memory_space<hbm>>
        tpu.enqueue_indirect_dma source(%dma_start3A_526 : memref<10240x128xf32, #tpu.memory_space<hbm>>) target(%arg12 : memref<64x128xf32, #tpu.memory_space<vmem>>) offsets(%dma_start3A_523 : memref<64xi32, #tpu.memory_space<vmem>>) semaphore(%arg17 : memref<!tpu.dma_semaphore, #tpu.memory_space<semaphore_mem>>)
      } else {
      }
      %dma_wait3A_459 = arith.constant 0 : i32
      %dma_wait3A_460 = tpu.memref_slice %arg7[%add3A_451, %dma_wait3A_459] : memref<40x64xi32, #tpu.memory_space<vmem>> -> memref<1x64xi32, #tpu.memory_space<vmem>>
      %dma_wait3A_461 = tpu.memref_squeeze %dma_wait3A_460 : memref<1x64xi32, #tpu.memory_space<vmem>> -> memref<64xi32, #tpu.memory_space<vmem>>
      %dma_wait3A_462 = arith.constant 0 : i32
      %dma_wait3A_463 = arith.constant 0 : i32
      %dma_wait3A_464 = tpu.memref_slice %arg2[%dma_wait3A_462, %dma_wait3A_463] : memref<10240x128xf32, #tpu.memory_space<hbm>> -> memref<10240x128xf32, #tpu.memory_space<hbm>>
      tpu.wait_indirect_dma semaphore(%arg15 : memref<!tpu.dma_semaphore, #tpu.memory_space<semaphore_mem>>) src(%dma_wait3A_464 : memref<10240x128xf32, #tpu.memory_space<hbm>>) dst(%arg10 : memref<64x128xf32, #tpu.memory_space<vmem>>)
      %dma_start3A_465 = arith.constant 0 : i32
      %dma_start3A_466 = tpu.memref_slice %arg8[%add3A_451, %dma_start3A_465] : memref<40x64xi32, #tpu.memory_space<vmem>> -> memref<1x64xi32, #tpu.memory_space<vmem>>
      %dma_start3A_467 = tpu.memref_squeeze %dma_start3A_466 : memref<1x64xi32, #tpu.memory_space<vmem>> -> memref<64xi32, #tpu.memory_space<vmem>>
      %dma_start3A_468 = arith.constant 0 : i32
      %dma_start3A_469 = arith.constant 0 : i32
      %dma_start3A_470 = tpu.memref_slice %arg13[%dma_start3A_468, %dma_start3A_469] : memref<10240x128xf32, #tpu.memory_space<vmem_shared>> -> memref<10240x128xf32, #tpu.memory_space<vmem_shared>>
      tpu.enqueue_indirect_dma source(%arg10 : memref<64x128xf32, #tpu.memory_space<vmem>>) target(%dma_start3A_470 : memref<10240x128xf32, #tpu.memory_space<vmem_shared>>) offsets(%dma_start3A_467 : memref<64xi32, #tpu.memory_space<vmem>>) semaphore(%arg19 : memref<!tpu.dma_semaphore, #tpu.memory_space<semaphore_mem>>) {add = true}
      %mul3A_471 = arith.constant 4 : i32
      %mul3A_472 = arith.muli %scan3A_427, %mul3A_471 : i32
      %add3A_473 = arith.constant 2 : i32
      %add3A_474 = arith.addi %mul3A_472, %add3A_473 : i32
      %add3A_475 = arith.constant 2 : i32
      %add3A_476 = arith.addi %add3A_474, %add3A_475 : i32
      %lt3A_477 = arith.constant 40 : i32
      %lt3A_478 = arith.cmpi slt, %add3A_476, %lt3A_477 : i32
      %convert_element_type3A_479 = arith.extui %lt3A_478 : i1 to i32
      %cond3A_480 = arith.constant 0 : i32
      %cond3A_481 = arith.cmpi ne, %convert_element_type3A_479, %cond3A_480 : i32
      scf.if %cond3A_481 {
        %ge3A = arith.constant 2 : i32
        %ge3A_517 = arith.cmpi sge, %add3A_474, %ge3A : i32
        %convert_element_type3A_518 = arith.extui %ge3A_517 : i1 to i32
        %cond3A_519 = arith.constant 0 : i32
        %cond3A_520 = arith.cmpi ne, %convert_element_type3A_518, %cond3A_519 : i32
        scf.if %cond3A_520 {
          %sub3A = arith.constant 2 : i32
          %sub3A_527 = arith.subi %add3A_474, %sub3A : i32
          %dma_wait3A_528 = arith.constant 0 : i32
          %dma_wait3A_529 = tpu.memref_slice %arg8[%sub3A_527, %dma_wait3A_528] : memref<40x64xi32, #tpu.memory_space<vmem>> -> memref<1x64xi32, #tpu.memory_space<vmem>>
          %dma_wait3A_530 = tpu.memref_squeeze %dma_wait3A_529 : memref<1x64xi32, #tpu.memory_space<vmem>> -> memref<64xi32, #tpu.memory_space<vmem>>
          %dma_wait3A_531 = arith.constant 0 : i32
          %dma_wait3A_532 = arith.constant 0 : i32
          %dma_wait3A_533 = tpu.memref_slice %arg13[%dma_wait3A_531, %dma_wait3A_532] : memref<10240x128xf32, #tpu.memory_space<vmem_shared>> -> memref<10240x128xf32, #tpu.memory_space<vmem_shared>>
          tpu.wait_indirect_dma semaphore(%arg18 : memref<!tpu.dma_semaphore, #tpu.memory_space<semaphore_mem>>) src(%arg9 : memref<64x128xf32, #tpu.memory_space<vmem>>) dst(%dma_wait3A_533 : memref<10240x128xf32, #tpu.memory_space<vmem_shared>>)
        } else {
        }
        %dma_start3A_521 = arith.constant 0 : i32
        %dma_start3A_522 = tpu.memref_slice %arg7[%add3A_476, %dma_start3A_521] : memref<40x64xi32, #tpu.memory_space<vmem>> -> memref<1x64xi32, #tpu.memory_space<vmem>>
        %dma_start3A_523 = tpu.memref_squeeze %dma_start3A_522 : memref<1x64xi32, #tpu.memory_space<vmem>> -> memref<64xi32, #tpu.memory_space<vmem>>
        %dma_start3A_524 = arith.constant 0 : i32
        %dma_start3A_525 = arith.constant 0 : i32
        %dma_start3A_526 = tpu.memref_slice %arg2[%dma_start3A_524, %dma_start3A_525] : memref<10240x128xf32, #tpu.memory_space<hbm>> -> memref<10240x128xf32, #tpu.memory_space<hbm>>
        tpu.enqueue_indirect_dma source(%dma_start3A_526 : memref<10240x128xf32, #tpu.memory_space<hbm>>) target(%arg9 : memref<64x128xf32, #tpu.memory_space<vmem>>) offsets(%dma_start3A_523 : memref<64xi32, #tpu.memory_space<vmem>>) semaphore(%arg14 : memref<!tpu.dma_semaphore, #tpu.memory_space<semaphore_mem>>)
      } else {
      }
      %dma_wait3A_482 = arith.constant 0 : i32
      %dma_wait3A_483 = tpu.memref_slice %arg7[%add3A_474, %dma_wait3A_482] : memref<40x64xi32, #tpu.memory_space<vmem>> -> memref<1x64xi32, #tpu.memory_space<vmem>>
      %dma_wait3A_484 = tpu.memref_squeeze %dma_wait3A_483 : memref<1x64xi32, #tpu.memory_space<vmem>> -> memref<64xi32, #tpu.memory_space<vmem>>
      %dma_wait3A_485 = arith.constant 0 : i32
      %dma_wait3A_486 = arith.constant 0 : i32
      %dma_wait3A_487 = tpu.memref_slice %arg2[%dma_wait3A_485, %dma_wait3A_486] : memref<10240x128xf32, #tpu.memory_space<hbm>> -> memref<10240x128xf32, #tpu.memory_space<hbm>>
      tpu.wait_indirect_dma semaphore(%arg16 : memref<!tpu.dma_semaphore, #tpu.memory_space<semaphore_mem>>) src(%dma_wait3A_487 : memref<10240x128xf32, #tpu.memory_space<hbm>>) dst(%arg11 : memref<64x128xf32, #tpu.memory_space<vmem>>)
      %dma_start3A_488 = arith.constant 0 : i32
      %dma_start3A_489 = tpu.memref_slice %arg8[%add3A_474, %dma_start3A_488] : memref<40x64xi32, #tpu.memory_space<vmem>> -> memref<1x64xi32, #tpu.memory_space<vmem>>
      %dma_start3A_490 = tpu.memref_squeeze %dma_start3A_489 : memref<1x64xi32, #tpu.memory_space<vmem>> -> memref<64xi32, #tpu.memory_space<vmem>>
      %dma_start3A_491 = arith.constant 0 : i32
      %dma_start3A_492 = arith.constant 0 : i32
      %dma_start3A_493 = tpu.memref_slice %arg13[%dma_start3A_491, %dma_start3A_492] : memref<10240x128xf32, #tpu.memory_space<vmem_shared>> -> memref<10240x128xf32, #tpu.memory_space<vmem_shared>>
      tpu.enqueue_indirect_dma source(%arg11 : memref<64x128xf32, #tpu.memory_space<vmem>>) target(%dma_start3A_493 : memref<10240x128xf32, #tpu.memory_space<vmem_shared>>) offsets(%dma_start3A_490 : memref<64xi32, #tpu.memory_space<vmem>>) semaphore(%arg20 : memref<!tpu.dma_semaphore, #tpu.memory_space<semaphore_mem>>) {add = true}
      %mul3A_494 = arith.constant 4 : i32
      %mul3A_495 = arith.muli %scan3A_427, %mul3A_494 : i32
      %add3A_496 = arith.constant 3 : i32
      %add3A_497 = arith.addi %mul3A_495, %add3A_496 : i32
      %add3A_498 = arith.constant 2 : i32
      %add3A_499 = arith.addi %add3A_497, %add3A_498 : i32
      %lt3A_500 = arith.constant 40 : i32
      %lt3A_501 = arith.cmpi slt, %add3A_499, %lt3A_500 : i32
      %convert_element_type3A_502 = arith.extui %lt3A_501 : i1 to i32
      %cond3A_503 = arith.constant 0 : i32
      %cond3A_504 = arith.cmpi ne, %convert_element_type3A_502, %cond3A_503 : i32
      scf.if %cond3A_504 {
        %ge3A = arith.constant 2 : i32
        %ge3A_517 = arith.cmpi sge, %add3A_497, %ge3A : i32
        %convert_element_type3A_518 = arith.extui %ge3A_517 : i1 to i32
        %cond3A_519 = arith.constant 0 : i32
        %cond3A_520 = arith.cmpi ne, %convert_element_type3A_518, %cond3A_519 : i32
        scf.if %cond3A_520 {
          %sub3A = arith.constant 2 : i32
          %sub3A_527 = arith.subi %add3A_497, %sub3A : i32
          %dma_wait3A_528 = arith.constant 0 : i32
          %dma_wait3A_529 = tpu.memref_slice %arg8[%sub3A_527, %dma_wait3A_528] : memref<40x64xi32, #tpu.memory_space<vmem>> -> memref<1x64xi32, #tpu.memory_space<vmem>>
          %dma_wait3A_530 = tpu.memref_squeeze %dma_wait3A_529 : memref<1x64xi32, #tpu.memory_space<vmem>> -> memref<64xi32, #tpu.memory_space<vmem>>
          %dma_wait3A_531 = arith.constant 0 : i32
          %dma_wait3A_532 = arith.constant 0 : i32
          %dma_wait3A_533 = tpu.memref_slice %arg13[%dma_wait3A_531, %dma_wait3A_532] : memref<10240x128xf32, #tpu.memory_space<vmem_shared>> -> memref<10240x128xf32, #tpu.memory_space<vmem_shared>>
          tpu.wait_indirect_dma semaphore(%arg19 : memref<!tpu.dma_semaphore, #tpu.memory_space<semaphore_mem>>) src(%arg10 : memref<64x128xf32, #tpu.memory_space<vmem>>) dst(%dma_wait3A_533 : memref<10240x128xf32, #tpu.memory_space<vmem_shared>>)
        } else {
        }
        %dma_start3A_521 = arith.constant 0 : i32
        %dma_start3A_522 = tpu.memref_slice %arg7[%add3A_499, %dma_start3A_521] : memref<40x64xi32, #tpu.memory_space<vmem>> -> memref<1x64xi32, #tpu.memory_space<vmem>>
        %dma_start3A_523 = tpu.memref_squeeze %dma_start3A_522 : memref<1x64xi32, #tpu.memory_space<vmem>> -> memref<64xi32, #tpu.memory_space<vmem>>
        %dma_start3A_524 = arith.constant 0 : i32
        %dma_start3A_525 = arith.constant 0 : i32
        %dma_start3A_526 = tpu.memref_slice %arg2[%dma_start3A_524, %dma_start3A_525] : memref<10240x128xf32, #tpu.memory_space<hbm>> -> memref<10240x128xf32, #tpu.memory_space<hbm>>
        tpu.enqueue_indirect_dma source(%dma_start3A_526 : memref<10240x128xf32, #tpu.memory_space<hbm>>) target(%arg10 : memref<64x128xf32, #tpu.memory_space<vmem>>) offsets(%dma_start3A_523 : memref<64xi32, #tpu.memory_space<vmem>>) semaphore(%arg15 : memref<!tpu.dma_semaphore, #tpu.memory_space<semaphore_mem>>)
      } else {
      }
      %dma_wait3A_505 = arith.constant 0 : i32
      %dma_wait3A_506 = tpu.memref_slice %arg7[%add3A_497, %dma_wait3A_505] : memref<40x64xi32, #tpu.memory_space<vmem>> -> memref<1x64xi32, #tpu.memory_space<vmem>>
      %dma_wait3A_507 = tpu.memref_squeeze %dma_wait3A_506 : memref<1x64xi32, #tpu.memory_space<vmem>> -> memref<64xi32, #tpu.memory_space<vmem>>
      %dma_wait3A_508 = arith.constant 0 : i32
      %dma_wait3A_509 = arith.constant 0 : i32
      %dma_wait3A_510 = tpu.memref_slice %arg2[%dma_wait3A_508, %dma_wait3A_509] : memref<10240x128xf32, #tpu.memory_space<hbm>> -> memref<10240x128xf32, #tpu.memory_space<hbm>>
      tpu.wait_indirect_dma semaphore(%arg17 : memref<!tpu.dma_semaphore, #tpu.memory_space<semaphore_mem>>) src(%dma_wait3A_510 : memref<10240x128xf32, #tpu.memory_space<hbm>>) dst(%arg12 : memref<64x128xf32, #tpu.memory_space<vmem>>)
      %dma_start3A_511 = arith.constant 0 : i32
      %dma_start3A_512 = tpu.memref_slice %arg8[%add3A_497, %dma_start3A_511] : memref<40x64xi32, #tpu.memory_space<vmem>> -> memref<1x64xi32, #tpu.memory_space<vmem>>
      %dma_start3A_513 = tpu.memref_squeeze %dma_start3A_512 : memref<1x64xi32, #tpu.memory_space<vmem>> -> memref<64xi32, #tpu.memory_space<vmem>>
      %dma_start3A_514 = arith.constant 0 : i32
      %dma_start3A_515 = arith.constant 0 : i32
      %dma_start3A_516 = tpu.memref_slice %arg13[%dma_start3A_514, %dma_start3A_515] : memref<10240x128xf32, #tpu.memory_space<vmem_shared>> -> memref<10240x128xf32, #tpu.memory_space<vmem_shared>>
      tpu.enqueue_indirect_dma source(%arg12 : memref<64x128xf32, #tpu.memory_space<vmem>>) target(%dma_start3A_516 : memref<10240x128xf32, #tpu.memory_space<vmem_shared>>) offsets(%dma_start3A_513 : memref<64xi32, #tpu.memory_space<vmem>>) semaphore(%arg21 : memref<!tpu.dma_semaphore, #tpu.memory_space<semaphore_mem>>) {add = true}
    }
    %scan3A_185 = arith.constant 10 : i32
    %dma_wait3A_186 = arith.constant 36 : i32
    %dma_wait3A_187 = arith.constant 0 : i32
    %dma_wait3A_188 = tpu.memref_slice %arg8[%dma_wait3A_186, %dma_wait3A_187] : memref<40x64xi32, #tpu.memory_space<vmem>> -> memref<1x64xi32, #tpu.memory_space<vmem>>
    %dma_wait3A_189 = tpu.memref_squeeze %dma_wait3A_188 : memref<1x64xi32, #tpu.memory_space<vmem>> -> memref<64xi32, #tpu.memory_space<vmem>>
    %dma_wait3A_190 = arith.constant 0 : i32
    %dma_wait3A_191 = arith.constant 0 : i32
    %dma_wait3A_192 = tpu.memref_slice %arg13[%dma_wait3A_190, %dma_wait3A_191] : memref<10240x128xf32, #tpu.memory_space<vmem_shared>> -> memref<10240x128xf32, #tpu.memory_space<vmem_shared>>
    tpu.wait_indirect_dma semaphore(%arg18 : memref<!tpu.dma_semaphore, #tpu.memory_space<semaphore_mem>>) src(%arg9 : memref<64x128xf32, #tpu.memory_space<vmem>>) dst(%dma_wait3A_192 : memref<10240x128xf32, #tpu.memory_space<vmem_shared>>)
    %dma_wait3A_193 = arith.constant 37 : i32
    %dma_wait3A_194 = arith.constant 0 : i32
    %dma_wait3A_195 = tpu.memref_slice %arg8[%dma_wait3A_193, %dma_wait3A_194] : memref<40x64xi32, #tpu.memory_space<vmem>> -> memref<1x64xi32, #tpu.memory_space<vmem>>
    %dma_wait3A_196 = tpu.memref_squeeze %dma_wait3A_195 : memref<1x64xi32, #tpu.memory_space<vmem>> -> memref<64xi32, #tpu.memory_space<vmem>>
    %dma_wait3A_197 = arith.constant 0 : i32
    %dma_wait3A_198 = arith.constant 0 : i32
    %dma_wait3A_199 = tpu.memref_slice %arg13[%dma_wait3A_197, %dma_wait3A_198] : memref<10240x128xf32, #tpu.memory_space<vmem_shared>> -> memref<10240x128xf32, #tpu.memory_space<vmem_shared>>
    tpu.wait_indirect_dma semaphore(%arg19 : memref<!tpu.dma_semaphore, #tpu.memory_space<semaphore_mem>>) src(%arg10 : memref<64x128xf32, #tpu.memory_space<vmem>>) dst(%dma_wait3A_199 : memref<10240x128xf32, #tpu.memory_space<vmem_shared>>)
    %dma_wait3A_200 = arith.constant 38 : i32
    %dma_wait3A_201 = arith.constant 0 : i32
    %dma_wait3A_202 = tpu.memref_slice %arg8[%dma_wait3A_200, %dma_wait3A_201] : memref<40x64xi32, #tpu.memory_space<vmem>> -> memref<1x64xi32, #tpu.memory_space<vmem>>
    %dma_wait3A_203 = tpu.memref_squeeze %dma_wait3A_202 : memref<1x64xi32, #tpu.memory_space<vmem>> -> memref<64xi32, #tpu.memory_space<vmem>>
    %dma_wait3A_204 = arith.constant 0 : i32
    %dma_wait3A_205 = arith.constant 0 : i32
    %dma_wait3A_206 = tpu.memref_slice %arg13[%dma_wait3A_204, %dma_wait3A_205] : memref<10240x128xf32, #tpu.memory_space<vmem_shared>> -> memref<10240x128xf32, #tpu.memory_space<vmem_shared>>
    tpu.wait_indirect_dma semaphore(%arg20 : memref<!tpu.dma_semaphore, #tpu.memory_space<semaphore_mem>>) src(%arg11 : memref<64x128xf32, #tpu.memory_space<vmem>>) dst(%dma_wait3A_206 : memref<10240x128xf32, #tpu.memory_space<vmem_shared>>)
    %dma_wait3A_207 = arith.constant 39 : i32
    %dma_wait3A_208 = arith.constant 0 : i32
    %dma_wait3A_209 = tpu.memref_slice %arg8[%dma_wait3A_207, %dma_wait3A_208] : memref<40x64xi32, #tpu.memory_space<vmem>> -> memref<1x64xi32, #tpu.memory_space<vmem>>
    %dma_wait3A_210 = tpu.memref_squeeze %dma_wait3A_209 : memref<1x64xi32, #tpu.memory_space<vmem>> -> memref<64xi32, #tpu.memory_space<vmem>>
    %dma_wait3A_211 = arith.constant 0 : i32
    %dma_wait3A_212 = arith.constant 0 : i32
    %dma_wait3A_213 = tpu.memref_slice %arg13[%dma_wait3A_211, %dma_wait3A_212] : memref<10240x128xf32, #tpu.memory_space<vmem_shared>> -> memref<10240x128xf32, #tpu.memory_space<vmem_shared>>
    tpu.wait_indirect_dma semaphore(%arg21 : memref<!tpu.dma_semaphore, #tpu.memory_space<semaphore_mem>>) src(%arg12 : memref<64x128xf32, #tpu.memory_space<vmem>>) dst(%dma_wait3A_213 : memref<10240x128xf32, #tpu.memory_space<vmem_shared>>)
    %dma_start3A_214 = arith.constant 0 : i32
    %dma_start3A_215 = arith.constant 0 : i32
    %dma_start3A_216 = tpu.memref_slice %arg3[%add3A, %dma_start3A_214, %dma_start3A_215] : memref<32x160x64xi32, #tpu.memory_space<hbm>> -> memref<1x160x64xi32, #tpu.memory_space<hbm>>
    %dma_start3A_217 = tpu.memref_squeeze %dma_start3A_216 : memref<1x160x64xi32, #tpu.memory_space<hbm>> -> memref<160x64xi32, #tpu.memory_space<hbm>>
    %dma_start3A_218 = arith.constant 80 : i32
    %dma_start3A_219 = arith.constant 0 : i32
    %dma_start3A_220 = tpu.memref_slice %dma_start3A_217[%dma_start3A_218, %dma_start3A_219] : memref<160x64xi32, #tpu.memory_space<hbm>> -> memref<40x64xi32, #tpu.memory_space<hbm>>
    %dma_start3A_221 = arith.constant 0 : i32
    %dma_start3A_222 = arith.constant 0 : i32
    %dma_start3A_223 = tpu.memref_slice %arg3[%add3A, %dma_start3A_221, %dma_start3A_222] : memref<32x160x64xi32, #tpu.memory_space<hbm>> -> memref<1x160x64xi32, #tpu.memory_space<hbm>>
    %dma_start3A_224 = tpu.memref_squeeze %dma_start3A_223 : memref<1x160x64xi32, #tpu.memory_space<hbm>> -> memref<160x64xi32, #tpu.memory_space<hbm>>
    %dma_start3A_225 = arith.constant 80 : i32
    %dma_start3A_226 = arith.constant 0 : i32
    %dma_start3A_227 = tpu.memref_slice %dma_start3A_224[%dma_start3A_225, %dma_start3A_226] : memref<160x64xi32, #tpu.memory_space<hbm>> -> memref<40x64xi32, #tpu.memory_space<hbm>>
    tpu.enqueue_dma source(%dma_start3A_227 : memref<40x64xi32, #tpu.memory_space<hbm>>) target(%arg7 : memref<40x64xi32, #tpu.memory_space<vmem>>) target_semaphore(%arg23 : memref<!tpu.dma_semaphore, #tpu.memory_space<semaphore_mem>>)
    %dma_start3A_228 = arith.constant 0 : i32
    %dma_start3A_229 = arith.constant 0 : i32
    %dma_start3A_230 = tpu.memref_slice %arg4[%add3A, %dma_start3A_228, %dma_start3A_229] : memref<32x160x64xi32, #tpu.memory_space<hbm>> -> memref<1x160x64xi32, #tpu.memory_space<hbm>>
    %dma_start3A_231 = tpu.memref_squeeze %dma_start3A_230 : memref<1x160x64xi32, #tpu.memory_space<hbm>> -> memref<160x64xi32, #tpu.memory_space<hbm>>
    %dma_start3A_232 = arith.constant 80 : i32
    %dma_start3A_233 = arith.constant 0 : i32
    %dma_start3A_234 = tpu.memref_slice %dma_start3A_231[%dma_start3A_232, %dma_start3A_233] : memref<160x64xi32, #tpu.memory_space<hbm>> -> memref<40x64xi32, #tpu.memory_space<hbm>>
    %dma_start3A_235 = arith.constant 0 : i32
    %dma_start3A_236 = arith.constant 0 : i32
    %dma_start3A_237 = tpu.memref_slice %arg4[%add3A, %dma_start3A_235, %dma_start3A_236] : memref<32x160x64xi32, #tpu.memory_space<hbm>> -> memref<1x160x64xi32, #tpu.memory_space<hbm>>
    %dma_start3A_238 = tpu.memref_squeeze %dma_start3A_237 : memref<1x160x64xi32, #tpu.memory_space<hbm>> -> memref<160x64xi32, #tpu.memory_space<hbm>>
    %dma_start3A_239 = arith.constant 80 : i32
    %dma_start3A_240 = arith.constant 0 : i32
    %dma_start3A_241 = tpu.memref_slice %dma_start3A_238[%dma_start3A_239, %dma_start3A_240] : memref<160x64xi32, #tpu.memory_space<hbm>> -> memref<40x64xi32, #tpu.memory_space<hbm>>
    tpu.enqueue_dma source(%dma_start3A_241 : memref<40x64xi32, #tpu.memory_space<hbm>>) target(%arg8 : memref<40x64xi32, #tpu.memory_space<vmem>>) target_semaphore(%arg23 : memref<!tpu.dma_semaphore, #tpu.memory_space<semaphore_mem>>)
    %dma_wait3A_242 = arith.constant 0 : i32
    %dma_wait3A_243 = arith.constant 0 : i32
    %dma_wait3A_244 = tpu.memref_slice %arg3[%add3A, %dma_wait3A_242, %dma_wait3A_243] : memref<32x160x64xi32, #tpu.memory_space<hbm>> -> memref<1x160x64xi32, #tpu.memory_space<hbm>>
    %dma_wait3A_245 = tpu.memref_squeeze %dma_wait3A_244 : memref<1x160x64xi32, #tpu.memory_space<hbm>> -> memref<160x64xi32, #tpu.memory_space<hbm>>
    %dma_wait3A_246 = arith.constant 80 : i32
    %dma_wait3A_247 = arith.constant 0 : i32
    %dma_wait3A_248 = tpu.memref_slice %dma_wait3A_245[%dma_wait3A_246, %dma_wait3A_247] : memref<160x64xi32, #tpu.memory_space<hbm>> -> memref<40x64xi32, #tpu.memory_space<hbm>>
    %dma_wait3A_249 = arith.constant 0 : i32
    %dma_wait3A_250 = arith.constant 0 : i32
    %dma_wait3A_251 = tpu.memref_slice %arg3[%add3A, %dma_wait3A_249, %dma_wait3A_250] : memref<32x160x64xi32, #tpu.memory_space<hbm>> -> memref<1x160x64xi32, #tpu.memory_space<hbm>>
    %dma_wait3A_252 = tpu.memref_squeeze %dma_wait3A_251 : memref<1x160x64xi32, #tpu.memory_space<hbm>> -> memref<160x64xi32, #tpu.memory_space<hbm>>
    %dma_wait3A_253 = arith.constant 80 : i32
    %dma_wait3A_254 = arith.constant 0 : i32
    %dma_wait3A_255 = tpu.memref_slice %dma_wait3A_252[%dma_wait3A_253, %dma_wait3A_254] : memref<160x64xi32, #tpu.memory_space<hbm>> -> memref<40x64xi32, #tpu.memory_space<hbm>>
    tpu.wait_dma2 semaphore(%arg23 : memref<!tpu.dma_semaphore, #tpu.memory_space<semaphore_mem>>) src(%dma_wait3A_255 : memref<40x64xi32, #tpu.memory_space<hbm>>) dst(%arg7 : memref<40x64xi32, #tpu.memory_space<vmem>>)
    %dma_wait3A_256 = arith.constant 0 : i32
    %dma_wait3A_257 = arith.constant 0 : i32
    %dma_wait3A_258 = tpu.memref_slice %arg4[%add3A, %dma_wait3A_256, %dma_wait3A_257] : memref<32x160x64xi32, #tpu.memory_space<hbm>> -> memref<1x160x64xi32, #tpu.memory_space<hbm>>
    %dma_wait3A_259 = tpu.memref_squeeze %dma_wait3A_258 : memref<1x160x64xi32, #tpu.memory_space<hbm>> -> memref<160x64xi32, #tpu.memory_space<hbm>>
    %dma_wait3A_260 = arith.constant 80 : i32
    %dma_wait3A_261 = arith.constant 0 : i32
    %dma_wait3A_262 = tpu.memref_slice %dma_wait3A_259[%dma_wait3A_260, %dma_wait3A_261] : memref<160x64xi32, #tpu.memory_space<hbm>> -> memref<40x64xi32, #tpu.memory_space<hbm>>
    %dma_wait3A_263 = arith.constant 0 : i32
    %dma_wait3A_264 = arith.constant 0 : i32
    %dma_wait3A_265 = tpu.memref_slice %arg4[%add3A, %dma_wait3A_263, %dma_wait3A_264] : memref<32x160x64xi32, #tpu.memory_space<hbm>> -> memref<1x160x64xi32, #tpu.memory_space<hbm>>
    %dma_wait3A_266 = tpu.memref_squeeze %dma_wait3A_265 : memref<1x160x64xi32, #tpu.memory_space<hbm>> -> memref<160x64xi32, #tpu.memory_space<hbm>>
    %dma_wait3A_267 = arith.constant 80 : i32
    %dma_wait3A_268 = arith.constant 0 : i32
    %dma_wait3A_269 = tpu.memref_slice %dma_wait3A_266[%dma_wait3A_267, %dma_wait3A_268] : memref<160x64xi32, #tpu.memory_space<hbm>> -> memref<40x64xi32, #tpu.memory_space<hbm>>
    tpu.wait_dma2 semaphore(%arg23 : memref<!tpu.dma_semaphore, #tpu.memory_space<semaphore_mem>>) src(%dma_wait3A_269 : memref<40x64xi32, #tpu.memory_space<hbm>>) dst(%arg8 : memref<40x64xi32, #tpu.memory_space<vmem>>)
    %dma_start3A_270 = arith.constant 0 : i32
    %dma_start3A_271 = arith.constant 0 : i32
    %dma_start3A_272 = tpu.memref_slice %arg7[%dma_start3A_270, %dma_start3A_271] : memref<40x64xi32, #tpu.memory_space<vmem>> -> memref<1x64xi32, #tpu.memory_space<vmem>>
    %dma_start3A_273 = tpu.memref_squeeze %dma_start3A_272 : memref<1x64xi32, #tpu.memory_space<vmem>> -> memref<64xi32, #tpu.memory_space<vmem>>
    %dma_start3A_274 = arith.constant 0 : i32
    %dma_start3A_275 = arith.constant 0 : i32
    %dma_start3A_276 = tpu.memref_slice %arg2[%dma_start3A_274, %dma_start3A_275] : memref<10240x128xf32, #tpu.memory_space<hbm>> -> memref<10240x128xf32, #tpu.memory_space<hbm>>
    tpu.enqueue_indirect_dma source(%dma_start3A_276 : memref<10240x128xf32, #tpu.memory_space<hbm>>) target(%arg9 : memref<64x128xf32, #tpu.memory_space<vmem>>) offsets(%dma_start3A_273 : memref<64xi32, #tpu.memory_space<vmem>>) semaphore(%arg14 : memref<!tpu.dma_semaphore, #tpu.memory_space<semaphore_mem>>)
    %dma_start3A_277 = arith.constant 1 : i32
    %dma_start3A_278 = arith.constant 0 : i32
    %dma_start3A_279 = tpu.memref_slice %arg7[%dma_start3A_277, %dma_start3A_278] : memref<40x64xi32, #tpu.memory_space<vmem>> -> memref<1x64xi32, #tpu.memory_space<vmem>>
    %dma_start3A_280 = tpu.memref_squeeze %dma_start3A_279 : memref<1x64xi32, #tpu.memory_space<vmem>> -> memref<64xi32, #tpu.memory_space<vmem>>
    %dma_start3A_281 = arith.constant 0 : i32
    %dma_start3A_282 = arith.constant 0 : i32
    %dma_start3A_283 = tpu.memref_slice %arg2[%dma_start3A_281, %dma_start3A_282] : memref<10240x128xf32, #tpu.memory_space<hbm>> -> memref<10240x128xf32, #tpu.memory_space<hbm>>
    tpu.enqueue_indirect_dma source(%dma_start3A_283 : memref<10240x128xf32, #tpu.memory_space<hbm>>) target(%arg10 : memref<64x128xf32, #tpu.memory_space<vmem>>) offsets(%dma_start3A_280 : memref<64xi32, #tpu.memory_space<vmem>>) semaphore(%arg15 : memref<!tpu.dma_semaphore, #tpu.memory_space<semaphore_mem>>)
    %scan3A_284 = arith.constant 0 : i32
    %scan3A_285 = arith.constant 0 : i32
    %scan3A_286 = arith.constant 10 : i32
    %scan3A_287 = arith.addi %scan3A_285, %scan3A_286 : i32
    %scan3A_288 = arith.constant 1 : i32
    scf.for %scan3A_427 = %scan3A_285 to %scan3A_287 step %scan3A_288  : i32 {
      %mul3A_428 = arith.constant 4 : i32
      %mul3A_429 = arith.muli %scan3A_427, %mul3A_428 : i32
      %add3A_430 = arith.constant 0 : i32
      %add3A_431 = arith.addi %mul3A_429, %add3A_430 : i32
      %add3A_432 = arith.constant 2 : i32
      %add3A_433 = arith.addi %add3A_431, %add3A_432 : i32
      %lt3A = arith.constant 40 : i32
      %lt3A_434 = arith.cmpi slt, %add3A_433, %lt3A : i32
      %convert_element_type3A = arith.extui %lt3A_434 : i1 to i32
      %cond3A = arith.constant 0 : i32
      %cond3A_435 = arith.cmpi ne, %convert_element_type3A, %cond3A : i32
      scf.if %cond3A_435 {
        %ge3A = arith.constant 2 : i32
        %ge3A_517 = arith.cmpi sge, %add3A_431, %ge3A : i32
        %convert_element_type3A_518 = arith.extui %ge3A_517 : i1 to i32
        %cond3A_519 = arith.constant 0 : i32
        %cond3A_520 = arith.cmpi ne, %convert_element_type3A_518, %cond3A_519 : i32
        scf.if %cond3A_520 {
          %sub3A = arith.constant 2 : i32
          %sub3A_527 = arith.subi %add3A_431, %sub3A : i32
          %dma_wait3A_528 = arith.constant 0 : i32
          %dma_wait3A_529 = tpu.memref_slice %arg8[%sub3A_527, %dma_wait3A_528] : memref<40x64xi32, #tpu.memory_space<vmem>> -> memref<1x64xi32, #tpu.memory_space<vmem>>
          %dma_wait3A_530 = tpu.memref_squeeze %dma_wait3A_529 : memref<1x64xi32, #tpu.memory_space<vmem>> -> memref<64xi32, #tpu.memory_space<vmem>>
          %dma_wait3A_531 = arith.constant 0 : i32
          %dma_wait3A_532 = arith.constant 0 : i32
          %dma_wait3A_533 = tpu.memref_slice %arg13[%dma_wait3A_531, %dma_wait3A_532] : memref<10240x128xf32, #tpu.memory_space<vmem_shared>> -> memref<10240x128xf32, #tpu.memory_space<vmem_shared>>
          tpu.wait_indirect_dma semaphore(%arg20 : memref<!tpu.dma_semaphore, #tpu.memory_space<semaphore_mem>>) src(%arg11 : memref<64x128xf32, #tpu.memory_space<vmem>>) dst(%dma_wait3A_533 : memref<10240x128xf32, #tpu.memory_space<vmem_shared>>)
        } else {
        }
        %dma_start3A_521 = arith.constant 0 : i32
        %dma_start3A_522 = tpu.memref_slice %arg7[%add3A_433, %dma_start3A_521] : memref<40x64xi32, #tpu.memory_space<vmem>> -> memref<1x64xi32, #tpu.memory_space<vmem>>
        %dma_start3A_523 = tpu.memref_squeeze %dma_start3A_522 : memref<1x64xi32, #tpu.memory_space<vmem>> -> memref<64xi32, #tpu.memory_space<vmem>>
        %dma_start3A_524 = arith.constant 0 : i32
        %dma_start3A_525 = arith.constant 0 : i32
        %dma_start3A_526 = tpu.memref_slice %arg2[%dma_start3A_524, %dma_start3A_525] : memref<10240x128xf32, #tpu.memory_space<hbm>> -> memref<10240x128xf32, #tpu.memory_space<hbm>>
        tpu.enqueue_indirect_dma source(%dma_start3A_526 : memref<10240x128xf32, #tpu.memory_space<hbm>>) target(%arg11 : memref<64x128xf32, #tpu.memory_space<vmem>>) offsets(%dma_start3A_523 : memref<64xi32, #tpu.memory_space<vmem>>) semaphore(%arg16 : memref<!tpu.dma_semaphore, #tpu.memory_space<semaphore_mem>>)
      } else {
      }
      %dma_wait3A_436 = arith.constant 0 : i32
      %dma_wait3A_437 = tpu.memref_slice %arg7[%add3A_431, %dma_wait3A_436] : memref<40x64xi32, #tpu.memory_space<vmem>> -> memref<1x64xi32, #tpu.memory_space<vmem>>
      %dma_wait3A_438 = tpu.memref_squeeze %dma_wait3A_437 : memref<1x64xi32, #tpu.memory_space<vmem>> -> memref<64xi32, #tpu.memory_space<vmem>>
      %dma_wait3A_439 = arith.constant 0 : i32
      %dma_wait3A_440 = arith.constant 0 : i32
      %dma_wait3A_441 = tpu.memref_slice %arg2[%dma_wait3A_439, %dma_wait3A_440] : memref<10240x128xf32, #tpu.memory_space<hbm>> -> memref<10240x128xf32, #tpu.memory_space<hbm>>
      tpu.wait_indirect_dma semaphore(%arg14 : memref<!tpu.dma_semaphore, #tpu.memory_space<semaphore_mem>>) src(%dma_wait3A_441 : memref<10240x128xf32, #tpu.memory_space<hbm>>) dst(%arg9 : memref<64x128xf32, #tpu.memory_space<vmem>>)
      %dma_start3A_442 = arith.constant 0 : i32
      %dma_start3A_443 = tpu.memref_slice %arg8[%add3A_431, %dma_start3A_442] : memref<40x64xi32, #tpu.memory_space<vmem>> -> memref<1x64xi32, #tpu.memory_space<vmem>>
      %dma_start3A_444 = tpu.memref_squeeze %dma_start3A_443 : memref<1x64xi32, #tpu.memory_space<vmem>> -> memref<64xi32, #tpu.memory_space<vmem>>
      %dma_start3A_445 = arith.constant 0 : i32
      %dma_start3A_446 = arith.constant 0 : i32
      %dma_start3A_447 = tpu.memref_slice %arg13[%dma_start3A_445, %dma_start3A_446] : memref<10240x128xf32, #tpu.memory_space<vmem_shared>> -> memref<10240x128xf32, #tpu.memory_space<vmem_shared>>
      tpu.enqueue_indirect_dma source(%arg9 : memref<64x128xf32, #tpu.memory_space<vmem>>) target(%dma_start3A_447 : memref<10240x128xf32, #tpu.memory_space<vmem_shared>>) offsets(%dma_start3A_444 : memref<64xi32, #tpu.memory_space<vmem>>) semaphore(%arg18 : memref<!tpu.dma_semaphore, #tpu.memory_space<semaphore_mem>>) {add = true}
      %mul3A_448 = arith.constant 4 : i32
      %mul3A_449 = arith.muli %scan3A_427, %mul3A_448 : i32
      %add3A_450 = arith.constant 1 : i32
      %add3A_451 = arith.addi %mul3A_449, %add3A_450 : i32
      %add3A_452 = arith.constant 2 : i32
      %add3A_453 = arith.addi %add3A_451, %add3A_452 : i32
      %lt3A_454 = arith.constant 40 : i32
      %lt3A_455 = arith.cmpi slt, %add3A_453, %lt3A_454 : i32
      %convert_element_type3A_456 = arith.extui %lt3A_455 : i1 to i32
      %cond3A_457 = arith.constant 0 : i32
      %cond3A_458 = arith.cmpi ne, %convert_element_type3A_456, %cond3A_457 : i32
      scf.if %cond3A_458 {
        %ge3A = arith.constant 2 : i32
        %ge3A_517 = arith.cmpi sge, %add3A_451, %ge3A : i32
        %convert_element_type3A_518 = arith.extui %ge3A_517 : i1 to i32
        %cond3A_519 = arith.constant 0 : i32
        %cond3A_520 = arith.cmpi ne, %convert_element_type3A_518, %cond3A_519 : i32
        scf.if %cond3A_520 {
          %sub3A = arith.constant 2 : i32
          %sub3A_527 = arith.subi %add3A_451, %sub3A : i32
          %dma_wait3A_528 = arith.constant 0 : i32
          %dma_wait3A_529 = tpu.memref_slice %arg8[%sub3A_527, %dma_wait3A_528] : memref<40x64xi32, #tpu.memory_space<vmem>> -> memref<1x64xi32, #tpu.memory_space<vmem>>
          %dma_wait3A_530 = tpu.memref_squeeze %dma_wait3A_529 : memref<1x64xi32, #tpu.memory_space<vmem>> -> memref<64xi32, #tpu.memory_space<vmem>>
          %dma_wait3A_531 = arith.constant 0 : i32
          %dma_wait3A_532 = arith.constant 0 : i32
          %dma_wait3A_533 = tpu.memref_slice %arg13[%dma_wait3A_531, %dma_wait3A_532] : memref<10240x128xf32, #tpu.memory_space<vmem_shared>> -> memref<10240x128xf32, #tpu.memory_space<vmem_shared>>
          tpu.wait_indirect_dma semaphore(%arg21 : memref<!tpu.dma_semaphore, #tpu.memory_space<semaphore_mem>>) src(%arg12 : memref<64x128xf32, #tpu.memory_space<vmem>>) dst(%dma_wait3A_533 : memref<10240x128xf32, #tpu.memory_space<vmem_shared>>)
        } else {
        }
        %dma_start3A_521 = arith.constant 0 : i32
        %dma_start3A_522 = tpu.memref_slice %arg7[%add3A_453, %dma_start3A_521] : memref<40x64xi32, #tpu.memory_space<vmem>> -> memref<1x64xi32, #tpu.memory_space<vmem>>
        %dma_start3A_523 = tpu.memref_squeeze %dma_start3A_522 : memref<1x64xi32, #tpu.memory_space<vmem>> -> memref<64xi32, #tpu.memory_space<vmem>>
        %dma_start3A_524 = arith.constant 0 : i32
        %dma_start3A_525 = arith.constant 0 : i32
        %dma_start3A_526 = tpu.memref_slice %arg2[%dma_start3A_524, %dma_start3A_525] : memref<10240x128xf32, #tpu.memory_space<hbm>> -> memref<10240x128xf32, #tpu.memory_space<hbm>>
        tpu.enqueue_indirect_dma source(%dma_start3A_526 : memref<10240x128xf32, #tpu.memory_space<hbm>>) target(%arg12 : memref<64x128xf32, #tpu.memory_space<vmem>>) offsets(%dma_start3A_523 : memref<64xi32, #tpu.memory_space<vmem>>) semaphore(%arg17 : memref<!tpu.dma_semaphore, #tpu.memory_space<semaphore_mem>>)
      } else {
      }
      %dma_wait3A_459 = arith.constant 0 : i32
      %dma_wait3A_460 = tpu.memref_slice %arg7[%add3A_451, %dma_wait3A_459] : memref<40x64xi32, #tpu.memory_space<vmem>> -> memref<1x64xi32, #tpu.memory_space<vmem>>
      %dma_wait3A_461 = tpu.memref_squeeze %dma_wait3A_460 : memref<1x64xi32, #tpu.memory_space<vmem>> -> memref<64xi32, #tpu.memory_space<vmem>>
      %dma_wait3A_462 = arith.constant 0 : i32
      %dma_wait3A_463 = arith.constant 0 : i32
      %dma_wait3A_464 = tpu.memref_slice %arg2[%dma_wait3A_462, %dma_wait3A_463] : memref<10240x128xf32, #tpu.memory_space<hbm>> -> memref<10240x128xf32, #tpu.memory_space<hbm>>
      tpu.wait_indirect_dma semaphore(%arg15 : memref<!tpu.dma_semaphore, #tpu.memory_space<semaphore_mem>>) src(%dma_wait3A_464 : memref<10240x128xf32, #tpu.memory_space<hbm>>) dst(%arg10 : memref<64x128xf32, #tpu.memory_space<vmem>>)
      %dma_start3A_465 = arith.constant 0 : i32
      %dma_start3A_466 = tpu.memref_slice %arg8[%add3A_451, %dma_start3A_465] : memref<40x64xi32, #tpu.memory_space<vmem>> -> memref<1x64xi32, #tpu.memory_space<vmem>>
      %dma_start3A_467 = tpu.memref_squeeze %dma_start3A_466 : memref<1x64xi32, #tpu.memory_space<vmem>> -> memref<64xi32, #tpu.memory_space<vmem>>
      %dma_start3A_468 = arith.constant 0 : i32
      %dma_start3A_469 = arith.constant 0 : i32
      %dma_start3A_470 = tpu.memref_slice %arg13[%dma_start3A_468, %dma_start3A_469] : memref<10240x128xf32, #tpu.memory_space<vmem_shared>> -> memref<10240x128xf32, #tpu.memory_space<vmem_shared>>
      tpu.enqueue_indirect_dma source(%arg10 : memref<64x128xf32, #tpu.memory_space<vmem>>) target(%dma_start3A_470 : memref<10240x128xf32, #tpu.memory_space<vmem_shared>>) offsets(%dma_start3A_467 : memref<64xi32, #tpu.memory_space<vmem>>) semaphore(%arg19 : memref<!tpu.dma_semaphore, #tpu.memory_space<semaphore_mem>>) {add = true}
      %mul3A_471 = arith.constant 4 : i32
      %mul3A_472 = arith.muli %scan3A_427, %mul3A_471 : i32
      %add3A_473 = arith.constant 2 : i32
      %add3A_474 = arith.addi %mul3A_472, %add3A_473 : i32
      %add3A_475 = arith.constant 2 : i32
      %add3A_476 = arith.addi %add3A_474, %add3A_475 : i32
      %lt3A_477 = arith.constant 40 : i32
      %lt3A_478 = arith.cmpi slt, %add3A_476, %lt3A_477 : i32
      %convert_element_type3A_479 = arith.extui %lt3A_478 : i1 to i32
      %cond3A_480 = arith.constant 0 : i32
      %cond3A_481 = arith.cmpi ne, %convert_element_type3A_479, %cond3A_480 : i32
      scf.if %cond3A_481 {
        %ge3A = arith.constant 2 : i32
        %ge3A_517 = arith.cmpi sge, %add3A_474, %ge3A : i32
        %convert_element_type3A_518 = arith.extui %ge3A_517 : i1 to i32
        %cond3A_519 = arith.constant 0 : i32
        %cond3A_520 = arith.cmpi ne, %convert_element_type3A_518, %cond3A_519 : i32
        scf.if %cond3A_520 {
          %sub3A = arith.constant 2 : i32
          %sub3A_527 = arith.subi %add3A_474, %sub3A : i32
          %dma_wait3A_528 = arith.constant 0 : i32
          %dma_wait3A_529 = tpu.memref_slice %arg8[%sub3A_527, %dma_wait3A_528] : memref<40x64xi32, #tpu.memory_space<vmem>> -> memref<1x64xi32, #tpu.memory_space<vmem>>
          %dma_wait3A_530 = tpu.memref_squeeze %dma_wait3A_529 : memref<1x64xi32, #tpu.memory_space<vmem>> -> memref<64xi32, #tpu.memory_space<vmem>>
          %dma_wait3A_531 = arith.constant 0 : i32
          %dma_wait3A_532 = arith.constant 0 : i32
          %dma_wait3A_533 = tpu.memref_slice %arg13[%dma_wait3A_531, %dma_wait3A_532] : memref<10240x128xf32, #tpu.memory_space<vmem_shared>> -> memref<10240x128xf32, #tpu.memory_space<vmem_shared>>
          tpu.wait_indirect_dma semaphore(%arg18 : memref<!tpu.dma_semaphore, #tpu.memory_space<semaphore_mem>>) src(%arg9 : memref<64x128xf32, #tpu.memory_space<vmem>>) dst(%dma_wait3A_533 : memref<10240x128xf32, #tpu.memory_space<vmem_shared>>)
        } else {
        }
        %dma_start3A_521 = arith.constant 0 : i32
        %dma_start3A_522 = tpu.memref_slice %arg7[%add3A_476, %dma_start3A_521] : memref<40x64xi32, #tpu.memory_space<vmem>> -> memref<1x64xi32, #tpu.memory_space<vmem>>
        %dma_start3A_523 = tpu.memref_squeeze %dma_start3A_522 : memref<1x64xi32, #tpu.memory_space<vmem>> -> memref<64xi32, #tpu.memory_space<vmem>>
        %dma_start3A_524 = arith.constant 0 : i32
        %dma_start3A_525 = arith.constant 0 : i32
        %dma_start3A_526 = tpu.memref_slice %arg2[%dma_start3A_524, %dma_start3A_525] : memref<10240x128xf32, #tpu.memory_space<hbm>> -> memref<10240x128xf32, #tpu.memory_space<hbm>>
        tpu.enqueue_indirect_dma source(%dma_start3A_526 : memref<10240x128xf32, #tpu.memory_space<hbm>>) target(%arg9 : memref<64x128xf32, #tpu.memory_space<vmem>>) offsets(%dma_start3A_523 : memref<64xi32, #tpu.memory_space<vmem>>) semaphore(%arg14 : memref<!tpu.dma_semaphore, #tpu.memory_space<semaphore_mem>>)
      } else {
      }
      %dma_wait3A_482 = arith.constant 0 : i32
      %dma_wait3A_483 = tpu.memref_slice %arg7[%add3A_474, %dma_wait3A_482] : memref<40x64xi32, #tpu.memory_space<vmem>> -> memref<1x64xi32, #tpu.memory_space<vmem>>
      %dma_wait3A_484 = tpu.memref_squeeze %dma_wait3A_483 : memref<1x64xi32, #tpu.memory_space<vmem>> -> memref<64xi32, #tpu.memory_space<vmem>>
      %dma_wait3A_485 = arith.constant 0 : i32
      %dma_wait3A_486 = arith.constant 0 : i32
      %dma_wait3A_487 = tpu.memref_slice %arg2[%dma_wait3A_485, %dma_wait3A_486] : memref<10240x128xf32, #tpu.memory_space<hbm>> -> memref<10240x128xf32, #tpu.memory_space<hbm>>
      tpu.wait_indirect_dma semaphore(%arg16 : memref<!tpu.dma_semaphore, #tpu.memory_space<semaphore_mem>>) src(%dma_wait3A_487 : memref<10240x128xf32, #tpu.memory_space<hbm>>) dst(%arg11 : memref<64x128xf32, #tpu.memory_space<vmem>>)
      %dma_start3A_488 = arith.constant 0 : i32
      %dma_start3A_489 = tpu.memref_slice %arg8[%add3A_474, %dma_start3A_488] : memref<40x64xi32, #tpu.memory_space<vmem>> -> memref<1x64xi32, #tpu.memory_space<vmem>>
      %dma_start3A_490 = tpu.memref_squeeze %dma_start3A_489 : memref<1x64xi32, #tpu.memory_space<vmem>> -> memref<64xi32, #tpu.memory_space<vmem>>
      %dma_start3A_491 = arith.constant 0 : i32
      %dma_start3A_492 = arith.constant 0 : i32
      %dma_start3A_493 = tpu.memref_slice %arg13[%dma_start3A_491, %dma_start3A_492] : memref<10240x128xf32, #tpu.memory_space<vmem_shared>> -> memref<10240x128xf32, #tpu.memory_space<vmem_shared>>
      tpu.enqueue_indirect_dma source(%arg11 : memref<64x128xf32, #tpu.memory_space<vmem>>) target(%dma_start3A_493 : memref<10240x128xf32, #tpu.memory_space<vmem_shared>>) offsets(%dma_start3A_490 : memref<64xi32, #tpu.memory_space<vmem>>) semaphore(%arg20 : memref<!tpu.dma_semaphore, #tpu.memory_space<semaphore_mem>>) {add = true}
      %mul3A_494 = arith.constant 4 : i32
      %mul3A_495 = arith.muli %scan3A_427, %mul3A_494 : i32
      %add3A_496 = arith.constant 3 : i32
      %add3A_497 = arith.addi %mul3A_495, %add3A_496 : i32
      %add3A_498 = arith.constant 2 : i32
      %add3A_499 = arith.addi %add3A_497, %add3A_498 : i32
      %lt3A_500 = arith.constant 40 : i32
      %lt3A_501 = arith.cmpi slt, %add3A_499, %lt3A_500 : i32
      %convert_element_type3A_502 = arith.extui %lt3A_501 : i1 to i32
      %cond3A_503 = arith.constant 0 : i32
      %cond3A_504 = arith.cmpi ne, %convert_element_type3A_502, %cond3A_503 : i32
      scf.if %cond3A_504 {
        %ge3A = arith.constant 2 : i32
        %ge3A_517 = arith.cmpi sge, %add3A_497, %ge3A : i32
        %convert_element_type3A_518 = arith.extui %ge3A_517 : i1 to i32
        %cond3A_519 = arith.constant 0 : i32
        %cond3A_520 = arith.cmpi ne, %convert_element_type3A_518, %cond3A_519 : i32
        scf.if %cond3A_520 {
          %sub3A = arith.constant 2 : i32
          %sub3A_527 = arith.subi %add3A_497, %sub3A : i32
          %dma_wait3A_528 = arith.constant 0 : i32
          %dma_wait3A_529 = tpu.memref_slice %arg8[%sub3A_527, %dma_wait3A_528] : memref<40x64xi32, #tpu.memory_space<vmem>> -> memref<1x64xi32, #tpu.memory_space<vmem>>
          %dma_wait3A_530 = tpu.memref_squeeze %dma_wait3A_529 : memref<1x64xi32, #tpu.memory_space<vmem>> -> memref<64xi32, #tpu.memory_space<vmem>>
          %dma_wait3A_531 = arith.constant 0 : i32
          %dma_wait3A_532 = arith.constant 0 : i32
          %dma_wait3A_533 = tpu.memref_slice %arg13[%dma_wait3A_531, %dma_wait3A_532] : memref<10240x128xf32, #tpu.memory_space<vmem_shared>> -> memref<10240x128xf32, #tpu.memory_space<vmem_shared>>
          tpu.wait_indirect_dma semaphore(%arg19 : memref<!tpu.dma_semaphore, #tpu.memory_space<semaphore_mem>>) src(%arg10 : memref<64x128xf32, #tpu.memory_space<vmem>>) dst(%dma_wait3A_533 : memref<10240x128xf32, #tpu.memory_space<vmem_shared>>)
        } else {
        }
        %dma_start3A_521 = arith.constant 0 : i32
        %dma_start3A_522 = tpu.memref_slice %arg7[%add3A_499, %dma_start3A_521] : memref<40x64xi32, #tpu.memory_space<vmem>> -> memref<1x64xi32, #tpu.memory_space<vmem>>
        %dma_start3A_523 = tpu.memref_squeeze %dma_start3A_522 : memref<1x64xi32, #tpu.memory_space<vmem>> -> memref<64xi32, #tpu.memory_space<vmem>>
        %dma_start3A_524 = arith.constant 0 : i32
        %dma_start3A_525 = arith.constant 0 : i32
        %dma_start3A_526 = tpu.memref_slice %arg2[%dma_start3A_524, %dma_start3A_525] : memref<10240x128xf32, #tpu.memory_space<hbm>> -> memref<10240x128xf32, #tpu.memory_space<hbm>>
        tpu.enqueue_indirect_dma source(%dma_start3A_526 : memref<10240x128xf32, #tpu.memory_space<hbm>>) target(%arg10 : memref<64x128xf32, #tpu.memory_space<vmem>>) offsets(%dma_start3A_523 : memref<64xi32, #tpu.memory_space<vmem>>) semaphore(%arg15 : memref<!tpu.dma_semaphore, #tpu.memory_space<semaphore_mem>>)
      } else {
      }
      %dma_wait3A_505 = arith.constant 0 : i32
      %dma_wait3A_506 = tpu.memref_slice %arg7[%add3A_497, %dma_wait3A_505] : memref<40x64xi32, #tpu.memory_space<vmem>> -> memref<1x64xi32, #tpu.memory_space<vmem>>
      %dma_wait3A_507 = tpu.memref_squeeze %dma_wait3A_506 : memref<1x64xi32, #tpu.memory_space<vmem>> -> memref<64xi32, #tpu.memory_space<vmem>>
      %dma_wait3A_508 = arith.constant 0 : i32
      %dma_wait3A_509 = arith.constant 0 : i32
      %dma_wait3A_510 = tpu.memref_slice %arg2[%dma_wait3A_508, %dma_wait3A_509] : memref<10240x128xf32, #tpu.memory_space<hbm>> -> memref<10240x128xf32, #tpu.memory_space<hbm>>
      tpu.wait_indirect_dma semaphore(%arg17 : memref<!tpu.dma_semaphore, #tpu.memory_space<semaphore_mem>>) src(%dma_wait3A_510 : memref<10240x128xf32, #tpu.memory_space<hbm>>) dst(%arg12 : memref<64x128xf32, #tpu.memory_space<vmem>>)
      %dma_start3A_511 = arith.constant 0 : i32
      %dma_start3A_512 = tpu.memref_slice %arg8[%add3A_497, %dma_start3A_511] : memref<40x64xi32, #tpu.memory_space<vmem>> -> memref<1x64xi32, #tpu.memory_space<vmem>>
      %dma_start3A_513 = tpu.memref_squeeze %dma_start3A_512 : memref<1x64xi32, #tpu.memory_space<vmem>> -> memref<64xi32, #tpu.memory_space<vmem>>
      %dma_start3A_514 = arith.constant 0 : i32
      %dma_start3A_515 = arith.constant 0 : i32
      %dma_start3A_516 = tpu.memref_slice %arg13[%dma_start3A_514, %dma_start3A_515] : memref<10240x128xf32, #tpu.memory_space<vmem_shared>> -> memref<10240x128xf32, #tpu.memory_space<vmem_shared>>
      tpu.enqueue_indirect_dma source(%arg12 : memref<64x128xf32, #tpu.memory_space<vmem>>) target(%dma_start3A_516 : memref<10240x128xf32, #tpu.memory_space<vmem_shared>>) offsets(%dma_start3A_513 : memref<64xi32, #tpu.memory_space<vmem>>) semaphore(%arg21 : memref<!tpu.dma_semaphore, #tpu.memory_space<semaphore_mem>>) {add = true}
    }
    %scan3A_289 = arith.constant 10 : i32
    %dma_wait3A_290 = arith.constant 36 : i32
    %dma_wait3A_291 = arith.constant 0 : i32
    %dma_wait3A_292 = tpu.memref_slice %arg8[%dma_wait3A_290, %dma_wait3A_291] : memref<40x64xi32, #tpu.memory_space<vmem>> -> memref<1x64xi32, #tpu.memory_space<vmem>>
    %dma_wait3A_293 = tpu.memref_squeeze %dma_wait3A_292 : memref<1x64xi32, #tpu.memory_space<vmem>> -> memref<64xi32, #tpu.memory_space<vmem>>
    %dma_wait3A_294 = arith.constant 0 : i32
    %dma_wait3A_295 = arith.constant 0 : i32
    %dma_wait3A_296 = tpu.memref_slice %arg13[%dma_wait3A_294, %dma_wait3A_295] : memref<10240x128xf32, #tpu.memory_space<vmem_shared>> -> memref<10240x128xf32, #tpu.memory_space<vmem_shared>>
    tpu.wait_indirect_dma semaphore(%arg18 : memref<!tpu.dma_semaphore, #tpu.memory_space<semaphore_mem>>) src(%arg9 : memref<64x128xf32, #tpu.memory_space<vmem>>) dst(%dma_wait3A_296 : memref<10240x128xf32, #tpu.memory_space<vmem_shared>>)
    %dma_wait3A_297 = arith.constant 37 : i32
    %dma_wait3A_298 = arith.constant 0 : i32
    %dma_wait3A_299 = tpu.memref_slice %arg8[%dma_wait3A_297, %dma_wait3A_298] : memref<40x64xi32, #tpu.memory_space<vmem>> -> memref<1x64xi32, #tpu.memory_space<vmem>>
    %dma_wait3A_300 = tpu.memref_squeeze %dma_wait3A_299 : memref<1x64xi32, #tpu.memory_space<vmem>> -> memref<64xi32, #tpu.memory_space<vmem>>
    %dma_wait3A_301 = arith.constant 0 : i32
    %dma_wait3A_302 = arith.constant 0 : i32
    %dma_wait3A_303 = tpu.memref_slice %arg13[%dma_wait3A_301, %dma_wait3A_302] : memref<10240x128xf32, #tpu.memory_space<vmem_shared>> -> memref<10240x128xf32, #tpu.memory_space<vmem_shared>>
    tpu.wait_indirect_dma semaphore(%arg19 : memref<!tpu.dma_semaphore, #tpu.memory_space<semaphore_mem>>) src(%arg10 : memref<64x128xf32, #tpu.memory_space<vmem>>) dst(%dma_wait3A_303 : memref<10240x128xf32, #tpu.memory_space<vmem_shared>>)
    %dma_wait3A_304 = arith.constant 38 : i32
    %dma_wait3A_305 = arith.constant 0 : i32
    %dma_wait3A_306 = tpu.memref_slice %arg8[%dma_wait3A_304, %dma_wait3A_305] : memref<40x64xi32, #tpu.memory_space<vmem>> -> memref<1x64xi32, #tpu.memory_space<vmem>>
    %dma_wait3A_307 = tpu.memref_squeeze %dma_wait3A_306 : memref<1x64xi32, #tpu.memory_space<vmem>> -> memref<64xi32, #tpu.memory_space<vmem>>
    %dma_wait3A_308 = arith.constant 0 : i32
    %dma_wait3A_309 = arith.constant 0 : i32
    %dma_wait3A_310 = tpu.memref_slice %arg13[%dma_wait3A_308, %dma_wait3A_309] : memref<10240x128xf32, #tpu.memory_space<vmem_shared>> -> memref<10240x128xf32, #tpu.memory_space<vmem_shared>>
    tpu.wait_indirect_dma semaphore(%arg20 : memref<!tpu.dma_semaphore, #tpu.memory_space<semaphore_mem>>) src(%arg11 : memref<64x128xf32, #tpu.memory_space<vmem>>) dst(%dma_wait3A_310 : memref<10240x128xf32, #tpu.memory_space<vmem_shared>>)
    %dma_wait3A_311 = arith.constant 39 : i32
    %dma_wait3A_312 = arith.constant 0 : i32
    %dma_wait3A_313 = tpu.memref_slice %arg8[%dma_wait3A_311, %dma_wait3A_312] : memref<40x64xi32, #tpu.memory_space<vmem>> -> memref<1x64xi32, #tpu.memory_space<vmem>>
    %dma_wait3A_314 = tpu.memref_squeeze %dma_wait3A_313 : memref<1x64xi32, #tpu.memory_space<vmem>> -> memref<64xi32, #tpu.memory_space<vmem>>
    %dma_wait3A_315 = arith.constant 0 : i32
    %dma_wait3A_316 = arith.constant 0 : i32
    %dma_wait3A_317 = tpu.memref_slice %arg13[%dma_wait3A_315, %dma_wait3A_316] : memref<10240x128xf32, #tpu.memory_space<vmem_shared>> -> memref<10240x128xf32, #tpu.memory_space<vmem_shared>>
    tpu.wait_indirect_dma semaphore(%arg21 : memref<!tpu.dma_semaphore, #tpu.memory_space<semaphore_mem>>) src(%arg12 : memref<64x128xf32, #tpu.memory_space<vmem>>) dst(%dma_wait3A_317 : memref<10240x128xf32, #tpu.memory_space<vmem_shared>>)
    %dma_start3A_318 = arith.constant 0 : i32
    %dma_start3A_319 = arith.constant 0 : i32
    %dma_start3A_320 = tpu.memref_slice %arg3[%add3A, %dma_start3A_318, %dma_start3A_319] : memref<32x160x64xi32, #tpu.memory_space<hbm>> -> memref<1x160x64xi32, #tpu.memory_space<hbm>>
    %dma_start3A_321 = tpu.memref_squeeze %dma_start3A_320 : memref<1x160x64xi32, #tpu.memory_space<hbm>> -> memref<160x64xi32, #tpu.memory_space<hbm>>
    %dma_start3A_322 = arith.constant 120 : i32
    %dma_start3A_323 = arith.constant 0 : i32
    %dma_start3A_324 = tpu.memref_slice %dma_start3A_321[%dma_start3A_322, %dma_start3A_323] : memref<160x64xi32, #tpu.memory_space<hbm>> -> memref<40x64xi32, #tpu.memory_space<hbm>>
    %dma_start3A_325 = arith.constant 0 : i32
    %dma_start3A_326 = arith.constant 0 : i32
    %dma_start3A_327 = tpu.memref_slice %arg3[%add3A, %dma_start3A_325, %dma_start3A_326] : memref<32x160x64xi32, #tpu.memory_space<hbm>> -> memref<1x160x64xi32, #tpu.memory_space<hbm>>
    %dma_start3A_328 = tpu.memref_squeeze %dma_start3A_327 : memref<1x160x64xi32, #tpu.memory_space<hbm>> -> memref<160x64xi32, #tpu.memory_space<hbm>>
    %dma_start3A_329 = arith.constant 120 : i32
    %dma_start3A_330 = arith.constant 0 : i32
    %dma_start3A_331 = tpu.memref_slice %dma_start3A_328[%dma_start3A_329, %dma_start3A_330] : memref<160x64xi32, #tpu.memory_space<hbm>> -> memref<40x64xi32, #tpu.memory_space<hbm>>
    tpu.enqueue_dma source(%dma_start3A_331 : memref<40x64xi32, #tpu.memory_space<hbm>>) target(%arg7 : memref<40x64xi32, #tpu.memory_space<vmem>>) target_semaphore(%arg23 : memref<!tpu.dma_semaphore, #tpu.memory_space<semaphore_mem>>)
    %dma_start3A_332 = arith.constant 0 : i32
    %dma_start3A_333 = arith.constant 0 : i32
    %dma_start3A_334 = tpu.memref_slice %arg4[%add3A, %dma_start3A_332, %dma_start3A_333] : memref<32x160x64xi32, #tpu.memory_space<hbm>> -> memref<1x160x64xi32, #tpu.memory_space<hbm>>
    %dma_start3A_335 = tpu.memref_squeeze %dma_start3A_334 : memref<1x160x64xi32, #tpu.memory_space<hbm>> -> memref<160x64xi32, #tpu.memory_space<hbm>>
    %dma_start3A_336 = arith.constant 120 : i32
    %dma_start3A_337 = arith.constant 0 : i32
    %dma_start3A_338 = tpu.memref_slice %dma_start3A_335[%dma_start3A_336, %dma_start3A_337] : memref<160x64xi32, #tpu.memory_space<hbm>> -> memref<40x64xi32, #tpu.memory_space<hbm>>
    %dma_start3A_339 = arith.constant 0 : i32
    %dma_start3A_340 = arith.constant 0 : i32
    %dma_start3A_341 = tpu.memref_slice %arg4[%add3A, %dma_start3A_339, %dma_start3A_340] : memref<32x160x64xi32, #tpu.memory_space<hbm>> -> memref<1x160x64xi32, #tpu.memory_space<hbm>>
    %dma_start3A_342 = tpu.memref_squeeze %dma_start3A_341 : memref<1x160x64xi32, #tpu.memory_space<hbm>> -> memref<160x64xi32, #tpu.memory_space<hbm>>
    %dma_start3A_343 = arith.constant 120 : i32
    %dma_start3A_344 = arith.constant 0 : i32
    %dma_start3A_345 = tpu.memref_slice %dma_start3A_342[%dma_start3A_343, %dma_start3A_344] : memref<160x64xi32, #tpu.memory_space<hbm>> -> memref<40x64xi32, #tpu.memory_space<hbm>>
    tpu.enqueue_dma source(%dma_start3A_345 : memref<40x64xi32, #tpu.memory_space<hbm>>) target(%arg8 : memref<40x64xi32, #tpu.memory_space<vmem>>) target_semaphore(%arg23 : memref<!tpu.dma_semaphore, #tpu.memory_space<semaphore_mem>>)
    %dma_wait3A_346 = arith.constant 0 : i32
    %dma_wait3A_347 = arith.constant 0 : i32
    %dma_wait3A_348 = tpu.memref_slice %arg3[%add3A, %dma_wait3A_346, %dma_wait3A_347] : memref<32x160x64xi32, #tpu.memory_space<hbm>> -> memref<1x160x64xi32, #tpu.memory_space<hbm>>
    %dma_wait3A_349 = tpu.memref_squeeze %dma_wait3A_348 : memref<1x160x64xi32, #tpu.memory_space<hbm>> -> memref<160x64xi32, #tpu.memory_space<hbm>>
    %dma_wait3A_350 = arith.constant 120 : i32
    %dma_wait3A_351 = arith.constant 0 : i32
    %dma_wait3A_352 = tpu.memref_slice %dma_wait3A_349[%dma_wait3A_350, %dma_wait3A_351] : memref<160x64xi32, #tpu.memory_space<hbm>> -> memref<40x64xi32, #tpu.memory_space<hbm>>
    %dma_wait3A_353 = arith.constant 0 : i32
    %dma_wait3A_354 = arith.constant 0 : i32
    %dma_wait3A_355 = tpu.memref_slice %arg3[%add3A, %dma_wait3A_353, %dma_wait3A_354] : memref<32x160x64xi32, #tpu.memory_space<hbm>> -> memref<1x160x64xi32, #tpu.memory_space<hbm>>
    %dma_wait3A_356 = tpu.memref_squeeze %dma_wait3A_355 : memref<1x160x64xi32, #tpu.memory_space<hbm>> -> memref<160x64xi32, #tpu.memory_space<hbm>>
    %dma_wait3A_357 = arith.constant 120 : i32
    %dma_wait3A_358 = arith.constant 0 : i32
    %dma_wait3A_359 = tpu.memref_slice %dma_wait3A_356[%dma_wait3A_357, %dma_wait3A_358] : memref<160x64xi32, #tpu.memory_space<hbm>> -> memref<40x64xi32, #tpu.memory_space<hbm>>
    tpu.wait_dma2 semaphore(%arg23 : memref<!tpu.dma_semaphore, #tpu.memory_space<semaphore_mem>>) src(%dma_wait3A_359 : memref<40x64xi32, #tpu.memory_space<hbm>>) dst(%arg7 : memref<40x64xi32, #tpu.memory_space<vmem>>)
    %dma_wait3A_360 = arith.constant 0 : i32
    %dma_wait3A_361 = arith.constant 0 : i32
    %dma_wait3A_362 = tpu.memref_slice %arg4[%add3A, %dma_wait3A_360, %dma_wait3A_361] : memref<32x160x64xi32, #tpu.memory_space<hbm>> -> memref<1x160x64xi32, #tpu.memory_space<hbm>>
    %dma_wait3A_363 = tpu.memref_squeeze %dma_wait3A_362 : memref<1x160x64xi32, #tpu.memory_space<hbm>> -> memref<160x64xi32, #tpu.memory_space<hbm>>
    %dma_wait3A_364 = arith.constant 120 : i32
    %dma_wait3A_365 = arith.constant 0 : i32
    %dma_wait3A_366 = tpu.memref_slice %dma_wait3A_363[%dma_wait3A_364, %dma_wait3A_365] : memref<160x64xi32, #tpu.memory_space<hbm>> -> memref<40x64xi32, #tpu.memory_space<hbm>>
    %dma_wait3A_367 = arith.constant 0 : i32
    %dma_wait3A_368 = arith.constant 0 : i32
    %dma_wait3A_369 = tpu.memref_slice %arg4[%add3A, %dma_wait3A_367, %dma_wait3A_368] : memref<32x160x64xi32, #tpu.memory_space<hbm>> -> memref<1x160x64xi32, #tpu.memory_space<hbm>>
    %dma_wait3A_370 = tpu.memref_squeeze %dma_wait3A_369 : memref<1x160x64xi32, #tpu.memory_space<hbm>> -> memref<160x64xi32, #tpu.memory_space<hbm>>
    %dma_wait3A_371 = arith.constant 120 : i32
    %dma_wait3A_372 = arith.constant 0 : i32
    %dma_wait3A_373 = tpu.memref_slice %dma_wait3A_370[%dma_wait3A_371, %dma_wait3A_372] : memref<160x64xi32, #tpu.memory_space<hbm>> -> memref<40x64xi32, #tpu.memory_space<hbm>>
    tpu.wait_dma2 semaphore(%arg23 : memref<!tpu.dma_semaphore, #tpu.memory_space<semaphore_mem>>) src(%dma_wait3A_373 : memref<40x64xi32, #tpu.memory_space<hbm>>) dst(%arg8 : memref<40x64xi32, #tpu.memory_space<vmem>>)
    %dma_start3A_374 = arith.constant 0 : i32
    %dma_start3A_375 = arith.constant 0 : i32
    %dma_start3A_376 = tpu.memref_slice %arg7[%dma_start3A_374, %dma_start3A_375] : memref<40x64xi32, #tpu.memory_space<vmem>> -> memref<1x64xi32, #tpu.memory_space<vmem>>
    %dma_start3A_377 = tpu.memref_squeeze %dma_start3A_376 : memref<1x64xi32, #tpu.memory_space<vmem>> -> memref<64xi32, #tpu.memory_space<vmem>>
    %dma_start3A_378 = arith.constant 0 : i32
    %dma_start3A_379 = arith.constant 0 : i32
    %dma_start3A_380 = tpu.memref_slice %arg2[%dma_start3A_378, %dma_start3A_379] : memref<10240x128xf32, #tpu.memory_space<hbm>> -> memref<10240x128xf32, #tpu.memory_space<hbm>>
    tpu.enqueue_indirect_dma source(%dma_start3A_380 : memref<10240x128xf32, #tpu.memory_space<hbm>>) target(%arg9 : memref<64x128xf32, #tpu.memory_space<vmem>>) offsets(%dma_start3A_377 : memref<64xi32, #tpu.memory_space<vmem>>) semaphore(%arg14 : memref<!tpu.dma_semaphore, #tpu.memory_space<semaphore_mem>>)
    %dma_start3A_381 = arith.constant 1 : i32
    %dma_start3A_382 = arith.constant 0 : i32
    %dma_start3A_383 = tpu.memref_slice %arg7[%dma_start3A_381, %dma_start3A_382] : memref<40x64xi32, #tpu.memory_space<vmem>> -> memref<1x64xi32, #tpu.memory_space<vmem>>
    %dma_start3A_384 = tpu.memref_squeeze %dma_start3A_383 : memref<1x64xi32, #tpu.memory_space<vmem>> -> memref<64xi32, #tpu.memory_space<vmem>>
    %dma_start3A_385 = arith.constant 0 : i32
    %dma_start3A_386 = arith.constant 0 : i32
    %dma_start3A_387 = tpu.memref_slice %arg2[%dma_start3A_385, %dma_start3A_386] : memref<10240x128xf32, #tpu.memory_space<hbm>> -> memref<10240x128xf32, #tpu.memory_space<hbm>>
    tpu.enqueue_indirect_dma source(%dma_start3A_387 : memref<10240x128xf32, #tpu.memory_space<hbm>>) target(%arg10 : memref<64x128xf32, #tpu.memory_space<vmem>>) offsets(%dma_start3A_384 : memref<64xi32, #tpu.memory_space<vmem>>) semaphore(%arg15 : memref<!tpu.dma_semaphore, #tpu.memory_space<semaphore_mem>>)
    %scan3A_388 = arith.constant 0 : i32
    %scan3A_389 = arith.constant 0 : i32
    %scan3A_390 = arith.constant 10 : i32
    %scan3A_391 = arith.addi %scan3A_389, %scan3A_390 : i32
    %scan3A_392 = arith.constant 1 : i32
    scf.for %scan3A_427 = %scan3A_389 to %scan3A_391 step %scan3A_392  : i32 {
      %mul3A_428 = arith.constant 4 : i32
      %mul3A_429 = arith.muli %scan3A_427, %mul3A_428 : i32
      %add3A_430 = arith.constant 0 : i32
      %add3A_431 = arith.addi %mul3A_429, %add3A_430 : i32
      %add3A_432 = arith.constant 2 : i32
      %add3A_433 = arith.addi %add3A_431, %add3A_432 : i32
      %lt3A = arith.constant 40 : i32
      %lt3A_434 = arith.cmpi slt, %add3A_433, %lt3A : i32
      %convert_element_type3A = arith.extui %lt3A_434 : i1 to i32
      %cond3A = arith.constant 0 : i32
      %cond3A_435 = arith.cmpi ne, %convert_element_type3A, %cond3A : i32
      scf.if %cond3A_435 {
        %ge3A = arith.constant 2 : i32
        %ge3A_517 = arith.cmpi sge, %add3A_431, %ge3A : i32
        %convert_element_type3A_518 = arith.extui %ge3A_517 : i1 to i32
        %cond3A_519 = arith.constant 0 : i32
        %cond3A_520 = arith.cmpi ne, %convert_element_type3A_518, %cond3A_519 : i32
        scf.if %cond3A_520 {
          %sub3A = arith.constant 2 : i32
          %sub3A_527 = arith.subi %add3A_431, %sub3A : i32
          %dma_wait3A_528 = arith.constant 0 : i32
          %dma_wait3A_529 = tpu.memref_slice %arg8[%sub3A_527, %dma_wait3A_528] : memref<40x64xi32, #tpu.memory_space<vmem>> -> memref<1x64xi32, #tpu.memory_space<vmem>>
          %dma_wait3A_530 = tpu.memref_squeeze %dma_wait3A_529 : memref<1x64xi32, #tpu.memory_space<vmem>> -> memref<64xi32, #tpu.memory_space<vmem>>
          %dma_wait3A_531 = arith.constant 0 : i32
          %dma_wait3A_532 = arith.constant 0 : i32
          %dma_wait3A_533 = tpu.memref_slice %arg13[%dma_wait3A_531, %dma_wait3A_532] : memref<10240x128xf32, #tpu.memory_space<vmem_shared>> -> memref<10240x128xf32, #tpu.memory_space<vmem_shared>>
          tpu.wait_indirect_dma semaphore(%arg20 : memref<!tpu.dma_semaphore, #tpu.memory_space<semaphore_mem>>) src(%arg11 : memref<64x128xf32, #tpu.memory_space<vmem>>) dst(%dma_wait3A_533 : memref<10240x128xf32, #tpu.memory_space<vmem_shared>>)
        } else {
        }
        %dma_start3A_521 = arith.constant 0 : i32
        %dma_start3A_522 = tpu.memref_slice %arg7[%add3A_433, %dma_start3A_521] : memref<40x64xi32, #tpu.memory_space<vmem>> -> memref<1x64xi32, #tpu.memory_space<vmem>>
        %dma_start3A_523 = tpu.memref_squeeze %dma_start3A_522 : memref<1x64xi32, #tpu.memory_space<vmem>> -> memref<64xi32, #tpu.memory_space<vmem>>
        %dma_start3A_524 = arith.constant 0 : i32
        %dma_start3A_525 = arith.constant 0 : i32
        %dma_start3A_526 = tpu.memref_slice %arg2[%dma_start3A_524, %dma_start3A_525] : memref<10240x128xf32, #tpu.memory_space<hbm>> -> memref<10240x128xf32, #tpu.memory_space<hbm>>
        tpu.enqueue_indirect_dma source(%dma_start3A_526 : memref<10240x128xf32, #tpu.memory_space<hbm>>) target(%arg11 : memref<64x128xf32, #tpu.memory_space<vmem>>) offsets(%dma_start3A_523 : memref<64xi32, #tpu.memory_space<vmem>>) semaphore(%arg16 : memref<!tpu.dma_semaphore, #tpu.memory_space<semaphore_mem>>)
      } else {
      }
      %dma_wait3A_436 = arith.constant 0 : i32
      %dma_wait3A_437 = tpu.memref_slice %arg7[%add3A_431, %dma_wait3A_436] : memref<40x64xi32, #tpu.memory_space<vmem>> -> memref<1x64xi32, #tpu.memory_space<vmem>>
      %dma_wait3A_438 = tpu.memref_squeeze %dma_wait3A_437 : memref<1x64xi32, #tpu.memory_space<vmem>> -> memref<64xi32, #tpu.memory_space<vmem>>
      %dma_wait3A_439 = arith.constant 0 : i32
      %dma_wait3A_440 = arith.constant 0 : i32
      %dma_wait3A_441 = tpu.memref_slice %arg2[%dma_wait3A_439, %dma_wait3A_440] : memref<10240x128xf32, #tpu.memory_space<hbm>> -> memref<10240x128xf32, #tpu.memory_space<hbm>>
      tpu.wait_indirect_dma semaphore(%arg14 : memref<!tpu.dma_semaphore, #tpu.memory_space<semaphore_mem>>) src(%dma_wait3A_441 : memref<10240x128xf32, #tpu.memory_space<hbm>>) dst(%arg9 : memref<64x128xf32, #tpu.memory_space<vmem>>)
      %dma_start3A_442 = arith.constant 0 : i32
      %dma_start3A_443 = tpu.memref_slice %arg8[%add3A_431, %dma_start3A_442] : memref<40x64xi32, #tpu.memory_space<vmem>> -> memref<1x64xi32, #tpu.memory_space<vmem>>
      %dma_start3A_444 = tpu.memref_squeeze %dma_start3A_443 : memref<1x64xi32, #tpu.memory_space<vmem>> -> memref<64xi32, #tpu.memory_space<vmem>>
      %dma_start3A_445 = arith.constant 0 : i32
      %dma_start3A_446 = arith.constant 0 : i32
      %dma_start3A_447 = tpu.memref_slice %arg13[%dma_start3A_445, %dma_start3A_446] : memref<10240x128xf32, #tpu.memory_space<vmem_shared>> -> memref<10240x128xf32, #tpu.memory_space<vmem_shared>>
      tpu.enqueue_indirect_dma source(%arg9 : memref<64x128xf32, #tpu.memory_space<vmem>>) target(%dma_start3A_447 : memref<10240x128xf32, #tpu.memory_space<vmem_shared>>) offsets(%dma_start3A_444 : memref<64xi32, #tpu.memory_space<vmem>>) semaphore(%arg18 : memref<!tpu.dma_semaphore, #tpu.memory_space<semaphore_mem>>) {add = true}
      %mul3A_448 = arith.constant 4 : i32
      %mul3A_449 = arith.muli %scan3A_427, %mul3A_448 : i32
      %add3A_450 = arith.constant 1 : i32
      %add3A_451 = arith.addi %mul3A_449, %add3A_450 : i32
      %add3A_452 = arith.constant 2 : i32
      %add3A_453 = arith.addi %add3A_451, %add3A_452 : i32
      %lt3A_454 = arith.constant 40 : i32
      %lt3A_455 = arith.cmpi slt, %add3A_453, %lt3A_454 : i32
      %convert_element_type3A_456 = arith.extui %lt3A_455 : i1 to i32
      %cond3A_457 = arith.constant 0 : i32
      %cond3A_458 = arith.cmpi ne, %convert_element_type3A_456, %cond3A_457 : i32
      scf.if %cond3A_458 {
        %ge3A = arith.constant 2 : i32
        %ge3A_517 = arith.cmpi sge, %add3A_451, %ge3A : i32
        %convert_element_type3A_518 = arith.extui %ge3A_517 : i1 to i32
        %cond3A_519 = arith.constant 0 : i32
        %cond3A_520 = arith.cmpi ne, %convert_element_type3A_518, %cond3A_519 : i32
        scf.if %cond3A_520 {
          %sub3A = arith.constant 2 : i32
          %sub3A_527 = arith.subi %add3A_451, %sub3A : i32
          %dma_wait3A_528 = arith.constant 0 : i32
          %dma_wait3A_529 = tpu.memref_slice %arg8[%sub3A_527, %dma_wait3A_528] : memref<40x64xi32, #tpu.memory_space<vmem>> -> memref<1x64xi32, #tpu.memory_space<vmem>>
          %dma_wait3A_530 = tpu.memref_squeeze %dma_wait3A_529 : memref<1x64xi32, #tpu.memory_space<vmem>> -> memref<64xi32, #tpu.memory_space<vmem>>
          %dma_wait3A_531 = arith.constant 0 : i32
          %dma_wait3A_532 = arith.constant 0 : i32
          %dma_wait3A_533 = tpu.memref_slice %arg13[%dma_wait3A_531, %dma_wait3A_532] : memref<10240x128xf32, #tpu.memory_space<vmem_shared>> -> memref<10240x128xf32, #tpu.memory_space<vmem_shared>>
          tpu.wait_indirect_dma semaphore(%arg21 : memref<!tpu.dma_semaphore, #tpu.memory_space<semaphore_mem>>) src(%arg12 : memref<64x128xf32, #tpu.memory_space<vmem>>) dst(%dma_wait3A_533 : memref<10240x128xf32, #tpu.memory_space<vmem_shared>>)
        } else {
        }
        %dma_start3A_521 = arith.constant 0 : i32
        %dma_start3A_522 = tpu.memref_slice %arg7[%add3A_453, %dma_start3A_521] : memref<40x64xi32, #tpu.memory_space<vmem>> -> memref<1x64xi32, #tpu.memory_space<vmem>>
        %dma_start3A_523 = tpu.memref_squeeze %dma_start3A_522 : memref<1x64xi32, #tpu.memory_space<vmem>> -> memref<64xi32, #tpu.memory_space<vmem>>
        %dma_start3A_524 = arith.constant 0 : i32
        %dma_start3A_525 = arith.constant 0 : i32
        %dma_start3A_526 = tpu.memref_slice %arg2[%dma_start3A_524, %dma_start3A_525] : memref<10240x128xf32, #tpu.memory_space<hbm>> -> memref<10240x128xf32, #tpu.memory_space<hbm>>
        tpu.enqueue_indirect_dma source(%dma_start3A_526 : memref<10240x128xf32, #tpu.memory_space<hbm>>) target(%arg12 : memref<64x128xf32, #tpu.memory_space<vmem>>) offsets(%dma_start3A_523 : memref<64xi32, #tpu.memory_space<vmem>>) semaphore(%arg17 : memref<!tpu.dma_semaphore, #tpu.memory_space<semaphore_mem>>)
      } else {
      }
      %dma_wait3A_459 = arith.constant 0 : i32
      %dma_wait3A_460 = tpu.memref_slice %arg7[%add3A_451, %dma_wait3A_459] : memref<40x64xi32, #tpu.memory_space<vmem>> -> memref<1x64xi32, #tpu.memory_space<vmem>>
      %dma_wait3A_461 = tpu.memref_squeeze %dma_wait3A_460 : memref<1x64xi32, #tpu.memory_space<vmem>> -> memref<64xi32, #tpu.memory_space<vmem>>
      %dma_wait3A_462 = arith.constant 0 : i32
      %dma_wait3A_463 = arith.constant 0 : i32
      %dma_wait3A_464 = tpu.memref_slice %arg2[%dma_wait3A_462, %dma_wait3A_463] : memref<10240x128xf32, #tpu.memory_space<hbm>> -> memref<10240x128xf32, #tpu.memory_space<hbm>>
      tpu.wait_indirect_dma semaphore(%arg15 : memref<!tpu.dma_semaphore, #tpu.memory_space<semaphore_mem>>) src(%dma_wait3A_464 : memref<10240x128xf32, #tpu.memory_space<hbm>>) dst(%arg10 : memref<64x128xf32, #tpu.memory_space<vmem>>)
      %dma_start3A_465 = arith.constant 0 : i32
      %dma_start3A_466 = tpu.memref_slice %arg8[%add3A_451, %dma_start3A_465] : memref<40x64xi32, #tpu.memory_space<vmem>> -> memref<1x64xi32, #tpu.memory_space<vmem>>
      %dma_start3A_467 = tpu.memref_squeeze %dma_start3A_466 : memref<1x64xi32, #tpu.memory_space<vmem>> -> memref<64xi32, #tpu.memory_space<vmem>>
      %dma_start3A_468 = arith.constant 0 : i32
      %dma_start3A_469 = arith.constant 0 : i32
      %dma_start3A_470 = tpu.memref_slice %arg13[%dma_start3A_468, %dma_start3A_469] : memref<10240x128xf32, #tpu.memory_space<vmem_shared>> -> memref<10240x128xf32, #tpu.memory_space<vmem_shared>>
      tpu.enqueue_indirect_dma source(%arg10 : memref<64x128xf32, #tpu.memory_space<vmem>>) target(%dma_start3A_470 : memref<10240x128xf32, #tpu.memory_space<vmem_shared>>) offsets(%dma_start3A_467 : memref<64xi32, #tpu.memory_space<vmem>>) semaphore(%arg19 : memref<!tpu.dma_semaphore, #tpu.memory_space<semaphore_mem>>) {add = true}
      %mul3A_471 = arith.constant 4 : i32
      %mul3A_472 = arith.muli %scan3A_427, %mul3A_471 : i32
      %add3A_473 = arith.constant 2 : i32
      %add3A_474 = arith.addi %mul3A_472, %add3A_473 : i32
      %add3A_475 = arith.constant 2 : i32
      %add3A_476 = arith.addi %add3A_474, %add3A_475 : i32
      %lt3A_477 = arith.constant 40 : i32
      %lt3A_478 = arith.cmpi slt, %add3A_476, %lt3A_477 : i32
      %convert_element_type3A_479 = arith.extui %lt3A_478 : i1 to i32
      %cond3A_480 = arith.constant 0 : i32
      %cond3A_481 = arith.cmpi ne, %convert_element_type3A_479, %cond3A_480 : i32
      scf.if %cond3A_481 {
        %ge3A = arith.constant 2 : i32
        %ge3A_517 = arith.cmpi sge, %add3A_474, %ge3A : i32
        %convert_element_type3A_518 = arith.extui %ge3A_517 : i1 to i32
        %cond3A_519 = arith.constant 0 : i32
        %cond3A_520 = arith.cmpi ne, %convert_element_type3A_518, %cond3A_519 : i32
        scf.if %cond3A_520 {
          %sub3A = arith.constant 2 : i32
          %sub3A_527 = arith.subi %add3A_474, %sub3A : i32
          %dma_wait3A_528 = arith.constant 0 : i32
          %dma_wait3A_529 = tpu.memref_slice %arg8[%sub3A_527, %dma_wait3A_528] : memref<40x64xi32, #tpu.memory_space<vmem>> -> memref<1x64xi32, #tpu.memory_space<vmem>>
          %dma_wait3A_530 = tpu.memref_squeeze %dma_wait3A_529 : memref<1x64xi32, #tpu.memory_space<vmem>> -> memref<64xi32, #tpu.memory_space<vmem>>
          %dma_wait3A_531 = arith.constant 0 : i32
          %dma_wait3A_532 = arith.constant 0 : i32
          %dma_wait3A_533 = tpu.memref_slice %arg13[%dma_wait3A_531, %dma_wait3A_532] : memref<10240x128xf32, #tpu.memory_space<vmem_shared>> -> memref<10240x128xf32, #tpu.memory_space<vmem_shared>>
          tpu.wait_indirect_dma semaphore(%arg18 : memref<!tpu.dma_semaphore, #tpu.memory_space<semaphore_mem>>) src(%arg9 : memref<64x128xf32, #tpu.memory_space<vmem>>) dst(%dma_wait3A_533 : memref<10240x128xf32, #tpu.memory_space<vmem_shared>>)
        } else {
        }
        %dma_start3A_521 = arith.constant 0 : i32
        %dma_start3A_522 = tpu.memref_slice %arg7[%add3A_476, %dma_start3A_521] : memref<40x64xi32, #tpu.memory_space<vmem>> -> memref<1x64xi32, #tpu.memory_space<vmem>>
        %dma_start3A_523 = tpu.memref_squeeze %dma_start3A_522 : memref<1x64xi32, #tpu.memory_space<vmem>> -> memref<64xi32, #tpu.memory_space<vmem>>
        %dma_start3A_524 = arith.constant 0 : i32
        %dma_start3A_525 = arith.constant 0 : i32
        %dma_start3A_526 = tpu.memref_slice %arg2[%dma_start3A_524, %dma_start3A_525] : memref<10240x128xf32, #tpu.memory_space<hbm>> -> memref<10240x128xf32, #tpu.memory_space<hbm>>
        tpu.enqueue_indirect_dma source(%dma_start3A_526 : memref<10240x128xf32, #tpu.memory_space<hbm>>) target(%arg9 : memref<64x128xf32, #tpu.memory_space<vmem>>) offsets(%dma_start3A_523 : memref<64xi32, #tpu.memory_space<vmem>>) semaphore(%arg14 : memref<!tpu.dma_semaphore, #tpu.memory_space<semaphore_mem>>)
      } else {
      }
      %dma_wait3A_482 = arith.constant 0 : i32
      %dma_wait3A_483 = tpu.memref_slice %arg7[%add3A_474, %dma_wait3A_482] : memref<40x64xi32, #tpu.memory_space<vmem>> -> memref<1x64xi32, #tpu.memory_space<vmem>>
      %dma_wait3A_484 = tpu.memref_squeeze %dma_wait3A_483 : memref<1x64xi32, #tpu.memory_space<vmem>> -> memref<64xi32, #tpu.memory_space<vmem>>
      %dma_wait3A_485 = arith.constant 0 : i32
      %dma_wait3A_486 = arith.constant 0 : i32
      %dma_wait3A_487 = tpu.memref_slice %arg2[%dma_wait3A_485, %dma_wait3A_486] : memref<10240x128xf32, #tpu.memory_space<hbm>> -> memref<10240x128xf32, #tpu.memory_space<hbm>>
      tpu.wait_indirect_dma semaphore(%arg16 : memref<!tpu.dma_semaphore, #tpu.memory_space<semaphore_mem>>) src(%dma_wait3A_487 : memref<10240x128xf32, #tpu.memory_space<hbm>>) dst(%arg11 : memref<64x128xf32, #tpu.memory_space<vmem>>)
      %dma_start3A_488 = arith.constant 0 : i32
      %dma_start3A_489 = tpu.memref_slice %arg8[%add3A_474, %dma_start3A_488] : memref<40x64xi32, #tpu.memory_space<vmem>> -> memref<1x64xi32, #tpu.memory_space<vmem>>
      %dma_start3A_490 = tpu.memref_squeeze %dma_start3A_489 : memref<1x64xi32, #tpu.memory_space<vmem>> -> memref<64xi32, #tpu.memory_space<vmem>>
      %dma_start3A_491 = arith.constant 0 : i32
      %dma_start3A_492 = arith.constant 0 : i32
      %dma_start3A_493 = tpu.memref_slice %arg13[%dma_start3A_491, %dma_start3A_492] : memref<10240x128xf32, #tpu.memory_space<vmem_shared>> -> memref<10240x128xf32, #tpu.memory_space<vmem_shared>>
      tpu.enqueue_indirect_dma source(%arg11 : memref<64x128xf32, #tpu.memory_space<vmem>>) target(%dma_start3A_493 : memref<10240x128xf32, #tpu.memory_space<vmem_shared>>) offsets(%dma_start3A_490 : memref<64xi32, #tpu.memory_space<vmem>>) semaphore(%arg20 : memref<!tpu.dma_semaphore, #tpu.memory_space<semaphore_mem>>) {add = true}
      %mul3A_494 = arith.constant 4 : i32
      %mul3A_495 = arith.muli %scan3A_427, %mul3A_494 : i32
      %add3A_496 = arith.constant 3 : i32
      %add3A_497 = arith.addi %mul3A_495, %add3A_496 : i32
      %add3A_498 = arith.constant 2 : i32
      %add3A_499 = arith.addi %add3A_497, %add3A_498 : i32
      %lt3A_500 = arith.constant 40 : i32
      %lt3A_501 = arith.cmpi slt, %add3A_499, %lt3A_500 : i32
      %convert_element_type3A_502 = arith.extui %lt3A_501 : i1 to i32
      %cond3A_503 = arith.constant 0 : i32
      %cond3A_504 = arith.cmpi ne, %convert_element_type3A_502, %cond3A_503 : i32
      scf.if %cond3A_504 {
        %ge3A = arith.constant 2 : i32
        %ge3A_517 = arith.cmpi sge, %add3A_497, %ge3A : i32
        %convert_element_type3A_518 = arith.extui %ge3A_517 : i1 to i32
        %cond3A_519 = arith.constant 0 : i32
        %cond3A_520 = arith.cmpi ne, %convert_element_type3A_518, %cond3A_519 : i32
        scf.if %cond3A_520 {
          %sub3A = arith.constant 2 : i32
          %sub3A_527 = arith.subi %add3A_497, %sub3A : i32
          %dma_wait3A_528 = arith.constant 0 : i32
          %dma_wait3A_529 = tpu.memref_slice %arg8[%sub3A_527, %dma_wait3A_528] : memref<40x64xi32, #tpu.memory_space<vmem>> -> memref<1x64xi32, #tpu.memory_space<vmem>>
          %dma_wait3A_530 = tpu.memref_squeeze %dma_wait3A_529 : memref<1x64xi32, #tpu.memory_space<vmem>> -> memref<64xi32, #tpu.memory_space<vmem>>
          %dma_wait3A_531 = arith.constant 0 : i32
          %dma_wait3A_532 = arith.constant 0 : i32
          %dma_wait3A_533 = tpu.memref_slice %arg13[%dma_wait3A_531, %dma_wait3A_532] : memref<10240x128xf32, #tpu.memory_space<vmem_shared>> -> memref<10240x128xf32, #tpu.memory_space<vmem_shared>>
          tpu.wait_indirect_dma semaphore(%arg19 : memref<!tpu.dma_semaphore, #tpu.memory_space<semaphore_mem>>) src(%arg10 : memref<64x128xf32, #tpu.memory_space<vmem>>) dst(%dma_wait3A_533 : memref<10240x128xf32, #tpu.memory_space<vmem_shared>>)
        } else {
        }
        %dma_start3A_521 = arith.constant 0 : i32
        %dma_start3A_522 = tpu.memref_slice %arg7[%add3A_499, %dma_start3A_521] : memref<40x64xi32, #tpu.memory_space<vmem>> -> memref<1x64xi32, #tpu.memory_space<vmem>>
        %dma_start3A_523 = tpu.memref_squeeze %dma_start3A_522 : memref<1x64xi32, #tpu.memory_space<vmem>> -> memref<64xi32, #tpu.memory_space<vmem>>
        %dma_start3A_524 = arith.constant 0 : i32
        %dma_start3A_525 = arith.constant 0 : i32
        %dma_start3A_526 = tpu.memref_slice %arg2[%dma_start3A_524, %dma_start3A_525] : memref<10240x128xf32, #tpu.memory_space<hbm>> -> memref<10240x128xf32, #tpu.memory_space<hbm>>
        tpu.enqueue_indirect_dma source(%dma_start3A_526 : memref<10240x128xf32, #tpu.memory_space<hbm>>) target(%arg10 : memref<64x128xf32, #tpu.memory_space<vmem>>) offsets(%dma_start3A_523 : memref<64xi32, #tpu.memory_space<vmem>>) semaphore(%arg15 : memref<!tpu.dma_semaphore, #tpu.memory_space<semaphore_mem>>)
      } else {
      }
      %dma_wait3A_505 = arith.constant 0 : i32
      %dma_wait3A_506 = tpu.memref_slice %arg7[%add3A_497, %dma_wait3A_505] : memref<40x64xi32, #tpu.memory_space<vmem>> -> memref<1x64xi32, #tpu.memory_space<vmem>>
      %dma_wait3A_507 = tpu.memref_squeeze %dma_wait3A_506 : memref<1x64xi32, #tpu.memory_space<vmem>> -> memref<64xi32, #tpu.memory_space<vmem>>
      %dma_wait3A_508 = arith.constant 0 : i32
      %dma_wait3A_509 = arith.constant 0 : i32
      %dma_wait3A_510 = tpu.memref_slice %arg2[%dma_wait3A_508, %dma_wait3A_509] : memref<10240x128xf32, #tpu.memory_space<hbm>> -> memref<10240x128xf32, #tpu.memory_space<hbm>>
      tpu.wait_indirect_dma semaphore(%arg17 : memref<!tpu.dma_semaphore, #tpu.memory_space<semaphore_mem>>) src(%dma_wait3A_510 : memref<10240x128xf32, #tpu.memory_space<hbm>>) dst(%arg12 : memref<64x128xf32, #tpu.memory_space<vmem>>)
      %dma_start3A_511 = arith.constant 0 : i32
      %dma_start3A_512 = tpu.memref_slice %arg8[%add3A_497, %dma_start3A_511] : memref<40x64xi32, #tpu.memory_space<vmem>> -> memref<1x64xi32, #tpu.memory_space<vmem>>
      %dma_start3A_513 = tpu.memref_squeeze %dma_start3A_512 : memref<1x64xi32, #tpu.memory_space<vmem>> -> memref<64xi32, #tpu.memory_space<vmem>>
      %dma_start3A_514 = arith.constant 0 : i32
      %dma_start3A_515 = arith.constant 0 : i32
      %dma_start3A_516 = tpu.memref_slice %arg13[%dma_start3A_514, %dma_start3A_515] : memref<10240x128xf32, #tpu.memory_space<vmem_shared>> -> memref<10240x128xf32, #tpu.memory_space<vmem_shared>>
      tpu.enqueue_indirect_dma source(%arg12 : memref<64x128xf32, #tpu.memory_space<vmem>>) target(%dma_start3A_516 : memref<10240x128xf32, #tpu.memory_space<vmem_shared>>) offsets(%dma_start3A_513 : memref<64xi32, #tpu.memory_space<vmem>>) semaphore(%arg21 : memref<!tpu.dma_semaphore, #tpu.memory_space<semaphore_mem>>) {add = true}
    }
    %scan3A_393 = arith.constant 10 : i32
    %dma_wait3A_394 = arith.constant 36 : i32
    %dma_wait3A_395 = arith.constant 0 : i32
    %dma_wait3A_396 = tpu.memref_slice %arg8[%dma_wait3A_394, %dma_wait3A_395] : memref<40x64xi32, #tpu.memory_space<vmem>> -> memref<1x64xi32, #tpu.memory_space<vmem>>
    %dma_wait3A_397 = tpu.memref_squeeze %dma_wait3A_396 : memref<1x64xi32, #tpu.memory_space<vmem>> -> memref<64xi32, #tpu.memory_space<vmem>>
    %dma_wait3A_398 = arith.constant 0 : i32
    %dma_wait3A_399 = arith.constant 0 : i32
    %dma_wait3A_400 = tpu.memref_slice %arg13[%dma_wait3A_398, %dma_wait3A_399] : memref<10240x128xf32, #tpu.memory_space<vmem_shared>> -> memref<10240x128xf32, #tpu.memory_space<vmem_shared>>
    tpu.wait_indirect_dma semaphore(%arg18 : memref<!tpu.dma_semaphore, #tpu.memory_space<semaphore_mem>>) src(%arg9 : memref<64x128xf32, #tpu.memory_space<vmem>>) dst(%dma_wait3A_400 : memref<10240x128xf32, #tpu.memory_space<vmem_shared>>)
    %dma_wait3A_401 = arith.constant 37 : i32
    %dma_wait3A_402 = arith.constant 0 : i32
    %dma_wait3A_403 = tpu.memref_slice %arg8[%dma_wait3A_401, %dma_wait3A_402] : memref<40x64xi32, #tpu.memory_space<vmem>> -> memref<1x64xi32, #tpu.memory_space<vmem>>
    %dma_wait3A_404 = tpu.memref_squeeze %dma_wait3A_403 : memref<1x64xi32, #tpu.memory_space<vmem>> -> memref<64xi32, #tpu.memory_space<vmem>>
    %dma_wait3A_405 = arith.constant 0 : i32
    %dma_wait3A_406 = arith.constant 0 : i32
    %dma_wait3A_407 = tpu.memref_slice %arg13[%dma_wait3A_405, %dma_wait3A_406] : memref<10240x128xf32, #tpu.memory_space<vmem_shared>> -> memref<10240x128xf32, #tpu.memory_space<vmem_shared>>
    tpu.wait_indirect_dma semaphore(%arg19 : memref<!tpu.dma_semaphore, #tpu.memory_space<semaphore_mem>>) src(%arg10 : memref<64x128xf32, #tpu.memory_space<vmem>>) dst(%dma_wait3A_407 : memref<10240x128xf32, #tpu.memory_space<vmem_shared>>)
    %dma_wait3A_408 = arith.constant 38 : i32
    %dma_wait3A_409 = arith.constant 0 : i32
    %dma_wait3A_410 = tpu.memref_slice %arg8[%dma_wait3A_408, %dma_wait3A_409] : memref<40x64xi32, #tpu.memory_space<vmem>> -> memref<1x64xi32, #tpu.memory_space<vmem>>
    %dma_wait3A_411 = tpu.memref_squeeze %dma_wait3A_410 : memref<1x64xi32, #tpu.memory_space<vmem>> -> memref<64xi32, #tpu.memory_space<vmem>>
    %dma_wait3A_412 = arith.constant 0 : i32
    %dma_wait3A_413 = arith.constant 0 : i32
    %dma_wait3A_414 = tpu.memref_slice %arg13[%dma_wait3A_412, %dma_wait3A_413] : memref<10240x128xf32, #tpu.memory_space<vmem_shared>> -> memref<10240x128xf32, #tpu.memory_space<vmem_shared>>
    tpu.wait_indirect_dma semaphore(%arg20 : memref<!tpu.dma_semaphore, #tpu.memory_space<semaphore_mem>>) src(%arg11 : memref<64x128xf32, #tpu.memory_space<vmem>>) dst(%dma_wait3A_414 : memref<10240x128xf32, #tpu.memory_space<vmem_shared>>)
    %dma_wait3A_415 = arith.constant 39 : i32
    %dma_wait3A_416 = arith.constant 0 : i32
    %dma_wait3A_417 = tpu.memref_slice %arg8[%dma_wait3A_415, %dma_wait3A_416] : memref<40x64xi32, #tpu.memory_space<vmem>> -> memref<1x64xi32, #tpu.memory_space<vmem>>
    %dma_wait3A_418 = tpu.memref_squeeze %dma_wait3A_417 : memref<1x64xi32, #tpu.memory_space<vmem>> -> memref<64xi32, #tpu.memory_space<vmem>>
    %dma_wait3A_419 = arith.constant 0 : i32
    %dma_wait3A_420 = arith.constant 0 : i32
    %dma_wait3A_421 = tpu.memref_slice %arg13[%dma_wait3A_419, %dma_wait3A_420] : memref<10240x128xf32, #tpu.memory_space<vmem_shared>> -> memref<10240x128xf32, #tpu.memory_space<vmem_shared>>
    tpu.wait_indirect_dma semaphore(%arg21 : memref<!tpu.dma_semaphore, #tpu.memory_space<semaphore_mem>>) src(%arg12 : memref<64x128xf32, #tpu.memory_space<vmem>>) dst(%dma_wait3A_421 : memref<10240x128xf32, #tpu.memory_space<vmem_shared>>)
    %barrier3A_422 = arith.constant 0 : index
    tpu.barrier barrier_id(%barrier3A_422)
    %mul3A_423 = arith.constant 640 : i32
    %mul3A_424 = arith.muli %arg1, %mul3A_423 : i32
    %mul3A_425 = arith.constant 640 : i32
    %mul3A_426 = arith.muli %arg1, %mul3A_425 : i32
    "tpu.region"() ({
      %run_scoped3A = tpu.sem_alloc : memref<!tpu.dma_semaphore, #tpu.memory_space<semaphore_mem>>
      %dma_start3A_427 = arith.constant 0 : i32
      %dma_start3A_428 = arith.constant 0 : i32
      %dma_start3A_429 = tpu.memref_slice %arg6[%arg0, %dma_start3A_427, %dma_start3A_428] : memref<2x10240x128xf32, #tpu.memory_space<hbm>> -> memref<1x10240x128xf32, #tpu.memory_space<hbm>>
      %dma_start3A_430 = tpu.memref_squeeze %dma_start3A_429 : memref<1x10240x128xf32, #tpu.memory_space<hbm>> -> memref<10240x128xf32, #tpu.memory_space<hbm>>
      %dma_start3A_431 = arith.constant 0 : i32
      %dma_start3A_432 = tpu.memref_slice %dma_start3A_430[%mul3A_426, %dma_start3A_431] : memref<10240x128xf32, #tpu.memory_space<hbm>> -> memref<640x128xf32, #tpu.memory_space<hbm>>
      %dma_start3A_433 = arith.constant 0 : i32
      %dma_start3A_434 = tpu.memref_slice %arg13[%mul3A_424, %dma_start3A_433] : memref<10240x128xf32, #tpu.memory_space<vmem_shared>> -> memref<640x128xf32, #tpu.memory_space<vmem_shared>>
      tpu.enqueue_dma source(%dma_start3A_434 : memref<640x128xf32, #tpu.memory_space<vmem_shared>>) target(%dma_start3A_432 : memref<640x128xf32, #tpu.memory_space<hbm>>) target_semaphore(%run_scoped3A : memref<!tpu.dma_semaphore, #tpu.memory_space<semaphore_mem>>)
      %dma_wait3A_435 = arith.constant 0 : i32
      %dma_wait3A_436 = arith.constant 0 : i32
      %dma_wait3A_437 = tpu.memref_slice %arg6[%arg0, %dma_wait3A_435, %dma_wait3A_436] : memref<2x10240x128xf32, #tpu.memory_space<hbm>> -> memref<1x10240x128xf32, #tpu.memory_space<hbm>>
      %dma_wait3A_438 = tpu.memref_squeeze %dma_wait3A_437 : memref<1x10240x128xf32, #tpu.memory_space<hbm>> -> memref<10240x128xf32, #tpu.memory_space<hbm>>
      %dma_wait3A_439 = arith.constant 0 : i32
      %dma_wait3A_440 = tpu.memref_slice %dma_wait3A_438[%mul3A_426, %dma_wait3A_439] : memref<10240x128xf32, #tpu.memory_space<hbm>> -> memref<640x128xf32, #tpu.memory_space<hbm>>
      %dma_wait3A_441 = arith.constant 0 : i32
      %dma_wait3A_442 = tpu.memref_slice %arg13[%mul3A_424, %dma_wait3A_441] : memref<10240x128xf32, #tpu.memory_space<vmem_shared>> -> memref<640x128xf32, #tpu.memory_space<vmem_shared>>
      tpu.wait_dma2 semaphore(%run_scoped3A : memref<!tpu.dma_semaphore, #tpu.memory_space<semaphore_mem>>) src(%dma_wait3A_442 : memref<640x128xf32, #tpu.memory_space<vmem_shared>>) dst(%dma_wait3A_440 : memref<640x128xf32, #tpu.memory_space<hbm>>)
      tpu.yield
    }) : () -> ()
    return
  }
}

#map = affine_map<(d0, d1) -> (0, 0, 0)>
#map1 = affine_map<(d0, d1) -> (0)>
#map2 = affine_map<(d0, d1) -> (0, 0)>
module attributes {stable_mosaic.version = 14 : i64} {
  func.func @deg_kernel(%arg0: i32, %arg1: i32, %arg2: memref<32x160x64xi32, #tpu.memory_space<hbm>>, %arg3: memref<10240xf32, #tpu.memory_space<hbm>>, %arg4: memref<2x10240xf32, #tpu.memory_space<hbm>>, %arg5: memref<160x64xi32, #tpu.memory_space<vmem>>, %arg6: memref<64xf32, #tpu.memory_space<vmem>>, %arg7: memref<10240xf32, #tpu.memory_space<vmem_shared>>, %arg8: memref<!tpu.dma_semaphore, #tpu.memory_space<semaphore_mem>>) attributes {dimension_semantics = [#tpu.dimension_semantics<core_parallel>, #tpu.dimension_semantics<subcore_parallel>], iteration_bounds = array<i64: 2, 16>, scalar_prefetch = 0 : i64, scratch_operands = 4 : i64, tpu.core_type = #tpu.core_type<sc_vector_subcore>, window_params = [{transform_indices = #map}, {transform_indices = #map1}, {transform_indices = #map2}]} {
    %mul3A = arith.constant 16 : i32
    %mul3A_0 = arith.muli %arg0, %mul3A : i32
    %add3A = arith.addi %mul3A_0, %arg1 : i32
    "tpu.region"() ({
      %run_scoped3A = tpu.sem_alloc : memref<!tpu.dma_semaphore, #tpu.memory_space<semaphore_mem>>
      %dma_start3A = arith.constant 0 : i32
      %dma_start3A_37 = arith.constant 0 : i32
      %dma_start3A_38 = tpu.memref_slice %arg2[%add3A, %dma_start3A, %dma_start3A_37] : memref<32x160x64xi32, #tpu.memory_space<hbm>> -> memref<1x160x64xi32, #tpu.memory_space<hbm>>
      %dma_start3A_39 = tpu.memref_squeeze %dma_start3A_38 : memref<1x160x64xi32, #tpu.memory_space<hbm>> -> memref<160x64xi32, #tpu.memory_space<hbm>>
      %dma_start3A_40 = arith.constant 0 : i32
      %dma_start3A_41 = arith.constant 0 : i32
      %dma_start3A_42 = tpu.memref_slice %arg2[%add3A, %dma_start3A_40, %dma_start3A_41] : memref<32x160x64xi32, #tpu.memory_space<hbm>> -> memref<1x160x64xi32, #tpu.memory_space<hbm>>
      %dma_start3A_43 = tpu.memref_squeeze %dma_start3A_42 : memref<1x160x64xi32, #tpu.memory_space<hbm>> -> memref<160x64xi32, #tpu.memory_space<hbm>>
      tpu.enqueue_dma source(%dma_start3A_43 : memref<160x64xi32, #tpu.memory_space<hbm>>) target(%arg5 : memref<160x64xi32, #tpu.memory_space<vmem>>) target_semaphore(%run_scoped3A : memref<!tpu.dma_semaphore, #tpu.memory_space<semaphore_mem>>)
      %dma_wait3A = arith.constant 0 : i32
      %dma_wait3A_44 = arith.constant 0 : i32
      %dma_wait3A_45 = tpu.memref_slice %arg2[%add3A, %dma_wait3A, %dma_wait3A_44] : memref<32x160x64xi32, #tpu.memory_space<hbm>> -> memref<1x160x64xi32, #tpu.memory_space<hbm>>
      %dma_wait3A_46 = tpu.memref_squeeze %dma_wait3A_45 : memref<1x160x64xi32, #tpu.memory_space<hbm>> -> memref<160x64xi32, #tpu.memory_space<hbm>>
      %dma_wait3A_47 = arith.constant 0 : i32
      %dma_wait3A_48 = arith.constant 0 : i32
      %dma_wait3A_49 = tpu.memref_slice %arg2[%add3A, %dma_wait3A_47, %dma_wait3A_48] : memref<32x160x64xi32, #tpu.memory_space<hbm>> -> memref<1x160x64xi32, #tpu.memory_space<hbm>>
      %dma_wait3A_50 = tpu.memref_squeeze %dma_wait3A_49 : memref<1x160x64xi32, #tpu.memory_space<hbm>> -> memref<160x64xi32, #tpu.memory_space<hbm>>
      tpu.wait_dma2 semaphore(%run_scoped3A : memref<!tpu.dma_semaphore, #tpu.memory_space<semaphore_mem>>) src(%dma_wait3A_50 : memref<160x64xi32, #tpu.memory_space<hbm>>) dst(%arg5 : memref<160x64xi32, #tpu.memory_space<vmem>>)
      tpu.yield
    }) : () -> ()
    %broadcast_in_dim3A = arith.constant 1.000000e+00 : f32
    %broadcast_in_dim3A_1 = vector.broadcast %broadcast_in_dim3A : f32 to vector<16xf32>
    %swap3A = arith.constant 0 : index
    %swap3A_2 = tpu.vector_load %arg6[%swap3A] {strides = array<i32>} : memref<64xf32, #tpu.memory_space<vmem>>, vector<16xf32>,
    %swap3A_3 = vector.shape_cast %swap3A_2 : vector<16xf32> to vector<16xf32>
    %swap3A_4 = vector.shape_cast %broadcast_in_dim3A_1 : vector<16xf32> to vector<16xf32>
    tpu.vector_store %arg6[%swap3A], %swap3A_4 {strides = array<i32>} : memref<64xf32, #tpu.memory_space<vmem>>, vector<16xf32>,
    %broadcast_in_dim3A_5 = arith.constant 1.000000e+00 : f32
    %broadcast_in_dim3A_6 = vector.broadcast %broadcast_in_dim3A_5 : f32 to vector<16xf32>
    %swap3A_7 = arith.constant 16 : index
    %swap3A_8 = tpu.vector_load %arg6[%swap3A_7] {strides = array<i32>} : memref<64xf32, #tpu.memory_space<vmem>>, vector<16xf32>,
    %swap3A_9 = vector.shape_cast %swap3A_8 : vector<16xf32> to vector<16xf32>
    %swap3A_10 = vector.shape_cast %broadcast_in_dim3A_6 : vector<16xf32> to vector<16xf32>
    tpu.vector_store %arg6[%swap3A_7], %swap3A_10 {strides = array<i32>} : memref<64xf32, #tpu.memory_space<vmem>>, vector<16xf32>,
    %broadcast_in_dim3A_11 = arith.constant 1.000000e+00 : f32
    %broadcast_in_dim3A_12 = vector.broadcast %broadcast_in_dim3A_11 : f32 to vector<16xf32>
    %swap3A_13 = arith.constant 32 : index
    %swap3A_14 = tpu.vector_load %arg6[%swap3A_13] {strides = array<i32>} : memref<64xf32, #tpu.memory_space<vmem>>, vector<16xf32>,
    %swap3A_15 = vector.shape_cast %swap3A_14 : vector<16xf32> to vector<16xf32>
    %swap3A_16 = vector.shape_cast %broadcast_in_dim3A_12 : vector<16xf32> to vector<16xf32>
    tpu.vector_store %arg6[%swap3A_13], %swap3A_16 {strides = array<i32>} : memref<64xf32, #tpu.memory_space<vmem>>, vector<16xf32>,
    %broadcast_in_dim3A_17 = arith.constant 1.000000e+00 : f32
    %broadcast_in_dim3A_18 = vector.broadcast %broadcast_in_dim3A_17 : f32 to vector<16xf32>
    %swap3A_19 = arith.constant 48 : index
    %swap3A_20 = tpu.vector_load %arg6[%swap3A_19] {strides = array<i32>} : memref<64xf32, #tpu.memory_space<vmem>>, vector<16xf32>,
    %swap3A_21 = vector.shape_cast %swap3A_20 : vector<16xf32> to vector<16xf32>
    %swap3A_22 = vector.shape_cast %broadcast_in_dim3A_18 : vector<16xf32> to vector<16xf32>
    tpu.vector_store %arg6[%swap3A_19], %swap3A_22 {strides = array<i32>} : memref<64xf32, #tpu.memory_space<vmem>>, vector<16xf32>,
    %mul3A_23 = arith.constant 640 : i32
    %mul3A_24 = arith.muli %arg1, %mul3A_23 : i32
    %mul3A_25 = arith.constant 640 : i32
    %mul3A_26 = arith.muli %arg1, %mul3A_25 : i32
    "tpu.region"() ({
      %run_scoped3A = tpu.sem_alloc : memref<!tpu.dma_semaphore, #tpu.memory_space<semaphore_mem>>
      %dma_start3A = tpu.memref_slice %arg7[%mul3A_26] : memref<10240xf32, #tpu.memory_space<vmem_shared>> -> memref<640xf32, #tpu.memory_space<vmem_shared>>
      %dma_start3A_37 = tpu.memref_slice %arg3[%mul3A_24] : memref<10240xf32, #tpu.memory_space<hbm>> -> memref<640xf32, #tpu.memory_space<hbm>>
      tpu.enqueue_dma source(%dma_start3A_37 : memref<640xf32, #tpu.memory_space<hbm>>) target(%dma_start3A : memref<640xf32, #tpu.memory_space<vmem_shared>>) target_semaphore(%run_scoped3A : memref<!tpu.dma_semaphore, #tpu.memory_space<semaphore_mem>>)
      %dma_wait3A = tpu.memref_slice %arg7[%mul3A_26] : memref<10240xf32, #tpu.memory_space<vmem_shared>> -> memref<640xf32, #tpu.memory_space<vmem_shared>>
      %dma_wait3A_38 = tpu.memref_slice %arg3[%mul3A_24] : memref<10240xf32, #tpu.memory_space<hbm>> -> memref<640xf32, #tpu.memory_space<hbm>>
      tpu.wait_dma2 semaphore(%run_scoped3A : memref<!tpu.dma_semaphore, #tpu.memory_space<semaphore_mem>>) src(%dma_wait3A_38 : memref<640xf32, #tpu.memory_space<hbm>>) dst(%dma_wait3A : memref<640xf32, #tpu.memory_space<vmem_shared>>)
      tpu.yield
    }) : () -> ()
    %barrier3A = arith.constant 0 : index
    tpu.barrier barrier_id(%barrier3A)
    %scan3A = arith.constant 0 : i32
    %scan3A_27 = arith.constant 0 : i32
    %scan3A_28 = arith.constant 20 : i32
    %scan3A_29 = arith.addi %scan3A_27, %scan3A_28 : i32
    %scan3A_30 = arith.constant 1 : i32
    scf.for %scan3A_37 = %scan3A_27 to %scan3A_29 step %scan3A_30  : i32 {
      %mul3A_38 = arith.constant 8 : i32
      %mul3A_39 = arith.muli %scan3A_37, %mul3A_38 : i32
      %add3A_40 = arith.constant 0 : i32
      %add3A_41 = arith.addi %mul3A_39, %add3A_40 : i32
      %dma_start3A = arith.constant 0 : i32
      %dma_start3A_42 = tpu.memref_slice %arg5[%add3A_41, %dma_start3A] : memref<160x64xi32, #tpu.memory_space<vmem>> -> memref<1x64xi32, #tpu.memory_space<vmem>>
      %dma_start3A_43 = tpu.memref_squeeze %dma_start3A_42 : memref<1x64xi32, #tpu.memory_space<vmem>> -> memref<64xi32, #tpu.memory_space<vmem>>
      %dma_start3A_44 = arith.constant 0 : i32
      %dma_start3A_45 = tpu.memref_slice %arg7[%dma_start3A_44] : memref<10240xf32, #tpu.memory_space<vmem_shared>> -> memref<10240xf32, #tpu.memory_space<vmem_shared>>
      tpu.enqueue_indirect_dma source(%arg6 : memref<64xf32, #tpu.memory_space<vmem>>) target(%dma_start3A_45 : memref<10240xf32, #tpu.memory_space<vmem_shared>>) offsets(%dma_start3A_43 : memref<64xi32, #tpu.memory_space<vmem>>) semaphore(%arg8 : memref<!tpu.dma_semaphore, #tpu.memory_space<semaphore_mem>>) {add = true}
      %mul3A_46 = arith.constant 8 : i32
      %mul3A_47 = arith.muli %scan3A_37, %mul3A_46 : i32
      %add3A_48 = arith.constant 1 : i32
      %add3A_49 = arith.addi %mul3A_47, %add3A_48 : i32
      %dma_start3A_50 = arith.constant 0 : i32
      %dma_start3A_51 = tpu.memref_slice %arg5[%add3A_49, %dma_start3A_50] : memref<160x64xi32, #tpu.memory_space<vmem>> -> memref<1x64xi32, #tpu.memory_space<vmem>>
      %dma_start3A_52 = tpu.memref_squeeze %dma_start3A_51 : memref<1x64xi32, #tpu.memory_space<vmem>> -> memref<64xi32, #tpu.memory_space<vmem>>
      %dma_start3A_53 = arith.constant 0 : i32
      %dma_start3A_54 = tpu.memref_slice %arg7[%dma_start3A_53] : memref<10240xf32, #tpu.memory_space<vmem_shared>> -> memref<10240xf32, #tpu.memory_space<vmem_shared>>
      tpu.enqueue_indirect_dma source(%arg6 : memref<64xf32, #tpu.memory_space<vmem>>) target(%dma_start3A_54 : memref<10240xf32, #tpu.memory_space<vmem_shared>>) offsets(%dma_start3A_52 : memref<64xi32, #tpu.memory_space<vmem>>) semaphore(%arg8 : memref<!tpu.dma_semaphore, #tpu.memory_space<semaphore_mem>>) {add = true}
      %mul3A_55 = arith.constant 8 : i32
      %mul3A_56 = arith.muli %scan3A_37, %mul3A_55 : i32
      %add3A_57 = arith.constant 2 : i32
      %add3A_58 = arith.addi %mul3A_56, %add3A_57 : i32
      %dma_start3A_59 = arith.constant 0 : i32
      %dma_start3A_60 = tpu.memref_slice %arg5[%add3A_58, %dma_start3A_59] : memref<160x64xi32, #tpu.memory_space<vmem>> -> memref<1x64xi32, #tpu.memory_space<vmem>>
      %dma_start3A_61 = tpu.memref_squeeze %dma_start3A_60 : memref<1x64xi32, #tpu.memory_space<vmem>> -> memref<64xi32, #tpu.memory_space<vmem>>
      %dma_start3A_62 = arith.constant 0 : i32
      %dma_start3A_63 = tpu.memref_slice %arg7[%dma_start3A_62] : memref<10240xf32, #tpu.memory_space<vmem_shared>> -> memref<10240xf32, #tpu.memory_space<vmem_shared>>
      tpu.enqueue_indirect_dma source(%arg6 : memref<64xf32, #tpu.memory_space<vmem>>) target(%dma_start3A_63 : memref<10240xf32, #tpu.memory_space<vmem_shared>>) offsets(%dma_start3A_61 : memref<64xi32, #tpu.memory_space<vmem>>) semaphore(%arg8 : memref<!tpu.dma_semaphore, #tpu.memory_space<semaphore_mem>>) {add = true}
      %mul3A_64 = arith.constant 8 : i32
      %mul3A_65 = arith.muli %scan3A_37, %mul3A_64 : i32
      %add3A_66 = arith.constant 3 : i32
      %add3A_67 = arith.addi %mul3A_65, %add3A_66 : i32
      %dma_start3A_68 = arith.constant 0 : i32
      %dma_start3A_69 = tpu.memref_slice %arg5[%add3A_67, %dma_start3A_68] : memref<160x64xi32, #tpu.memory_space<vmem>> -> memref<1x64xi32, #tpu.memory_space<vmem>>
      %dma_start3A_70 = tpu.memref_squeeze %dma_start3A_69 : memref<1x64xi32, #tpu.memory_space<vmem>> -> memref<64xi32, #tpu.memory_space<vmem>>
      %dma_start3A_71 = arith.constant 0 : i32
      %dma_start3A_72 = tpu.memref_slice %arg7[%dma_start3A_71] : memref<10240xf32, #tpu.memory_space<vmem_shared>> -> memref<10240xf32, #tpu.memory_space<vmem_shared>>
      tpu.enqueue_indirect_dma source(%arg6 : memref<64xf32, #tpu.memory_space<vmem>>) target(%dma_start3A_72 : memref<10240xf32, #tpu.memory_space<vmem_shared>>) offsets(%dma_start3A_70 : memref<64xi32, #tpu.memory_space<vmem>>) semaphore(%arg8 : memref<!tpu.dma_semaphore, #tpu.memory_space<semaphore_mem>>) {add = true}
      %mul3A_73 = arith.constant 8 : i32
      %mul3A_74 = arith.muli %scan3A_37, %mul3A_73 : i32
      %add3A_75 = arith.constant 4 : i32
      %add3A_76 = arith.addi %mul3A_74, %add3A_75 : i32
      %dma_start3A_77 = arith.constant 0 : i32
      %dma_start3A_78 = tpu.memref_slice %arg5[%add3A_76, %dma_start3A_77] : memref<160x64xi32, #tpu.memory_space<vmem>> -> memref<1x64xi32, #tpu.memory_space<vmem>>
      %dma_start3A_79 = tpu.memref_squeeze %dma_start3A_78 : memref<1x64xi32, #tpu.memory_space<vmem>> -> memref<64xi32, #tpu.memory_space<vmem>>
      %dma_start3A_80 = arith.constant 0 : i32
      %dma_start3A_81 = tpu.memref_slice %arg7[%dma_start3A_80] : memref<10240xf32, #tpu.memory_space<vmem_shared>> -> memref<10240xf32, #tpu.memory_space<vmem_shared>>
      tpu.enqueue_indirect_dma source(%arg6 : memref<64xf32, #tpu.memory_space<vmem>>) target(%dma_start3A_81 : memref<10240xf32, #tpu.memory_space<vmem_shared>>) offsets(%dma_start3A_79 : memref<64xi32, #tpu.memory_space<vmem>>) semaphore(%arg8 : memref<!tpu.dma_semaphore, #tpu.memory_space<semaphore_mem>>) {add = true}
      %mul3A_82 = arith.constant 8 : i32
      %mul3A_83 = arith.muli %scan3A_37, %mul3A_82 : i32
      %add3A_84 = arith.constant 5 : i32
      %add3A_85 = arith.addi %mul3A_83, %add3A_84 : i32
      %dma_start3A_86 = arith.constant 0 : i32
      %dma_start3A_87 = tpu.memref_slice %arg5[%add3A_85, %dma_start3A_86] : memref<160x64xi32, #tpu.memory_space<vmem>> -> memref<1x64xi32, #tpu.memory_space<vmem>>
      %dma_start3A_88 = tpu.memref_squeeze %dma_start3A_87 : memref<1x64xi32, #tpu.memory_space<vmem>> -> memref<64xi32, #tpu.memory_space<vmem>>
      %dma_start3A_89 = arith.constant 0 : i32
      %dma_start3A_90 = tpu.memref_slice %arg7[%dma_start3A_89] : memref<10240xf32, #tpu.memory_space<vmem_shared>> -> memref<10240xf32, #tpu.memory_space<vmem_shared>>
      tpu.enqueue_indirect_dma source(%arg6 : memref<64xf32, #tpu.memory_space<vmem>>) target(%dma_start3A_90 : memref<10240xf32, #tpu.memory_space<vmem_shared>>) offsets(%dma_start3A_88 : memref<64xi32, #tpu.memory_space<vmem>>) semaphore(%arg8 : memref<!tpu.dma_semaphore, #tpu.memory_space<semaphore_mem>>) {add = true}
      %mul3A_91 = arith.constant 8 : i32
      %mul3A_92 = arith.muli %scan3A_37, %mul3A_91 : i32
      %add3A_93 = arith.constant 6 : i32
      %add3A_94 = arith.addi %mul3A_92, %add3A_93 : i32
      %dma_start3A_95 = arith.constant 0 : i32
      %dma_start3A_96 = tpu.memref_slice %arg5[%add3A_94, %dma_start3A_95] : memref<160x64xi32, #tpu.memory_space<vmem>> -> memref<1x64xi32, #tpu.memory_space<vmem>>
      %dma_start3A_97 = tpu.memref_squeeze %dma_start3A_96 : memref<1x64xi32, #tpu.memory_space<vmem>> -> memref<64xi32, #tpu.memory_space<vmem>>
      %dma_start3A_98 = arith.constant 0 : i32
      %dma_start3A_99 = tpu.memref_slice %arg7[%dma_start3A_98] : memref<10240xf32, #tpu.memory_space<vmem_shared>> -> memref<10240xf32, #tpu.memory_space<vmem_shared>>
      tpu.enqueue_indirect_dma source(%arg6 : memref<64xf32, #tpu.memory_space<vmem>>) target(%dma_start3A_99 : memref<10240xf32, #tpu.memory_space<vmem_shared>>) offsets(%dma_start3A_97 : memref<64xi32, #tpu.memory_space<vmem>>) semaphore(%arg8 : memref<!tpu.dma_semaphore, #tpu.memory_space<semaphore_mem>>) {add = true}
      %mul3A_100 = arith.constant 8 : i32
      %mul3A_101 = arith.muli %scan3A_37, %mul3A_100 : i32
      %add3A_102 = arith.constant 7 : i32
      %add3A_103 = arith.addi %mul3A_101, %add3A_102 : i32
      %dma_start3A_104 = arith.constant 0 : i32
      %dma_start3A_105 = tpu.memref_slice %arg5[%add3A_103, %dma_start3A_104] : memref<160x64xi32, #tpu.memory_space<vmem>> -> memref<1x64xi32, #tpu.memory_space<vmem>>
      %dma_start3A_106 = tpu.memref_squeeze %dma_start3A_105 : memref<1x64xi32, #tpu.memory_space<vmem>> -> memref<64xi32, #tpu.memory_space<vmem>>
      %dma_start3A_107 = arith.constant 0 : i32
      %dma_start3A_108 = tpu.memref_slice %arg7[%dma_start3A_107] : memref<10240xf32, #tpu.memory_space<vmem_shared>> -> memref<10240xf32, #tpu.memory_space<vmem_shared>>
      tpu.enqueue_indirect_dma source(%arg6 : memref<64xf32, #tpu.memory_space<vmem>>) target(%dma_start3A_108 : memref<10240xf32, #tpu.memory_space<vmem_shared>>) offsets(%dma_start3A_106 : memref<64xi32, #tpu.memory_space<vmem>>) semaphore(%arg8 : memref<!tpu.dma_semaphore, #tpu.memory_space<semaphore_mem>>) {add = true}
      %mul3A_109 = arith.constant 8 : i32
      %mul3A_110 = arith.muli %scan3A_37, %mul3A_109 : i32
      %add3A_111 = arith.constant 0 : i32
      %add3A_112 = arith.addi %mul3A_110, %add3A_111 : i32
      %dma_wait3A = arith.constant 0 : i32
      %dma_wait3A_113 = tpu.memref_slice %arg5[%add3A_112, %dma_wait3A] : memref<160x64xi32, #tpu.memory_space<vmem>> -> memref<1x64xi32, #tpu.memory_space<vmem>>
      %dma_wait3A_114 = tpu.memref_squeeze %dma_wait3A_113 : memref<1x64xi32, #tpu.memory_space<vmem>> -> memref<64xi32, #tpu.memory_space<vmem>>
      %dma_wait3A_115 = arith.constant 0 : i32
      %dma_wait3A_116 = tpu.memref_slice %arg7[%dma_wait3A_115] : memref<10240xf32, #tpu.memory_space<vmem_shared>> -> memref<10240xf32, #tpu.memory_space<vmem_shared>>
      tpu.wait_indirect_dma semaphore(%arg8 : memref<!tpu.dma_semaphore, #tpu.memory_space<semaphore_mem>>) src(%arg6 : memref<64xf32, #tpu.memory_space<vmem>>) dst(%dma_wait3A_116 : memref<10240xf32, #tpu.memory_space<vmem_shared>>)
      %mul3A_117 = arith.constant 8 : i32
      %mul3A_118 = arith.muli %scan3A_37, %mul3A_117 : i32
      %add3A_119 = arith.constant 1 : i32
      %add3A_120 = arith.addi %mul3A_118, %add3A_119 : i32
      %dma_wait3A_121 = arith.constant 0 : i32
      %dma_wait3A_122 = tpu.memref_slice %arg5[%add3A_120, %dma_wait3A_121] : memref<160x64xi32, #tpu.memory_space<vmem>> -> memref<1x64xi32, #tpu.memory_space<vmem>>
      %dma_wait3A_123 = tpu.memref_squeeze %dma_wait3A_122 : memref<1x64xi32, #tpu.memory_space<vmem>> -> memref<64xi32, #tpu.memory_space<vmem>>
      %dma_wait3A_124 = arith.constant 0 : i32
      %dma_wait3A_125 = tpu.memref_slice %arg7[%dma_wait3A_124] : memref<10240xf32, #tpu.memory_space<vmem_shared>> -> memref<10240xf32, #tpu.memory_space<vmem_shared>>
      tpu.wait_indirect_dma semaphore(%arg8 : memref<!tpu.dma_semaphore, #tpu.memory_space<semaphore_mem>>) src(%arg6 : memref<64xf32, #tpu.memory_space<vmem>>) dst(%dma_wait3A_125 : memref<10240xf32, #tpu.memory_space<vmem_shared>>)
      %mul3A_126 = arith.constant 8 : i32
      %mul3A_127 = arith.muli %scan3A_37, %mul3A_126 : i32
      %add3A_128 = arith.constant 2 : i32
      %add3A_129 = arith.addi %mul3A_127, %add3A_128 : i32
      %dma_wait3A_130 = arith.constant 0 : i32
      %dma_wait3A_131 = tpu.memref_slice %arg5[%add3A_129, %dma_wait3A_130] : memref<160x64xi32, #tpu.memory_space<vmem>> -> memref<1x64xi32, #tpu.memory_space<vmem>>
      %dma_wait3A_132 = tpu.memref_squeeze %dma_wait3A_131 : memref<1x64xi32, #tpu.memory_space<vmem>> -> memref<64xi32, #tpu.memory_space<vmem>>
      %dma_wait3A_133 = arith.constant 0 : i32
      %dma_wait3A_134 = tpu.memref_slice %arg7[%dma_wait3A_133] : memref<10240xf32, #tpu.memory_space<vmem_shared>> -> memref<10240xf32, #tpu.memory_space<vmem_shared>>
      tpu.wait_indirect_dma semaphore(%arg8 : memref<!tpu.dma_semaphore, #tpu.memory_space<semaphore_mem>>) src(%arg6 : memref<64xf32, #tpu.memory_space<vmem>>) dst(%dma_wait3A_134 : memref<10240xf32, #tpu.memory_space<vmem_shared>>)
      %mul3A_135 = arith.constant 8 : i32
      %mul3A_136 = arith.muli %scan3A_37, %mul3A_135 : i32
      %add3A_137 = arith.constant 3 : i32
      %add3A_138 = arith.addi %mul3A_136, %add3A_137 : i32
      %dma_wait3A_139 = arith.constant 0 : i32
      %dma_wait3A_140 = tpu.memref_slice %arg5[%add3A_138, %dma_wait3A_139] : memref<160x64xi32, #tpu.memory_space<vmem>> -> memref<1x64xi32, #tpu.memory_space<vmem>>
      %dma_wait3A_141 = tpu.memref_squeeze %dma_wait3A_140 : memref<1x64xi32, #tpu.memory_space<vmem>> -> memref<64xi32, #tpu.memory_space<vmem>>
      %dma_wait3A_142 = arith.constant 0 : i32
      %dma_wait3A_143 = tpu.memref_slice %arg7[%dma_wait3A_142] : memref<10240xf32, #tpu.memory_space<vmem_shared>> -> memref<10240xf32, #tpu.memory_space<vmem_shared>>
      tpu.wait_indirect_dma semaphore(%arg8 : memref<!tpu.dma_semaphore, #tpu.memory_space<semaphore_mem>>) src(%arg6 : memref<64xf32, #tpu.memory_space<vmem>>) dst(%dma_wait3A_143 : memref<10240xf32, #tpu.memory_space<vmem_shared>>)
      %mul3A_144 = arith.constant 8 : i32
      %mul3A_145 = arith.muli %scan3A_37, %mul3A_144 : i32
      %add3A_146 = arith.constant 4 : i32
      %add3A_147 = arith.addi %mul3A_145, %add3A_146 : i32
      %dma_wait3A_148 = arith.constant 0 : i32
      %dma_wait3A_149 = tpu.memref_slice %arg5[%add3A_147, %dma_wait3A_148] : memref<160x64xi32, #tpu.memory_space<vmem>> -> memref<1x64xi32, #tpu.memory_space<vmem>>
      %dma_wait3A_150 = tpu.memref_squeeze %dma_wait3A_149 : memref<1x64xi32, #tpu.memory_space<vmem>> -> memref<64xi32, #tpu.memory_space<vmem>>
      %dma_wait3A_151 = arith.constant 0 : i32
      %dma_wait3A_152 = tpu.memref_slice %arg7[%dma_wait3A_151] : memref<10240xf32, #tpu.memory_space<vmem_shared>> -> memref<10240xf32, #tpu.memory_space<vmem_shared>>
      tpu.wait_indirect_dma semaphore(%arg8 : memref<!tpu.dma_semaphore, #tpu.memory_space<semaphore_mem>>) src(%arg6 : memref<64xf32, #tpu.memory_space<vmem>>) dst(%dma_wait3A_152 : memref<10240xf32, #tpu.memory_space<vmem_shared>>)
      %mul3A_153 = arith.constant 8 : i32
      %mul3A_154 = arith.muli %scan3A_37, %mul3A_153 : i32
      %add3A_155 = arith.constant 5 : i32
      %add3A_156 = arith.addi %mul3A_154, %add3A_155 : i32
      %dma_wait3A_157 = arith.constant 0 : i32
      %dma_wait3A_158 = tpu.memref_slice %arg5[%add3A_156, %dma_wait3A_157] : memref<160x64xi32, #tpu.memory_space<vmem>> -> memref<1x64xi32, #tpu.memory_space<vmem>>
      %dma_wait3A_159 = tpu.memref_squeeze %dma_wait3A_158 : memref<1x64xi32, #tpu.memory_space<vmem>> -> memref<64xi32, #tpu.memory_space<vmem>>
      %dma_wait3A_160 = arith.constant 0 : i32
      %dma_wait3A_161 = tpu.memref_slice %arg7[%dma_wait3A_160] : memref<10240xf32, #tpu.memory_space<vmem_shared>> -> memref<10240xf32, #tpu.memory_space<vmem_shared>>
      tpu.wait_indirect_dma semaphore(%arg8 : memref<!tpu.dma_semaphore, #tpu.memory_space<semaphore_mem>>) src(%arg6 : memref<64xf32, #tpu.memory_space<vmem>>) dst(%dma_wait3A_161 : memref<10240xf32, #tpu.memory_space<vmem_shared>>)
      %mul3A_162 = arith.constant 8 : i32
      %mul3A_163 = arith.muli %scan3A_37, %mul3A_162 : i32
      %add3A_164 = arith.constant 6 : i32
      %add3A_165 = arith.addi %mul3A_163, %add3A_164 : i32
      %dma_wait3A_166 = arith.constant 0 : i32
      %dma_wait3A_167 = tpu.memref_slice %arg5[%add3A_165, %dma_wait3A_166] : memref<160x64xi32, #tpu.memory_space<vmem>> -> memref<1x64xi32, #tpu.memory_space<vmem>>
      %dma_wait3A_168 = tpu.memref_squeeze %dma_wait3A_167 : memref<1x64xi32, #tpu.memory_space<vmem>> -> memref<64xi32, #tpu.memory_space<vmem>>
      %dma_wait3A_169 = arith.constant 0 : i32
      %dma_wait3A_170 = tpu.memref_slice %arg7[%dma_wait3A_169] : memref<10240xf32, #tpu.memory_space<vmem_shared>> -> memref<10240xf32, #tpu.memory_space<vmem_shared>>
      tpu.wait_indirect_dma semaphore(%arg8 : memref<!tpu.dma_semaphore, #tpu.memory_space<semaphore_mem>>) src(%arg6 : memref<64xf32, #tpu.memory_space<vmem>>) dst(%dma_wait3A_170 : memref<10240xf32, #tpu.memory_space<vmem_shared>>)
      %mul3A_171 = arith.constant 8 : i32
      %mul3A_172 = arith.muli %scan3A_37, %mul3A_171 : i32
      %add3A_173 = arith.constant 7 : i32
      %add3A_174 = arith.addi %mul3A_172, %add3A_173 : i32
      %dma_wait3A_175 = arith.constant 0 : i32
      %dma_wait3A_176 = tpu.memref_slice %arg5[%add3A_174, %dma_wait3A_175] : memref<160x64xi32, #tpu.memory_space<vmem>> -> memref<1x64xi32, #tpu.memory_space<vmem>>
      %dma_wait3A_177 = tpu.memref_squeeze %dma_wait3A_176 : memref<1x64xi32, #tpu.memory_space<vmem>> -> memref<64xi32, #tpu.memory_space<vmem>>
      %dma_wait3A_178 = arith.constant 0 : i32
      %dma_wait3A_179 = tpu.memref_slice %arg7[%dma_wait3A_178] : memref<10240xf32, #tpu.memory_space<vmem_shared>> -> memref<10240xf32, #tpu.memory_space<vmem_shared>>
      tpu.wait_indirect_dma semaphore(%arg8 : memref<!tpu.dma_semaphore, #tpu.memory_space<semaphore_mem>>) src(%arg6 : memref<64xf32, #tpu.memory_space<vmem>>) dst(%dma_wait3A_179 : memref<10240xf32, #tpu.memory_space<vmem_shared>>)
    }
    %scan3A_31 = arith.constant 20 : i32
    %barrier3A_32 = arith.constant 0 : index
    tpu.barrier barrier_id(%barrier3A_32)
    %mul3A_33 = arith.constant 640 : i32
    %mul3A_34 = arith.muli %arg1, %mul3A_33 : i32
    %mul3A_35 = arith.constant 640 : i32
    %mul3A_36 = arith.muli %arg1, %mul3A_35 : i32
    "tpu.region"() ({
      %run_scoped3A = tpu.sem_alloc : memref<!tpu.dma_semaphore, #tpu.memory_space<semaphore_mem>>
      %dma_start3A = arith.constant 0 : i32
      %dma_start3A_37 = tpu.memref_slice %arg4[%arg0, %dma_start3A] : memref<2x10240xf32, #tpu.memory_space<hbm>> -> memref<1x10240xf32, #tpu.memory_space<hbm>>
      %dma_start3A_38 = tpu.memref_squeeze %dma_start3A_37 : memref<1x10240xf32, #tpu.memory_space<hbm>> -> memref<10240xf32, #tpu.memory_space<hbm>>
      %dma_start3A_39 = tpu.memref_slice %dma_start3A_38[%mul3A_36] : memref<10240xf32, #tpu.memory_space<hbm>> -> memref<640xf32, #tpu.memory_space<hbm>>
      %dma_start3A_40 = tpu.memref_slice %arg7[%mul3A_34] : memref<10240xf32, #tpu.memory_space<vmem_shared>> -> memref<640xf32, #tpu.memory_space<vmem_shared>>
      tpu.enqueue_dma source(%dma_start3A_40 : memref<640xf32, #tpu.memory_space<vmem_shared>>) target(%dma_start3A_39 : memref<640xf32, #tpu.memory_space<hbm>>) target_semaphore(%run_scoped3A : memref<!tpu.dma_semaphore, #tpu.memory_space<semaphore_mem>>)
      %dma_wait3A = arith.constant 0 : i32
      %dma_wait3A_41 = tpu.memref_slice %arg4[%arg0, %dma_wait3A] : memref<2x10240xf32, #tpu.memory_space<hbm>> -> memref<1x10240xf32, #tpu.memory_space<hbm>>
      %dma_wait3A_42 = tpu.memref_squeeze %dma_wait3A_41 : memref<1x10240xf32, #tpu.memory_space<hbm>> -> memref<10240xf32, #tpu.memory_space<hbm>>
      %dma_wait3A_43 = tpu.memref_slice %dma_wait3A_42[%mul3A_36] : memref<10240xf32, #tpu.memory_space<hbm>> -> memref<640xf32, #tpu.memory_space<hbm>>
      %dma_wait3A_44 = tpu.memref_slice %arg7[%mul3A_34] : memref<10240xf32, #tpu.memory_space<vmem_shared>> -> memref<640xf32, #tpu.memory_space<vmem_shared>>
      tpu.wait_dma2 semaphore(%run_scoped3A : memref<!tpu.dma_semaphore, #tpu.memory_space<semaphore_mem>>) src(%dma_wait3A_44 : memref<640xf32, #tpu.memory_space<vmem_shared>>) dst(%dma_wait3A_43 : memref<640xf32, #tpu.memory_space<hbm>>)
      tpu.yield
    }) : () -> ()
    return
  }
}

module attributes {stable_mosaic.version = 14 : i64} {
  func.func @_hprime_body(%arg0: memref<10240x128xf32, #tpu.memory_space<vmem>>, %arg1: memref<128x128xf32, #tpu.memory_space<vmem>>, %arg2: memref<2x80x128xf32, #tpu.memory_space<vmem>>, %arg3: memref<10240x128xf32, #tpu.memory_space<vmem>>) attributes {dimension_semantics = [], scalar_prefetch = 0 : i64, scratch_operands = 0 : i64, tpu.core_type = #tpu.core_type<tc>} {
    %get3A = arith.constant 0 : index
    %get3A_0 = arith.constant 0 : index
    %get3A_1 = vector.load %arg0[%get3A, %get3A_0] : memref<10240x128xf32, #tpu.memory_space<vmem>>, vector<10240x128xf32>
    %get3A_2 = arith.constant 0 : index
    %get3A_3 = arith.constant 0 : index
    %get3A_4 = vector.load %arg1[%get3A_2, %get3A_3] : memref<128x128xf32, #tpu.memory_space<vmem>>, vector<128x128xf32>
    %dot_general3A = arith.constant dense<0.000000e+00> : vector<10240x128xf32>
    %dot_general3A_5 = tpu.matmul %get3A_1, %get3A_4, %dot_general3A {dimension_numbers = #tpu.dot_dimension_numbers<[1], [0], [0], [1], [0, 0, 1, 1], [], []>, precision = #tpu.contract_precision<fp32>, transpose_lhs_hint = false} : vector<10240x128xf32>, vector<128x128xf32>, vector<10240x128xf32> -> vector<10240x128xf32>
    %get3A_6 = arith.constant 0 : index
    %get3A_7 = arith.constant 0 : index
    %get3A_8 = arith.constant 0 : index
    %get3A_9 = vector.load %arg2[%get3A_6, %get3A_7, %get3A_8] : memref<2x80x128xf32, #tpu.memory_space<vmem>>, vector<1x80x128xf32>
    %get3A_10 = vector.shape_cast %get3A_9 : vector<1x80x128xf32> to vector<80x128xf32>
    %add3A = arith.constant 1.000000e+00 : f32
    %add3A_11 = vector.broadcast %add3A : f32 to vector<80x128xf32>
    %add3A_12 = arith.addf %add3A_11, %get3A_10 : vector<80x128xf32>
    %get3A_13 = arith.constant 1 : index
    %get3A_14 = arith.constant 0 : index
    %get3A_15 = arith.constant 0 : index
    %get3A_16 = vector.load %arg2[%get3A_13, %get3A_14, %get3A_15] : memref<2x80x128xf32, #tpu.memory_space<vmem>>, vector<1x80x128xf32>
    %get3A_17 = vector.shape_cast %get3A_16 : vector<1x80x128xf32> to vector<80x128xf32>
    %add3A_18 = arith.addf %add3A_12, %get3A_17 : vector<80x128xf32>
    %rsqrt3A = math.rsqrt %add3A_18 : vector<80x128xf32>
    %reshape3A = vector.shape_cast %dot_general3A_5 : vector<10240x128xf32> to vector<80x128x128xf32>
    %broadcast_in_dim3A = vector.shape_cast %rsqrt3A : vector<80x128xf32> to vector<80x128x1xf32>
    %mul3A = vector.broadcast %broadcast_in_dim3A : vector<80x128x1xf32> to vector<80x128x128xf32>
    %mul3A_19 = arith.mulf %reshape3A, %mul3A : vector<80x128x128xf32>
    %reshape3A_20 = vector.shape_cast %mul3A_19 : vector<80x128x128xf32> to vector<10240x128xf32>
    %swap3A = arith.constant 0 : index
    %swap3A_21 = arith.constant 0 : index
    %swap3A_22 = vector.load %arg3[%swap3A, %swap3A_21] : memref<10240x128xf32, #tpu.memory_space<vmem>>, vector<10240x128xf32>
    tpu.vector_store %arg3[%swap3A, %swap3A_21], %reshape3A_20 {strides = array<i32>} : memref<10240x128xf32, #tpu.memory_space<vmem>>, vector<10240x128xf32>,
    return
  }
}

module attributes {stable_mosaic.version = 14 : i64} {
  func.func @_out_body(%arg0: memref<2x10240x128xf32, #tpu.memory_space<vmem>>, %arg1: memref<10240x128xf32, #tpu.memory_space<vmem>>, %arg2: memref<2x80x128xf32, #tpu.memory_space<vmem>>, %arg3: memref<128xf32, #tpu.memory_space<vmem>>, %arg4: memref<128x128xf32, #tpu.memory_space<vmem>>, %arg5: memref<128xf32, #tpu.memory_space<vmem>>, %arg6: memref<10240x128xf32, #tpu.memory_space<vmem>>) attributes {dimension_semantics = [], scalar_prefetch = 0 : i64, scratch_operands = 0 : i64, tpu.core_type = #tpu.core_type<tc>} {
    %get3A = arith.constant 0 : index
    %get3A_0 = arith.constant 0 : index
    %get3A_1 = arith.constant 0 : index
    %get3A_2 = vector.load %arg0[%get3A, %get3A_0, %get3A_1] : memref<2x10240x128xf32, #tpu.memory_space<vmem>>, vector<1x10240x128xf32>
    %get3A_3 = vector.shape_cast %get3A_2 : vector<1x10240x128xf32> to vector<10240x128xf32>
    %get3A_4 = arith.constant 1 : index
    %get3A_5 = arith.constant 0 : index
    %get3A_6 = arith.constant 0 : index
    %get3A_7 = vector.load %arg0[%get3A_4, %get3A_5, %get3A_6] : memref<2x10240x128xf32, #tpu.memory_space<vmem>>, vector<1x10240x128xf32>
    %get3A_8 = vector.shape_cast %get3A_7 : vector<1x10240x128xf32> to vector<10240x128xf32>
    %add3A = arith.addf %get3A_3, %get3A_8 : vector<10240x128xf32>
    %get3A_9 = arith.constant 0 : index
    %get3A_10 = arith.constant 0 : index
    %get3A_11 = vector.load %arg1[%get3A_9, %get3A_10] : memref<10240x128xf32, #tpu.memory_space<vmem>>, vector<10240x128xf32>
    %add3A_12 = arith.addf %add3A, %get3A_11 : vector<10240x128xf32>
    %get3A_13 = arith.constant 0 : index
    %get3A_14 = arith.constant 0 : index
    %get3A_15 = arith.constant 0 : index
    %get3A_16 = vector.load %arg2[%get3A_13, %get3A_14, %get3A_15] : memref<2x80x128xf32, #tpu.memory_space<vmem>>, vector<1x80x128xf32>
    %get3A_17 = vector.shape_cast %get3A_16 : vector<1x80x128xf32> to vector<80x128xf32>
    %add3A_18 = arith.constant 1.000000e+00 : f32
    %add3A_19 = vector.broadcast %add3A_18 : f32 to vector<80x128xf32>
    %add3A_20 = arith.addf %add3A_19, %get3A_17 : vector<80x128xf32>
    %get3A_21 = arith.constant 1 : index
    %get3A_22 = arith.constant 0 : index
    %get3A_23 = arith.constant 0 : index
    %get3A_24 = vector.load %arg2[%get3A_21, %get3A_22, %get3A_23] : memref<2x80x128xf32, #tpu.memory_space<vmem>>, vector<1x80x128xf32>
    %get3A_25 = vector.shape_cast %get3A_24 : vector<1x80x128xf32> to vector<80x128xf32>
    %add3A_26 = arith.addf %add3A_20, %get3A_25 : vector<80x128xf32>
    %rsqrt3A = math.rsqrt %add3A_26 : vector<80x128xf32>
    %reshape3A = vector.shape_cast %add3A_12 : vector<10240x128xf32> to vector<80x128x128xf32>
    %broadcast_in_dim3A = vector.shape_cast %rsqrt3A : vector<80x128xf32> to vector<80x128x1xf32>
    %mul3A = vector.broadcast %broadcast_in_dim3A : vector<80x128x1xf32> to vector<80x128x128xf32>
    %mul3A_27 = arith.mulf %reshape3A, %mul3A : vector<80x128x128xf32>
    %reshape3A_28 = vector.shape_cast %mul3A_27 : vector<80x128x128xf32> to vector<10240x128xf32>
    %get3A_29 = arith.constant 0 : index
    %get3A_30 = vector.load %arg3[%get3A_29] : memref<128xf32, #tpu.memory_space<vmem>>, vector<128xf32>
    %broadcast_in_dim3A_31 = vector.shape_cast %get3A_30 : vector<128xf32> to vector<1x128xf32>
    %add3A_32 = vector.broadcast %broadcast_in_dim3A_31 : vector<1x128xf32> to vector<10240x128xf32>
    %add3A_33 = arith.addf %reshape3A_28, %add3A_32 : vector<10240x128xf32>
    %get3A_34 = arith.constant 0 : index
    %get3A_35 = arith.constant 0 : index
    %get3A_36 = vector.load %arg4[%get3A_34, %get3A_35] : memref<128x128xf32, #tpu.memory_space<vmem>>, vector<128x128xf32>
    %dot_general3A = arith.constant dense<0.000000e+00> : vector<10240x128xf32>
    %dot_general3A_37 = tpu.matmul %add3A_33, %get3A_36, %dot_general3A {dimension_numbers = #tpu.dot_dimension_numbers<[1], [0], [0], [1], [0, 0, 1, 1], [], []>, precision = #tpu.contract_precision<fp32>, transpose_lhs_hint = false} : vector<10240x128xf32>, vector<128x128xf32>, vector<10240x128xf32> -> vector<10240x128xf32>
    %get3A_38 = arith.constant 0 : index
    %get3A_39 = vector.load %arg5[%get3A_38] : memref<128xf32, #tpu.memory_space<vmem>>, vector<128xf32>
    %broadcast_in_dim3A_40 = vector.shape_cast %get3A_39 : vector<128xf32> to vector<1x128xf32>
    %add3A_41 = vector.broadcast %broadcast_in_dim3A_40 : vector<1x128xf32> to vector<10240x128xf32>
    %add3A_42 = arith.addf %dot_general3A_37, %add3A_41 : vector<10240x128xf32>
    %swap3A = arith.constant 0 : index
    %swap3A_43 = arith.constant 0 : index
    %swap3A_44 = vector.load %arg6[%swap3A, %swap3A_43] : memref<10240x128xf32, #tpu.memory_space<vmem>>, vector<10240x128xf32>
    tpu.vector_store %arg6[%swap3A, %swap3A_43], %add3A_42 {strides = array<i32>} : memref<10240x128xf32, #tpu.memory_space<vmem>>, vector<10240x128xf32>,
    return
  }
}

</mosaic_0001>

<sc_bundles>
// kernel: kernel.6.cloned.1.call-start
scs
__scs_entry_jumppad:
0x0: {  	(pc) =	sbr.rel $0x88, $3  }
0x1: {  	(tag) =	ssettag $0x0;
	lr =	simm.s32 $0x1  }
0x2: {  	[smem:$0x3F9B] =	sst lr;
	_ =	strace $0xD0000000  }
0x3: {  	_ = 	snop  }
0x4: {  	_ = 	snop  }
0x5: {  	_ = 	snop  }
0x6: {  	_ = 	snop  }
0x7: {  	_ = 	snop  }
__scs_overlays_trampoline_lowered:
0x8: {  	[smem:$0x3FAA] =	sst s0  }
0x9: {  	[smem:$0x3FAB] =	sst s1  }
0xa: {  	[smem:$0x3FAC] =	sst s2  }
0xb: {  	[smem:$0x3FAD] =	sst s3  }
0xc: {  	[smem:$0x3FAE] =	sst s4  }
0xd: {  	[smem:$0x3FAF] =	sst s5  }
0xe: {  	[smem:$0x3FB0] =	sst s6  }
0xf: {  	[smem:$0x3FB1] =	sst s7  }
0x10: {  	[smem:$0x3FB2] =	sst s8  }
0x11: {  	[smem:$0x3FB3] =	sst s9;
	s0 =	simm.s32 @!p0 $0x0  }
0x12: {  	s1 =	sld [smem:$0x3F99];
	s0 =	simm.s32 @p0 $0x1  }
0x13: {  	[smem:$0x3FB4] =	sst s0;
	s0 =	simm.s32 @!p1 $0x0  }
0x14: {  	s2 =	sld [smem:$0x3F98];
	s0 =	simm.s32 @p1 $0x1  }
0x15: {  	[smem:$0x3FB5] =	sst s0;
	s0 =	simm.s32 @!p2 $0x0  }
0x16: {  	s3 =	sld [smem:$0x3FDB];
	s0 =	simm.s32 @p2 $0x1  }
0x17: {  	s4 =	simm.s32 $0x1BF5;
	[smem:$0x3FB7] =	sst s0  }
0x18: {  	s0 =	sld [smem:$0x3F9A];
	_ =	swait.ge [sflag:s4], $0x0  }
0x19: {  	s7 =	sld [smem:$0x3F9B]  }
0x1a: {  	s8 =	sadd.s32 $0xFFFFE003, lr  }
0x1b: {  	s9 =	sadd.s32 $0xFFFFFEF7, lr;
	s5 =	simm.s32 $0xFFFFFFFF;
	p2 =	slt.u32 s8, $0xFFFFF086  }
0x1c: {  	p1 =	slt.u32 s9, $0xF7A;
	s5 =	simm.s32 @!p2 $0x0  }
0x1d: {  	s5 =	simm.s32 @p1 $0x1;
	p0 =	seq.s32 s7, s2  }
0x1e: {  	s7 =	smul.u32 @!p0 $0xF7A, s2;
	p2 =	seq.s32 @!p0 s5, $0x0  }
0x1f: {  	s9 =	smul.u32 $0xF7A, s1;
	s8 =	simm.s32 @!p0 $0x1BF5;
	p2 =	por !p2, p0  }
0x20: {  	[sflag:s8] =	ssyncset.s32 @!p0 $0xFFFFF086;
	s6 =	sadd.s32 @!p0 s3, s7;
	s7 =	simm.s32 @!p0 $0x108  }
0x21: {  	s3 =	sadd.s32 s3, s9;
	s6 =	sadd.s32 @!p0 $0x88, s6;
	s7 =	simm.s32 @p2 $0x1082  }
0x22: {  	[simem:s7], [sflag:s8] =	dma.local @!p0 [hbm:s6], $0xF7A  }
0x23: {  	s9 =	sor.u32 $0xD0000000, s2;
	s6 =	simm.s32 $0x108;
	_ =	swait.ge @!p0 [sflag:s8], $0x0  }
0x24: {  	s3 =	sadd.s32 $0x88, s3;
	s6 =	simm.s32 @!p1 $0x1082;
	[sflag:s4] =	ssyncset.s32 $0xFFFFF086  }
0x25: {  	[simem:s6], [sflag:s4] =	dma.local [hbm:s3], $0xF7A  }
0x26: {  	[smem:$0x3F9B] =	sst s1;
	(tag) =	ssettag s2;
	_ =	strace s9  }
0x27: {  	s1 =	sld [smem:$0x3FAB]  }
0x28: {  	s2 =	sld [smem:$0x3FAC]  }
0x29: {  	s4 =	sld [smem:$0x3FAE]  }
0x2a: {  	p0 =	seq.s32 s5, $0x0;
	s5 =	sld [smem:$0x3FAF]  }
0x2b: {  	s6 =	sld [smem:$0x3FB0]  }
0x2c: {  	s7 =	sld [smem:$0x3FB1]  }
0x2d: {  	s3 =	simm.s32 $0x108;
	s8 =	sld [smem:$0x3FB2]  }
0x2e: {  	s3 =	simm.s32 @!p0 $0x1082;
	s9 =	sld [smem:$0x3FB3]  }
0x2f: {  	lr =	sadd.s32 s0, s3;
	s0 =	sld [smem:$0x3FAA]  }
0x30: {  	s3 =	sld [smem:$0x3FAD]  }
0x31: {  	[smem:$0x3FB6] =	sst s10  }
0x32: {  	s10 =	sld [smem:$0x3FB4];
	_ =	sdelay $0x3  }
0x33: {  	p0 =	seq.s32 s10, $0x1;
	s10 =	sld [smem:$0x3FB6];
	_ =	sdelay $0x3  }
0x34: {  	[smem:$0x3FB6] =	sst s10  }
0x35: {  	s10 =	sld [smem:$0x3FB5];
	_ =	sdelay $0x3  }
0x36: {  	p1 =	seq.s32 s10, $0x1;
	s10 =	sld [smem:$0x3FB6];
	_ =	sdelay $0x3  }
0x37: {  	[smem:$0x3FB6] =	sst s10  }
0x38: {  	s10 =	sld [smem:$0x3FB7]  }
0x39: {  	_ = 	snop;
	(pc) =	sbr.ind lr, $3  }
0x3a: {  	_ = 	snop  }
0x3b: {  	_ = 	snop  }
0x3c: {  	p2 =	seq.s32 s10, $0x1;
	s10 =	sld [smem:$0x3FB6]  }
0x3d: {  	_ =	shalt  }
0x3e: {  	_ =	shalt  }
0x3f: {  	_ =	shalt  }
0x40: {  	_ =	shalt  }
0x41: {  	_ =	shalt  }
0x42: {  	_ =	shalt  }
0x43: {  	_ =	shalt  }
0x44: {  	_ =	shalt  }
0x45: {  	_ =	shalt  }
0x46: {  	_ =	shalt  }
0x47: {  	_ =	shalt  }
0x48: {  	_ =	shalt  }
0x49: {  	_ =	shalt  }
0x4a: {  	_ =	shalt  }
0x4b: {  	_ =	shalt  }
0x4c: {  	_ =	shalt  }
0x4d: {  	_ =	shalt  }
0x4e: {  	_ =	shalt  }
0x4f: {  	_ =	shalt  }
0x50: {  	_ =	shalt  }
0x51: {  	_ =	shalt  }
0x52: {  	_ =	shalt  }
0x53: {  	_ =	shalt  }
0x54: {  	_ =	shalt  }
0x55: {  	_ =	shalt  }
0x56: {  	_ =	shalt  }
0x57: {  	_ =	shalt  }
0x58: {  	_ =	shalt  }
0x59: {  	_ =	shalt  }
0x5a: {  	_ =	shalt  }
0x5b: {  	_ =	shalt  }
0x5c: {  	_ =	shalt  }
0x5d: {  	_ =	shalt  }
0x5e: {  	_ =	shalt  }
0x5f: {  	_ =	shalt  }
0x60: {  	_ =	shalt  }
0x61: {  	_ =	shalt  }
0x62: {  	_ =	shalt  }
0x63: {  	_ =	shalt  }
0x64: {  	_ =	shalt  }
0x65: {  	_ =	shalt  }
0x66: {  	_ =	shalt  }
0x67: {  	_ =	shalt  }
0x68: {  	_ =	shalt  }
0x69: {  	_ =	shalt  }
0x6a: {  	_ =	shalt  }
0x6b: {  	_ =	shalt  }
0x6c: {  	_ =	shalt  }
0x6d: {  	_ =	shalt  }
0x6e: {  	_ =	shalt  }
0x6f: {  	_ =	shalt  }
0x70: {  	_ =	shalt  }
0x71: {  	_ =	shalt  }
0x72: {  	_ =	shalt  }
0x73: {  	_ =	shalt  }
0x74: {  	_ =	shalt  }
0x75: {  	_ =	shalt  }
0x76: {  	_ =	shalt  }
0x77: {  	_ =	shalt  }
0x78: {  	_ =	shalt  }
0x79: {  	_ =	shalt  }
0x7a: {  	_ =	shalt  }
0x7b: {  	_ =	shalt  }
0x7c: {  	_ =	shalt  }
0x7d: {  	_ =	shalt  }
0x7e: {  	_ =	shalt  }
0x7f: {  	_ =	shalt  }
0x80: {  	_ =	shalt  }
0x81: {  	_ =	shalt  }
0x82: {  	_ =	shalt  }
0x83: {  	_ =	shalt  }
0x84: {  	_ =	shalt  }
0x85: {  	_ =	shalt  }
0x86: {  	_ =	shalt  }
0x87: {  	_ =	shalt  }
.Lfunc_end0:
.L_simem_size_0:
called_computation_lowered:
.L_overlay_start_0:
0x88: {  	s2 =	sld [smem:$0x3FD9]  }
0x89: {  	s3 =	sld [smem:$0x3FFE];
	_ =	sdelay $0x1  }
0x8a: {  	s1 =	srdreg.scid  }
0x8b: {  	s0 =	sand.u32 $0x1, s1  }
0x8c: {  	s17 =	sshll.u32 s0, $0xA;
	s2 =	sadd.s32 s3, s2  }
0x8d: {  	s2 =	sadd.s32 s2, s17  }
0x8e: {  	[smem:$0x3FC2] =	sst s2  }
0x8f: {  	_ = 	snop  }
0x90: {  	s2 =	sld [smem:$0x3FD0];
	(tm) =	ssettm $0x1  }
0x91: {  	s18 =	sld [smem:$0x3FFB];
	_ =	sdelay $0x3  }
0x92: {  	_ =	strace s18  }
0x93: {  	s3 =	sld [smem:$0x3FFC];
	_ =	sdelay $0x3  }
0x94: {  	_ =	strace s3  }
0x95: {  	s3 =	sld [smem:$0x3FFD];
	_ =	sdelay $0x3  }
0x96: {  	_ =	strace s3  }
0x97: {  	_ =	strace $0x8FFFFFFF  }
0x98: {  	s19 =	sld [smem:$0x3FDB];
	_ =	sdelay $0x1  }
0x99: {  	s4 =	simm.s32 $_scs_section_size  }
0x9a: {  	s5 =	simm.s32 $_size__tile_overlayer_lowered;
	s6 =	simm.s32 $_tile_overlayer_lowered  }
0x9b: {  	s22 =	simm.s32 $0x1BFF;
	s21 =	sshll.u32 s6, $0x1;
	s3 =	sadd.s32 s4, s19  }
0x9c: {  	s7 =	simm.s32 $0x0;
	s20 =	sshll.u32 s5, $0x1;
	s5 =	sadd.s32 s21, s3  }
0x9d: {  	[timem:s7], [sflag:s22] =	dma.local [hbm:s5], s20  }
0x9e: {  	_ =	swait.ge [sflag:s22], s20  }
0x9f: {  	s4 =	ssub.s32 $0x0, s20;
	[sflag:s22] =	ssyncset.done $0x0  }
0xa0: {  	[sflag:s22] =	ssyncadd.s32 s4;
	_ =	sdelay $0x1  }
0xa1: {  	s23 =	simm.s32 $0x1B8B  }
0xa2: {  	_ =	swait.ge [sflag:s23], $0x1  }
0xa3: {  	[sflag:s23] =	ssyncset.done $0x0  }
0xa4: {  	s25 =	simm.s32 $0x1B8E;
	s24 =	sld [smem:$0x3FFE];
	[sflag:s23] =	ssyncadd.s32 $0xFFFFFFFF  }
0xa5: {  	s26 =	simm.s32 $execute0_lowered;
	[smem:$0x3FD2] =	sst s25  }
0xa6: {  	s5 =	sshll.u32 s26, $0x1;
	_ =	strace $0x80000046;
	[dreg:$0x1] =	wrdreg $0xFFFFFFFF  }
0xa7: {  	s28 =	simm.s32 $_size_execute0_lowered;
	s3 =	sadd.s32 s3, s5;
	[dreg:$0x0] =	wrdreg $0x0  }
0xa8: {  	s5 =	sshll.u32 s28, $0x1;
	[dreg:$0x2] =	wrdreg s3  }
0xa9: {  	[dreg:$0x3] =	wrdreg s5  }
0xaa: {  	[dreg:$0x4] =	wrdreg $0xC0  }
0xab: {  	_ =	task [dreg:s7], $0x5FFFF  }
0xac: {  	[dreg:$0x1] =	wrdreg $0xFFFFFFFF  }
0xad: {  	[dreg:$0x0] =	wrdreg $0x60  }
0xae: {  	[dreg:$0x2] =	wrdreg s2  }
0xaf: {  	[dreg:$0x3] =	wrdreg s24  }
0xb0: {  	[dreg:$0x4] =	wrdreg $0x50800  }
0xb1: {  	[dreg:$0x5] =	wrdreg $0x9  }
0xb2: {  	_ =	task.clear_ibuf [dreg:s7], $0x6FFFF;
	_ =	strace $0x90000046  }
0xb3: {  	s29 =	simm.s32 $0x9;
	_ =	strace $0x80000048  }
0xb4: {  	_ =	swait.ge [sflag:s29], $0x1  }
0xb5: {  	[sflag:s29] =	ssyncadd.s32 $0xFFFFFFFF  }
0xb6: {  	_ =	strace $0x90000048  }
0xb7: {  	_ =	sfence  }
0xb8: {  	s30 =	sld [smem:$0x0];
	_ =	sdelay $0x2  }
0xb9: {  	s31 =	sshll.u32 s1, $0xD;
	s1 =	sshrl.u32 s1, $0x2  }
0xba: {  	s3 =	sand.u32 $0x4000, s31;
	s1 =	sadd.s32 s1, s30  }
0xbb: {  	s0 =	sor.u32 s3, s0;
	s1 =	sshll.u32 s1, $0x11  }
0xbc: {  	s0 =	sor.u32 s1, s0  }
0xbd: {  	s0 =	sadd.s32 $0x8F2B, s0  }
0xbe: {  	[sflag:s0] =	ssyncadd.remote.s32 $0x1  }
0xbf: {  	_ =	sfence.sel $0xFFFF  }
0xc0: {  	[dreg:$0x0] =	wrdreg $0xFFFFFFFF;
	(pc) =	sbr.abs _section_cstart, $3  }
0xc1: {  	[dreg:$0x1] =	wrdreg $0xFFFFFFFF  }
0xc2: {  	_ =	task.clear_ibuf [dreg:s7], $0x2FFFF;
	_ =	strace $0x9FFFFFFF  }
0xc3: {  	(tm) =	ssettm $0x7FFFFFFF  }
tec
execute0_lowered:
.L_overlay_start_1:
0x0: {  	(tag) =	ssettag $0x1  }
0x1: {  	s4 =	rddreg [dreg:$0x0]  }
0x2: {  	s5 =	rddreg [dreg:$0x1]  }
0x3: {  	s2 =	rddreg [dreg:$0x2]  }
0x4: {  	s0 =	rddreg [dreg:$0x3]  }
0x5: {  	s6 =	srdreg.scid;
	s3 =	simm.s32 $0x0;
	s1 =	stileid.u32  }
0x6: {  	s11 =	simm.s32 $0x5000;
	s12 =	simm.s32 $0x1;
	s15 =	simm.s32 $0x10  }
0x7: {  	s16 =	simm.s32 $0x0;
	s6 =	sand.u32 $0x1, s6;
	s7 =	smul.u32 $0x280, s1  }
0x8: {  	[smem:$0x7FF] =	sst s3;
	s14 =	smul.u32 $0xA0, s1;
	s31 =	sshll.u32 s1, $0x6  }
0x9: {  	s8 =	sshll.u32 s6, $0x4;
	_ =	strace $0x80000047;
	s6 =	ssub.s32 $0x2, s6  }
0xa: {  	s9 =	sor.u32 s1, s8;
	s10 =	sshrl.u32 s7, $0x3;
	s8 =	sadd.s32 s8, s5  }
0xb: {  	s29 =	sshrl.u32 s6, $0x1;
	s30 =	sadd.s32 s7, s2;
	s7 =	simm.s32 $0x2  }
0xc: {  	s9 =	smul.u32 $0xA00, s9;
	s10 =	sadd.s32 s10, s5;
	s6 =	ssub.s32 s6, s29  }
0xd: {  	s13 =	sadd.s32 $0x2000, s8;
	s8 =	sor.u32 $0x1C02, s31;
	s5 =	sadd.s32 $0x1A00, s10  }
0xe: {  	s6 =	smax.u32 s6, $0x1;
	s10 =	simm.s32 $0x40;
	s13 =	sadd.s32 s14, s13  }
0xf: {  	v0 =	vimm.f32 $1.000000000e+00;
	s14 =	simm.s32 $0x20;
	s4 =	sadd.s32 s4, s9;
	s9 =	sshrl.u32 s30, $0x3  }
.LBB2_1:
0x10: {  	[tilespmem:s3], [sflag:$0x2] =	stream.linear.gather [hbm4b:s4+s3], $0x5000, $0x38;
	[tilespmem:$0x5300] =	vst v63  }
0x11: {  	_ =	swait.ge [sflag:s7], $0x5000  }
0x12: {  	[sflag:s7] =	ssyncset.done $0x0  }
0x13: {  	[sflag:s7] =	ssyncadd.s32 $0xFFFFB000  }
0x14: {  	[tilespmem:$0x5000] =	vst v0  }
0x15: {  	[tilespmem:$0x5010] =	vst v0  }
0x16: {  	[tilespmem:$0x5020] =	vst v0  }
0x17: {  	[tilespmem:$0x5030] =	vst v0  }
0x18: {  	[spmem:s9], [sflag:s8] =	dma.local [hbm:s5], $0x50  }
0x19: {  	_ =	swait.ge [sflag:s7], $0x50  }
0x1a: {  	[sflag:s7] =	ssyncset.done $0x0  }
0x1b: {  	[sflag:s7] =	ssyncadd.s32 $0xFFFFFFB0  }
0x1c: {  	s17 =	simm.s32 $0x0;
	[bflag:$0x0] =	sbarrier.arrive $0xFFFF  }
0x1d: {  	[spmem:s2] =	stream.indirect.scatter.add.f32 [tilespmem:s11], [sflag:$0x1], $0x1, s17, s10, $0xb8;
	[tilespmem:$0x5300] =	vst v63  }
0x1e: {  	s24 =	simm.s32 $0x80  }
0x1f: {  	[spmem:s2] =	stream.indirect.scatter.add.f32 [tilespmem:s11], [sflag:$0x1], $0x1, s24, s10, $0xb8;
	[tilespmem:$0x5300] =	vst v63  }
0x20: {  	s25 =	simm.s32 $0x100  }
0x21: {  	[spmem:s2] =	stream.indirect.scatter.add.f32 [tilespmem:s11], [sflag:$0x1], $0x1, s25, s10, $0xb8;
	[tilespmem:$0x5300] =	vst v63  }
0x22: {  	s26 =	simm.s32 $0x180  }
0x23: {  	[spmem:s2] =	stream.indirect.scatter.add.f32 [tilespmem:s11], [sflag:$0x1], $0x1, s26, s10, $0xb8;
	[tilespmem:$0x5300] =	vst v63  }
0x24: {  	s28 =	simm.s32 $0x200  }
0x25: {  	[spmem:s2] =	stream.indirect.scatter.add.f32 [tilespmem:s11], [sflag:$0x1], $0x1, s28, s10, $0xb8;
	[tilespmem:$0x5300] =	vst v63  }
0x26: {  	s29 =	simm.s32 $0x280  }
0x27: {  	[spmem:s2] =	stream.indirect.scatter.add.f32 [tilespmem:s11], [sflag:$0x1], $0x1, s29, s10, $0xb8;
	[tilespmem:$0x5300] =	vst v63  }
0x28: {  	s30 =	simm.s32 $0x300  }
0x29: {  	[spmem:s2] =	stream.indirect.scatter.add.f32 [tilespmem:s11], [sflag:$0x1], $0x1, s30, s10, $0xb8;
	[tilespmem:$0x5300] =	vst v63  }
0x2a: {  	s31 =	simm.s32 $0x380  }
0x2b: {  	[spmem:s2] =	stream.indirect.scatter.add.f32 [tilespmem:s11], [sflag:$0x1], $0x1, s31, s10, $0xb8;
	[tilespmem:$0x5300] =	vst v63  }
0x2c: {  	_ =	swait.ge [sflag:s12], $0x40  }
0x2d: {  	[sflag:s12] =	ssyncset.done $0x0  }
0x2e: {  	[sflag:s12] =	ssyncadd.s32 $0xFFFFFFC0  }
0x2f: {  	_ =	swait.ge [sflag:s12], $0x40  }
0x30: {  	[sflag:s12] =	ssyncset.done $0x0  }
0x31: {  	[sflag:s12] =	ssyncadd.s32 $0xFFFFFFC0  }
0x32: {  	_ =	swait.ge [sflag:s12], $0x40  }
0x33: {  	[sflag:s12] =	ssyncset.done $0x0  }
0x34: {  	[sflag:s12] =	ssyncadd.s32 $0xFFFFFFC0  }
0x35: {  	_ =	swait.ge [sflag:s12], $0x40  }
0x36: {  	[sflag:s12] =	ssyncset.done $0x0  }
0x37: {  	[sflag:s12] =	ssyncadd.s32 $0xFFFFFFC0  }
0x38: {  	_ =	swait.ge [sflag:s12], $0x40  }
0x39: {  	[sflag:s12] =	ssyncset.done $0x0  }
0x3a: {  	[sflag:s12] =	ssyncadd.s32 $0xFFFFFFC0  }
0x3b: {  	_ =	swait.ge [sflag:s12], $0x40  }
0x3c: {  	[sflag:s12] =	ssyncset.done $0x0  }
0x3d: {  	[sflag:s12] =	ssyncadd.s32 $0xFFFFFFC0  }
0x3e: {  	_ =	swait.ge [sflag:s12], $0x40  }
0x3f: {  	[sflag:s12] =	ssyncset.done $0x0  }
0x40: {  	[sflag:s12] =	ssyncadd.s32 $0xFFFFFFC0  }
0x41: {  	_ =	swait.ge [sflag:s12], $0x40  }
0x42: {  	s19 =	simm.s32 $0x2000;
	s17 =	simm.s32 $0x1000;
	[sflag:s12] =	ssyncset.done $0x0  }
.LBB2_2:
0x43: {  	s20 =	sshra.s32 s17, $0x2  }
0x44: {  	[sflag:s12] =	ssyncadd.s32 $0xFFFFFFC0;
	s17 =	smov.u32 s19;
	s18 =	sadd.s32 $0x1000, s19  }
0x45: {  	[spmem:s2] =	stream.indirect.scatter.add.f32 [tilespmem:s11], [sflag:$0x1], $0x1, s20, s10, $0xb8;
	[tilespmem:$0x5300] =	vst v63  }
0x46: {  	p0 =	sne.s32 s19, $0x13000;
	s19 =	sadd.s32 $0x80, s20  }
0x47: {  	[spmem:s2] =	stream.indirect.scatter.add.f32 [tilespmem:s11], [sflag:$0x1], $0x1, s19, s10, $0xb8;
	[tilespmem:$0x5300] =	vst v63  }
0x48: {  	s19 =	sadd.s32 $0x100, s20  }
0x49: {  	[spmem:s2] =	stream.indirect.scatter.add.f32 [tilespmem:s11], [sflag:$0x1], $0x1, s19, s10, $0xb8;
	[tilespmem:$0x5300] =	vst v63  }
0x4a: {  	s19 =	sadd.s32 $0x180, s20  }
0x4b: {  	[spmem:s2] =	stream.indirect.scatter.add.f32 [tilespmem:s11], [sflag:$0x1], $0x1, s19, s10, $0xb8;
	[tilespmem:$0x5300] =	vst v63  }
0x4c: {  	s19 =	sadd.s32 $0x200, s20  }
0x4d: {  	[spmem:s2] =	stream.indirect.scatter.add.f32 [tilespmem:s11], [sflag:$0x1], $0x1, s19, s10, $0xb8;
	[tilespmem:$0x5300] =	vst v63  }
0x4e: {  	s19 =	sadd.s32 $0x280, s20  }
0x4f: {  	[spmem:s2] =	stream.indirect.scatter.add.f32 [tilespmem:s11], [sflag:$0x1], $0x1, s19, s10, $0xb8;
	[tilespmem:$0x5300] =	vst v63  }
0x50: {  	s19 =	sadd.s32 $0x300, s20  }
0x51: {  	[spmem:s2] =	stream.indirect.scatter.add.f32 [tilespmem:s11], [sflag:$0x1], $0x1, s19, s10, $0xb8;
	[tilespmem:$0x5300] =	vst v63  }
0x52: {  	s19 =	sadd.s32 $0x380, s20  }
0x53: {  	[spmem:s2] =	stream.indirect.scatter.add.f32 [tilespmem:s11], [sflag:$0x1], $0x1, s19, s10, $0xb8;
	[tilespmem:$0x5300] =	vst v63  }
0x54: {  	_ =	swait.ge [sflag:s12], $0x40  }
0x55: {  	[sflag:s12] =	ssyncset.done $0x0  }
0x56: {  	[sflag:s12] =	ssyncadd.s32 $0xFFFFFFC0  }
0x57: {  	_ =	swait.ge [sflag:s12], $0x40  }
0x58: {  	[sflag:s12] =	ssyncset.done $0x0  }
0x59: {  	[sflag:s12] =	ssyncadd.s32 $0xFFFFFFC0  }
0x5a: {  	_ =	swait.ge [sflag:s12], $0x40  }
0x5b: {  	[sflag:s12] =	ssyncset.done $0x0  }
0x5c: {  	[sflag:s12] =	ssyncadd.s32 $0xFFFFFFC0  }
0x5d: {  	_ =	swait.ge [sflag:s12], $0x40  }
0x5e: {  	[sflag:s12] =	ssyncset.done $0x0  }
0x5f: {  	[sflag:s12] =	ssyncadd.s32 $0xFFFFFFC0  }
0x60: {  	_ =	swait.ge [sflag:s12], $0x40  }
0x61: {  	[sflag:s12] =	ssyncset.done $0x0  }
0x62: {  	[sflag:s12] =	ssyncadd.s32 $0xFFFFFFC0  }
0x63: {  	_ =	swait.ge [sflag:s12], $0x40  }
0x64: {  	[sflag:s12] =	ssyncset.done $0x0  }
0x65: {  	[sflag:s12] =	ssyncadd.s32 $0xFFFFFFC0  }
.Ltmp0:
0x66: {  	_ =	swait.ge [sflag:s12], $0x40;
	(pc) =	sbr.rel @p0 .LBB2_2-.Ltmp0, $4  }
0x67: {  	[sflag:s12] =	ssyncset.done $0x0  }
0x68: {  	[sflag:s12] =	ssyncadd.s32 $0xFFFFFFC0  }
0x69: {  	_ =	swait.ge [sflag:s12], $0x40  }
0x6a: {  	s19 =	smov.u32 s18;
	[sflag:s12] =	ssyncset.done $0x0  }
0x6b: {  	s17 =	sshra.s32 s17, $0x2;
	[sflag:s12] =	ssyncadd.s32 $0xFFFFFFC0  }
0x6c: {  	[spmem:s2] =	stream.indirect.scatter.add.f32 [tilespmem:s11], [sflag:$0x1], $0x1, s17, s10, $0xb8;
	[tilespmem:$0x5300] =	vst v63  }
0x6d: {  	s18 =	sadd.s32 $0x80, s17  }
0x6e: {  	[spmem:s2] =	stream.indirect.scatter.add.f32 [tilespmem:s11], [sflag:$0x1], $0x1, s18, s10, $0xb8;
	[tilespmem:$0x5300] =	vst v63  }
0x6f: {  	s26 =	sadd.s32 $0x100, s17  }
0x70: {  	[spmem:s2] =	stream.indirect.scatter.add.f32 [tilespmem:s11], [sflag:$0x1], $0x1, s26, s10, $0xb8;
	[tilespmem:$0x5300] =	vst v63  }
0x71: {  	s28 =	sadd.s32 $0x180, s17  }
0x72: {  	[spmem:s2] =	stream.indirect.scatter.add.f32 [tilespmem:s11], [sflag:$0x1], $0x1, s28, s10, $0xb8;
	[tilespmem:$0x5300] =	vst v63  }
0x73: {  	s29 =	sadd.s32 $0x200, s17  }
0x74: {  	[spmem:s2] =	stream.indirect.scatter.add.f32 [tilespmem:s11], [sflag:$0x1], $0x1, s29, s10, $0xb8;
	[tilespmem:$0x5300] =	vst v63  }
0x75: {  	s30 =	sadd.s32 $0x280, s17  }
0x76: {  	[spmem:s2] =	stream.indirect.scatter.add.f32 [tilespmem:s11], [sflag:$0x1], $0x1, s30, s10, $0xb8;
	[tilespmem:$0x5300] =	vst v63  }
0x77: {  	s31 =	sadd.s32 $0x300, s17  }
0x78: {  	[spmem:s2] =	stream.indirect.scatter.add.f32 [tilespmem:s11], [sflag:$0x1], $0x1, s31, s10, $0xb8;
	[tilespmem:$0x5300] =	vst v63  }
0x79: {  	s17 =	sadd.s32 $0x380, s17  }
0x7a: {  	[spmem:s2] =	stream.indirect.scatter.add.f32 [tilespmem:s11], [sflag:$0x1], $0x1, s17, s10, $0xb8;
	[tilespmem:$0x5300] =	vst v63  }
0x7b: {  	_ =	swait.ge [sflag:s12], $0x40  }
0x7c: {  	[sflag:s12] =	ssyncset.done $0x0  }
0x7d: {  	[sflag:s12] =	ssyncadd.s32 $0xFFFFFFC0  }
0x7e: {  	_ =	swait.ge [sflag:s12], $0x40  }
0x7f: {  	[sflag:s12] =	ssyncset.done $0x0  }
0x80: {  	[sflag:s12] =	ssyncadd.s32 $0xFFFFFFC0  }
0x81: {  	_ =	swait.ge [sflag:s12], $0x40  }
0x82: {  	[sflag:s12] =	ssyncset.done $0x0  }
0x83: {  	[sflag:s12] =	ssyncadd.s32 $0xFFFFFFC0  }
0x84: {  	_ =	swait.ge [sflag:s12], $0x40  }
0x85: {  	[sflag:s12] =	ssyncset.done $0x0  }
0x86: {  	[sflag:s12] =	ssyncadd.s32 $0xFFFFFFC0  }
0x87: {  	_ =	swait.ge [sflag:s12], $0x40  }
0x88: {  	[sflag:s12] =	ssyncset.done $0x0  }
0x89: {  	[sflag:s12] =	ssyncadd.s32 $0xFFFFFFC0  }
0x8a: {  	_ =	swait.ge [sflag:s12], $0x40  }
0x8b: {  	[sflag:s12] =	ssyncset.done $0x0  }
0x8c: {  	[sflag:s12] =	ssyncadd.s32 $0xFFFFFFC0  }
0x8d: {  	_ =	swait.ge [sflag:s12], $0x40  }
0x8e: {  	[sflag:s12] =	ssyncset.done $0x0  }
0x8f: {  	[sflag:s12] =	ssyncadd.s32 $0xFFFFFFC0  }
0x90: {  	_ =	swait.ge [sflag:s12], $0x40  }
0x91: {  	s16 =	sadd.s32 $0x1, s16;
	[sflag:s12] =	ssyncset.done $0x0  }
0x92: {  	p0 =	sne.s32 s16, s6;
	[sflag:s12] =	ssyncadd.s32 $0xFFFFFFC0  }
.Ltmp1:
0x93: {  	[bflag:$0x0] =	sbarrier.arrive $0xFFFF;
	(pc) =	sbr.rel @p0 .LBB2_1-.Ltmp1, $4  }
0x94: {  	[hbm:s13@s14], [sflag:s8] =	dma.strided [spmem:s9@s15], $0x50, s12, $0x10   }
0x95: {  	_ =	swait.ge [sflag:s7], $0x50  }
0x96: {  	[sflag:s7] =	ssyncset.done $0x0  }
0x97: {  	[sflag:s7] =	ssyncadd.s32 $0xFFFFFFB0  }
0x98: {  	_ =	sfence.sel $0x180000  }
0x99: {  	[bflag:$0x0] =	sbarrier.arrive $0xFFFF  }
0x9a: {  	p0 =	sne.s32 s1, $0x0;
	_ =	strace $0x90000047  }
0x9b: {  	s0 =	sadd.s32 @!p0 $0x100000, s0;
	[bflag:$0x2] =	sbarrier.arrive $0xFFFF  }
0x9c: {  	[sflag:s0] =	ssyncadd.tile.s32 @!p0 $0x1;
	_ =	shalt  }
.Lfunc_end2:
_tile_overlayer_lowered:
.L_overlay_start_2:
0x9d: {  	(tag) =	ssettag $0x2  }
0x9e: {  	s0 =	rddreg [dreg:$0x0];
	s2 =	stileid.u32  }
0x9f: {  	s1 =	rddreg [dreg:$0x1];
	p0 =	sne.s32 s2, $0x0  }
0xa0: {  	s3 =	rddreg [dreg:$0x2];
	[bflag:$0x3] =	sbarrier.arrive $0xFFFF;
	s2 =	simm.s32 @!p0 $0x1C02  }
0xa1: {  	[timem:s3], [sflag:s2] =	dma.local @!p0 [hbm:s0], s1  }
0xa2: {  	s0 =	simm.s32 @!p0 $0x2  }
0xa3: {  	_ =	swait.ge @!p0 [sflag:s0], s1  }
0xa4: {  	s1 =	ssub.s32 @!p0 $0x0, s1;
	[sflag:s0] =	ssyncset.done @!p0 $0x0  }
0xa5: {  	[sflag:s0] =	ssyncadd.s32 @!p0 s1  }
0xa6: {  	[bflag:$0x3] =	sbarrier.arrive $0xFFFF  }
0xa7: {  	_ =	shalt  }

// kernel: kernel.9.cloned.1.call-start
scs
__scs_entry_jumppad:
0x0: {  	(pc) =	sbr.rel $0x88, $3  }
0x1: {  	(tag) =	ssettag $0x0;
	lr =	simm.s32 $0x1  }
0x2: {  	[smem:$0x3F9B] =	sst lr;
	_ =	strace $0xD0000000  }
0x3: {  	_ = 	snop  }
0x4: {  	_ = 	snop  }
0x5: {  	_ = 	snop  }
0x6: {  	_ = 	snop  }
0x7: {  	_ = 	snop  }
__scs_overlays_trampoline_lowered:
0x8: {  	[smem:$0x3FAA] =	sst s0  }
0x9: {  	[smem:$0x3FAB] =	sst s1  }
0xa: {  	[smem:$0x3FAC] =	sst s2  }
0xb: {  	[smem:$0x3FAD] =	sst s3  }
0xc: {  	[smem:$0x3FAE] =	sst s4  }
0xd: {  	[smem:$0x3FAF] =	sst s5  }
0xe: {  	[smem:$0x3FB0] =	sst s6  }
0xf: {  	[smem:$0x3FB1] =	sst s7  }
0x10: {  	[smem:$0x3FB2] =	sst s8  }
0x11: {  	[smem:$0x3FB3] =	sst s9;
	s0 =	simm.s32 @!p0 $0x0  }
0x12: {  	s1 =	sld [smem:$0x3F99];
	s0 =	simm.s32 @p0 $0x1  }
0x13: {  	[smem:$0x3FB4] =	sst s0;
	s0 =	simm.s32 @!p1 $0x0  }
0x14: {  	s2 =	sld [smem:$0x3F98];
	s0 =	simm.s32 @p1 $0x1  }
0x15: {  	[smem:$0x3FB5] =	sst s0;
	s0 =	simm.s32 @!p2 $0x0  }
0x16: {  	s3 =	sld [smem:$0x3FDB];
	s0 =	simm.s32 @p2 $0x1  }
0x17: {  	s4 =	simm.s32 $0x1BF5;
	[smem:$0x3FB7] =	sst s0  }
0x18: {  	s0 =	sld [smem:$0x3F9A];
	_ =	swait.ge [sflag:s4], $0x0  }
0x19: {  	s7 =	sld [smem:$0x3F9B]  }
0x1a: {  	s8 =	sadd.s32 $0xFFFFE003, lr  }
0x1b: {  	s9 =	sadd.s32 $0xFFFFFEF7, lr;
	s5 =	simm.s32 $0xFFFFFFFF;
	p2 =	slt.u32 s8, $0xFFFFF086  }
0x1c: {  	p1 =	slt.u32 s9, $0xF7A;
	s5 =	simm.s32 @!p2 $0x0  }
0x1d: {  	s5 =	simm.s32 @p1 $0x1;
	p0 =	seq.s32 s7, s2  }
0x1e: {  	s7 =	smul.u32 @!p0 $0xF7A, s2;
	p2 =	seq.s32 @!p0 s5, $0x0  }
0x1f: {  	s9 =	smul.u32 $0xF7A, s1;
	s8 =	simm.s32 @!p0 $0x1BF5;
	p2 =	por !p2, p0  }
0x20: {  	[sflag:s8] =	ssyncset.s32 @!p0 $0xFFFFF086;
	s6 =	sadd.s32 @!p0 s3, s7;
	s7 =	simm.s32 @!p0 $0x108  }
0x21: {  	s3 =	sadd.s32 s3, s9;
	s6 =	sadd.s32 @!p0 $0x88, s6;
	s7 =	simm.s32 @p2 $0x1082  }
0x22: {  	[simem:s7], [sflag:s8] =	dma.local @!p0 [hbm:s6], $0xF7A  }
0x23: {  	s9 =	sor.u32 $0xD0000000, s2;
	s6 =	simm.s32 $0x108;
	_ =	swait.ge @!p0 [sflag:s8], $0x0  }
0x24: {  	s3 =	sadd.s32 $0x88, s3;
	s6 =	simm.s32 @!p1 $0x1082;
	[sflag:s4] =	ssyncset.s32 $0xFFFFF086  }
0x25: {  	[simem:s6], [sflag:s4] =	dma.local [hbm:s3], $0xF7A  }
0x26: {  	[smem:$0x3F9B] =	sst s1;
	(tag) =	ssettag s2;
	_ =	strace s9  }
0x27: {  	s1 =	sld [smem:$0x3FAB]  }
0x28: {  	s2 =	sld [smem:$0x3FAC]  }
0x29: {  	s4 =	sld [smem:$0x3FAE]  }
0x2a: {  	p0 =	seq.s32 s5, $0x0;
	s5 =	sld [smem:$0x3FAF]  }
0x2b: {  	s6 =	sld [smem:$0x3FB0]  }
0x2c: {  	s7 =	sld [smem:$0x3FB1]  }
0x2d: {  	s3 =	simm.s32 $0x108;
	s8 =	sld [smem:$0x3FB2]  }
0x2e: {  	s3 =	simm.s32 @!p0 $0x1082;
	s9 =	sld [smem:$0x3FB3]  }
0x2f: {  	lr =	sadd.s32 s0, s3;
	s0 =	sld [smem:$0x3FAA]  }
0x30: {  	s3 =	sld [smem:$0x3FAD]  }
0x31: {  	[smem:$0x3FB6] =	sst s10  }
0x32: {  	s10 =	sld [smem:$0x3FB4];
	_ =	sdelay $0x3  }
0x33: {  	p0 =	seq.s32 s10, $0x1;
	s10 =	sld [smem:$0x3FB6];
	_ =	sdelay $0x3  }
0x34: {  	[smem:$0x3FB6] =	sst s10  }
0x35: {  	s10 =	sld [smem:$0x3FB5];
	_ =	sdelay $0x3  }
0x36: {  	p1 =	seq.s32 s10, $0x1;
	s10 =	sld [smem:$0x3FB6];
	_ =	sdelay $0x3  }
0x37: {  	[smem:$0x3FB6] =	sst s10  }
0x38: {  	s10 =	sld [smem:$0x3FB7]  }
0x39: {  	_ = 	snop;
	(pc) =	sbr.ind lr, $3  }
0x3a: {  	_ = 	snop  }
0x3b: {  	_ = 	snop  }
0x3c: {  	p2 =	seq.s32 s10, $0x1;
	s10 =	sld [smem:$0x3FB6]  }
0x3d: {  	_ =	shalt  }
0x3e: {  	_ =	shalt  }
0x3f: {  	_ =	shalt  }
0x40: {  	_ =	shalt  }
0x41: {  	_ =	shalt  }
0x42: {  	_ =	shalt  }
0x43: {  	_ =	shalt  }
0x44: {  	_ =	shalt  }
0x45: {  	_ =	shalt  }
0x46: {  	_ =	shalt  }
0x47: {  	_ =	shalt  }
0x48: {  	_ =	shalt  }
0x49: {  	_ =	shalt  }
0x4a: {  	_ =	shalt  }
0x4b: {  	_ =	shalt  }
0x4c: {  	_ =	shalt  }
0x4d: {  	_ =	shalt  }
0x4e: {  	_ =	shalt  }
0x4f: {  	_ =	shalt  }
0x50: {  	_ =	shalt  }
0x51: {  	_ =	shalt  }
0x52: {  	_ =	shalt  }
0x53: {  	_ =	shalt  }
0x54: {  	_ =	shalt  }
0x55: {  	_ =	shalt  }
0x56: {  	_ =	shalt  }
0x57: {  	_ =	shalt  }
0x58: {  	_ =	shalt  }
0x59: {  	_ =	shalt  }
0x5a: {  	_ =	shalt  }
0x5b: {  	_ =	shalt  }
0x5c: {  	_ =	shalt  }
0x5d: {  	_ =	shalt  }
0x5e: {  	_ =	shalt  }
0x5f: {  	_ =	shalt  }
0x60: {  	_ =	shalt  }
0x61: {  	_ =	shalt  }
0x62: {  	_ =	shalt  }
0x63: {  	_ =	shalt  }
0x64: {  	_ =	shalt  }
0x65: {  	_ =	shalt  }
0x66: {  	_ =	shalt  }
0x67: {  	_ =	shalt  }
0x68: {  	_ =	shalt  }
0x69: {  	_ =	shalt  }
0x6a: {  	_ =	shalt  }
0x6b: {  	_ =	shalt  }
0x6c: {  	_ =	shalt  }
0x6d: {  	_ =	shalt  }
0x6e: {  	_ =	shalt  }
0x6f: {  	_ =	shalt  }
0x70: {  	_ =	shalt  }
0x71: {  	_ =	shalt  }
0x72: {  	_ =	shalt  }
0x73: {  	_ =	shalt  }
0x74: {  	_ =	shalt  }
0x75: {  	_ =	shalt  }
0x76: {  	_ =	shalt  }
0x77: {  	_ =	shalt  }
0x78: {  	_ =	shalt  }
0x79: {  	_ =	shalt  }
0x7a: {  	_ =	shalt  }
0x7b: {  	_ =	shalt  }
0x7c: {  	_ =	shalt  }
0x7d: {  	_ =	shalt  }
0x7e: {  	_ =	shalt  }
0x7f: {  	_ =	shalt  }
0x80: {  	_ =	shalt  }
0x81: {  	_ =	shalt  }
0x82: {  	_ =	shalt  }
0x83: {  	_ =	shalt  }
0x84: {  	_ =	shalt  }
0x85: {  	_ =	shalt  }
0x86: {  	_ =	shalt  }
0x87: {  	_ =	shalt  }
.Lfunc_end0:
.L_simem_size_0:
called_computation.1_lowered:
.L_overlay_start_0:
0x88: {  	s2 =	sld [smem:$0x3FD9]  }
0x89: {  	s3 =	sld [smem:$0x3FFE];
	_ =	sdelay $0x1  }
0x8a: {  	s1 =	srdreg.scid  }
0x8b: {  	s0 =	sand.u32 $0x1, s1  }
0x8c: {  	s17 =	sshll.u32 s0, $0xA;
	s2 =	sadd.s32 s3, s2  }
0x8d: {  	s2 =	sadd.s32 s2, s17  }
0x8e: {  	[smem:$0x3FC2] =	sst s2  }
0x8f: {  	_ = 	snop  }
0x90: {  	s2 =	sld [smem:$0x3FD0];
	(tm) =	ssettm $0x1  }
0x91: {  	s18 =	sld [smem:$0x3FFB];
	_ =	sdelay $0x3  }
0x92: {  	_ =	strace s18  }
0x93: {  	s3 =	sld [smem:$0x3FFC];
	_ =	sdelay $0x3  }
0x94: {  	_ =	strace s3  }
0x95: {  	s3 =	sld [smem:$0x3FFD];
	_ =	sdelay $0x3  }
0x96: {  	_ =	strace s3  }
0x97: {  	_ =	strace $0x8FFFFFFF  }
0x98: {  	s19 =	sld [smem:$0x3FDB];
	_ =	sdelay $0x1  }
0x99: {  	s4 =	simm.s32 $_scs_section_size  }
0x9a: {  	s5 =	simm.s32 $_size__tile_overlayer_lowered;
	s6 =	simm.s32 $_tile_overlayer_lowered  }
0x9b: {  	s22 =	simm.s32 $0x1BFF;
	s21 =	sshll.u32 s6, $0x1;
	s3 =	sadd.s32 s4, s19  }
0x9c: {  	s7 =	simm.s32 $0x0;
	s20 =	sshll.u32 s5, $0x1;
	s5 =	sadd.s32 s21, s3  }
0x9d: {  	[timem:s7], [sflag:s22] =	dma.local [hbm:s5], s20  }
0x9e: {  	_ =	swait.ge [sflag:s22], s20  }
0x9f: {  	s4 =	ssub.s32 $0x0, s20;
	[sflag:s22] =	ssyncset.done $0x0  }
0xa0: {  	[sflag:s22] =	ssyncadd.s32 s4;
	_ =	sdelay $0x1  }
0xa1: {  	s23 =	simm.s32 $0x1B8B  }
0xa2: {  	_ =	swait.ge [sflag:s23], $0x1  }
0xa3: {  	[sflag:s23] =	ssyncset.done $0x0  }
0xa4: {  	s25 =	simm.s32 $0x1B8E;
	s24 =	sld [smem:$0x3FFE];
	[sflag:s23] =	ssyncadd.s32 $0xFFFFFFFF  }
0xa5: {  	s26 =	simm.s32 $execute0_lowered;
	[smem:$0x3FD2] =	sst s25  }
0xa6: {  	s5 =	sshll.u32 s26, $0x1;
	_ =	strace $0x80000049;
	[dreg:$0x1] =	wrdreg $0xFFFFFFFF  }
0xa7: {  	s28 =	simm.s32 $_size_execute0_lowered;
	s3 =	sadd.s32 s3, s5;
	[dreg:$0x0] =	wrdreg $0x0  }
0xa8: {  	s5 =	sshll.u32 s28, $0x1;
	[dreg:$0x2] =	wrdreg s3  }
0xa9: {  	[dreg:$0x3] =	wrdreg s5  }
0xaa: {  	[dreg:$0x4] =	wrdreg $0xC0  }
0xab: {  	_ =	task [dreg:s7], $0x5FFFF  }
0xac: {  	[dreg:$0x1] =	wrdreg $0xFFFFFFFF  }
0xad: {  	[dreg:$0x0] =	wrdreg $0x60  }
0xae: {  	[dreg:$0x2] =	wrdreg s24  }
0xaf: {  	[dreg:$0x3] =	wrdreg s2  }
0xb0: {  	[dreg:$0x4] =	wrdreg $0xA8000  }
0xb1: {  	[dreg:$0x5] =	wrdreg $0x9  }
0xb2: {  	_ =	task.clear_ibuf [dreg:s7], $0x6FFFF;
	_ =	strace $0x90000049  }
0xb3: {  	s29 =	simm.s32 $0x9;
	_ =	strace $0x8000004B  }
0xb4: {  	_ =	swait.ge [sflag:s29], $0x1  }
0xb5: {  	[sflag:s29] =	ssyncadd.s32 $0xFFFFFFFF  }
0xb6: {  	_ =	strace $0x9000004B  }
0xb7: {  	_ =	sfence  }
0xb8: {  	s30 =	sld [smem:$0x0];
	_ =	sdelay $0x2  }
0xb9: {  	s31 =	sshll.u32 s1, $0xD;
	s1 =	sshrl.u32 s1, $0x2  }
0xba: {  	s3 =	sand.u32 $0x4000, s31;
	s1 =	sadd.s32 s1, s30  }
0xbb: {  	s0 =	sor.u32 s3, s0;
	s1 =	sshll.u32 s1, $0x11  }
0xbc: {  	s0 =	sor.u32 s1, s0  }
0xbd: {  	s0 =	sadd.s32 $0x8F2B, s0  }
0xbe: {  	[sflag:s0] =	ssyncadd.remote.s32 $0x1  }
0xbf: {  	_ =	sfence.sel $0xFFFF  }
0xc0: {  	[dreg:$0x0] =	wrdreg $0xFFFFFFFF;
	(pc) =	sbr.abs _section_cstart, $3  }
0xc1: {  	[dreg:$0x1] =	wrdreg $0xFFFFFFFF  }
0xc2: {  	_ =	task.clear_ibuf [dreg:s7], $0x2FFFF;
	_ =	strace $0x9FFFFFFF  }
0xc3: {  	(tm) =	ssettm $0x7FFFFFFF  }
tec
execute0_lowered:
.L_overlay_start_1:
0x0: {  	(tag) =	ssettag $0x1  }
0x1: {  	s0 =	srdreg.scid  }
0x2: {  	s1 =	rddreg [dreg:$0x0];
	s7 =	stileid.u32  }
0x3: {  	s3 =	rddreg [dreg:$0x2];
	s4 =	simm.s32 $0x0;
	s12 =	simm.s32 $0x1400  }
0x4: {  	s13 =	simm.s32 $0xA;
	s14 =	simm.s32 $0x40;
	s15 =	simm.s32 $0x2800  }
0x5: {  	s17 =	simm.s32 $0x4800;
	s20 =	simm.s32 $0x6800;
	s21 =	simm.s32 $0x1  }
0x6: {  	s28 =	simm.s32 $0x5;
	s30 =	simm.s32 $0x3;
	s10 =	simm.s32 $0x7  }
0x7: {  	s18 =	simm.s32 $0x1380;
	s16 =	simm.s32 $0x2680;
	s11 =	simm.s32 $0x2700  }
0x8: {  	s19 =	simm.s32 $0x2780;
	s0 =	sand.u32 $0x1, s0;
	[smem:$0x7FF] =	sst s4  }
0x9: {  	s5 =	sadd.s32 $0x2AA00, s1;
	s6 =	smul.u32 $0x50000, s7;
	s8 =	sshll.u32 s7, $0x6  }
0xa: {  	s26 =	smul.u32 $0x2800, s7;
	s4 =	simm.s32 $0x2600;
	s2 =	sshll.u32 s0, $0x4  }
0xb: {  	s22 =	smul.u32 $0x28000, s0;
	_ =	strace $0x8000004A;
	s0 =	ssub.s32 $0x2, s0  }
0xc: {  	[dreg:$0x4] =	wrdreg s8;
	s25 =	sor.u32 $0x1C09, s8;
	s2 =	sor.u32 s7, s2  }
0xd: {  	s23 =	sshrl.u32 s0, $0x1;
	s6 =	sshrl.u32 s6, $0x2;
	[dreg:$0x5] =	wrdreg s25  }
0xe: {  	s25 =	simm.s32 $0x2;
	s7 =	simm.s32 $0x1580;
	s2 =	smul.u32 $0xA00, s2  }
0xf: {  	s0 =	ssub.s32 s0, s23;
	s24 =	sadd.s32 s6, s3;
	s23 =	simm.s32 $0x8800  }
0x10: {  	s6 =	simm.s32 $0x1300;
	s0 =	smax.u32 s0, $0x1;
	s31 =	sshrl.u32 s24, $0x3  }
0x11: {  	s24 =	simm.s32 $0x8;
	s2 =	sadd.s32 s2, s1;
	s1 =	sadd.s32 s22, s1  }
0x12: {  	[dreg:$0x6] =	wrdreg s0;
	s22 =	simm.s32 $0x0;
	s1 =	sadd.s32 $0x52A00, s1  }
0x13: {  	s8 =	sadd.s32 $0x16A00, s2;
	s9 =	sadd.s32 $0x2A00, s2;
	s29 =	sadd.s32 s26, s1  }
0x14: {  	s2 =	simm.s32 $0x4;
	s1 =	simm.s32 $0x6;
	[dreg:$0x7] =	wrdreg s29  }
.LBB2_1:
0x15: {  	s26 =	rddreg [dreg:$0x1]  }
0x16: {  	s29 =	rddreg [dreg:$0x5]  }
0x17: {  	[spmem:s31], [sflag:s29] =	dma.local [hbm:s26], $0x2800  }
0x18: {  	s0 =	smov.u32 s31;
	s31 =	simm.s32 $0x0  }
0x19: {  	[tilespmem:s31], [sflag:$0xA] =	stream.linear.gather [hbm4b:s8+s31], $0x1400, $0x38;
	[tilespmem:$0x1E800] =	vst v63  }
0x1a: {  	_ = 	snop  }
0x1b: {  	[tilespmem:s12], [sflag:$0xA] =	stream.linear.gather [hbm4b:s9+s31], $0x1400, $0x38;
	[tilespmem:$0x1E800] =	vst v63  }
0x1c: {  	_ =	swait.ge [sflag:s13], $0x1400  }
0x1d: {  	[sflag:s13] =	ssyncset.done $0x0  }
0x1e: {  	[sflag:s13] =	ssyncadd.s32 $0xFFFFEC00  }
0x1f: {  	_ =	swait.ge [sflag:s13], $0x1400  }
0x20: {  	[sflag:s13] =	ssyncset.done $0x0  }
0x21: {  	[sflag:s13] =	ssyncadd.s32 $0xFFFFEC00  }
0x22: {  	[tilespmem:s15], [sflag:$0x1] =	stream.indirect.gather [hbm4b:s5+s14], $0x80, s31, s14, $0xb8;
	[tilespmem:$0x1E800] =	vst v63  }
0x23: {  	s31 =	simm.s32 $0x80  }
0x24: {  	[tilespmem:s17], [sflag:$0x2] =	stream.indirect.gather [hbm4b:s5+s14], $0x80, s31, s14, $0xb8;
	[tilespmem:$0x1E800] =	vst v63  }
0x25: {  	s31 =	simm.s32 $0x9  }
0x26: {  	_ =	swait.ge [sflag:s31], $0x2800  }
0x27: {  	[sflag:s31] =	ssyncset.done $0x0  }
0x28: {  	[sflag:s31] =	ssyncadd.s32 $0xFFFFD800  }
0x29: {  	s31 =	simm.s32 $0x100;
	[bflag:$0x0] =	sbarrier.arrive $0xFFFF  }
0x2a: {  	[tilespmem:s20], [sflag:$0x3] =	stream.indirect.gather [hbm4b:s5+s14], $0x80, s31, s14, $0xb8;
	[tilespmem:$0x1E800] =	vst v63  }
0x2b: {  	_ =	swait.ge [sflag:s21], $0x2000  }
0x2c: {  	[sflag:s21] =	ssyncset.done $0x0  }
0x2d: {  	[sflag:s21] =	ssyncadd.s32 $0xFFFFE000  }
0x2e: {  	[spmem:s3] =	stream.indirect.scatter.add.f32 [tilespmem:s15], [sflag:$0x5], $0x80, s12, s14, $0xb8;
	[tilespmem:$0x1E800] =	vst v63  }
0x2f: {  	s31 =	simm.s32 $0x180  }
0x30: {  	[tilespmem:s23], [sflag:$0x4] =	stream.indirect.gather [hbm4b:s5+s14], $0x80, s31, s14, $0xb8;
	[tilespmem:$0x1E800] =	vst v63  }
0x31: {  	_ =	swait.ge [sflag:s25], $0x2000  }
0x32: {  	[sflag:s25] =	ssyncset.done $0x0  }
0x33: {  	s31 =	simm.s32 $0x1480;
	[sflag:s25] =	ssyncadd.s32 $0xFFFFE000  }
0x34: {  	[spmem:s3] =	stream.indirect.scatter.add.f32 [tilespmem:s17], [sflag:$0x6], $0x80, s31, s14, $0xb8;
	[tilespmem:$0x1E800] =	vst v63  }
0x35: {  	_ =	swait.ge [sflag:s28], $0x2000  }
0x36: {  	[sflag:s28] =	ssyncset.done $0x0  }
0x37: {  	s31 =	simm.s32 $0x200;
	[sflag:s28] =	ssyncadd.s32 $0xFFFFE000  }
0x38: {  	[tilespmem:s15], [sflag:$0x1] =	stream.indirect.gather [hbm4b:s5+s14], $0x80, s31, s14, $0xb8;
	[tilespmem:$0x1E800] =	vst v63  }
0x39: {  	_ =	swait.ge [sflag:s30], $0x2000  }
0x3a: {  	[sflag:s30] =	ssyncset.done $0x0  }
0x3b: {  	s31 =	simm.s32 $0x1500;
	[sflag:s30] =	ssyncadd.s32 $0xFFFFE000  }
0x3c: {  	[spmem:s3] =	stream.indirect.scatter.add.f32 [tilespmem:s20], [sflag:$0x7], $0x80, s31, s14, $0xb8;
	[tilespmem:$0x1E800] =	vst v63  }
0x3d: {  	_ =	swait.ge [sflag:s1], $0x2000  }
0x3e: {  	[sflag:s1] =	ssyncset.done $0x0  }
0x3f: {  	s31 =	simm.s32 $0x280;
	[sflag:s1] =	ssyncadd.s32 $0xFFFFE000  }
0x40: {  	[tilespmem:s17], [sflag:$0x2] =	stream.indirect.gather [hbm4b:s5+s14], $0x80, s31, s14, $0xb8;
	[tilespmem:$0x1E800] =	vst v63  }
0x41: {  	_ =	swait.ge [sflag:s2], $0x2000  }
0x42: {  	[sflag:s2] =	ssyncset.done $0x0  }
0x43: {  	[sflag:s2] =	ssyncadd.s32 $0xFFFFE000  }
0x44: {  	[spmem:s3] =	stream.indirect.scatter.add.f32 [tilespmem:s23], [sflag:$0x8], $0x80, s7, s14, $0xb8;
	[tilespmem:$0x1E800] =	vst v63  }
0x45: {  	_ =	swait.ge [sflag:s10], $0x2000  }
0x46: {  	[sflag:s10] =	ssyncset.done $0x0  }
0x47: {  	s31 =	simm.s32 $0x300;
	[sflag:s10] =	ssyncadd.s32 $0xFFFFE000  }
0x48: {  	[tilespmem:s20], [sflag:$0x3] =	stream.indirect.gather [hbm4b:s5+s14], $0x80, s31, s14, $0xb8;
	[tilespmem:$0x1E800] =	vst v63  }
0x49: {  	_ =	swait.ge [sflag:s21], $0x2000  }
0x4a: {  	[sflag:s21] =	ssyncset.done $0x0  }
0x4b: {  	s31 =	simm.s32 $0x1600;
	[sflag:s21] =	ssyncadd.s32 $0xFFFFE000  }
0x4c: {  	[spmem:s3] =	stream.indirect.scatter.add.f32 [tilespmem:s15], [sflag:$0x5], $0x80, s31, s14, $0xb8;
	[tilespmem:$0x1E800] =	vst v63  }
0x4d: {  	_ =	swait.ge [sflag:s24], $0x2000  }
0x4e: {  	[sflag:s24] =	ssyncset.done $0x0  }
0x4f: {  	s31 =	simm.s32 $0x380;
	[sflag:s24] =	ssyncadd.s32 $0xFFFFE000  }
0x50: {  	[tilespmem:s23], [sflag:$0x4] =	stream.indirect.gather [hbm4b:s5+s14], $0x80, s31, s14, $0xb8;
	[tilespmem:$0x1E800] =	vst v63  }
0x51: {  	_ =	swait.ge [sflag:s25], $0x2000  }
0x52: {  	[sflag:s25] =	ssyncset.done $0x0  }
0x53: {  	s31 =	simm.s32 $0x1680;
	[sflag:s25] =	ssyncadd.s32 $0xFFFFE000  }
0x54: {  	[spmem:s3] =	stream.indirect.scatter.add.f32 [tilespmem:s17], [sflag:$0x6], $0x80, s31, s14, $0xb8;
	[tilespmem:$0x1E800] =	vst v63  }
0x55: {  	_ =	swait.ge [sflag:s28], $0x2000  }
0x56: {  	[sflag:s28] =	ssyncset.done $0x0  }
0x57: {  	s31 =	simm.s32 $0x400;
	[sflag:s28] =	ssyncadd.s32 $0xFFFFE000  }
0x58: {  	[tilespmem:s15], [sflag:$0x1] =	stream.indirect.gather [hbm4b:s5+s14], $0x80, s31, s14, $0xb8;
	[tilespmem:$0x1E800] =	vst v63  }
0x59: {  	_ =	swait.ge [sflag:s30], $0x2000  }
0x5a: {  	[sflag:s30] =	ssyncset.done $0x0  }
0x5b: {  	s31 =	simm.s32 $0x1700;
	[sflag:s30] =	ssyncadd.s32 $0xFFFFE000  }
0x5c: {  	[spmem:s3] =	stream.indirect.scatter.add.f32 [tilespmem:s20], [sflag:$0x7], $0x80, s31, s14, $0xb8;
	[tilespmem:$0x1E800] =	vst v63  }
0x5d: {  	_ =	swait.ge [sflag:s1], $0x2000  }
0x5e: {  	[sflag:s1] =	ssyncset.done $0x0  }
0x5f: {  	s31 =	simm.s32 $0x480;
	[sflag:s1] =	ssyncadd.s32 $0xFFFFE000  }
0x60: {  	[tilespmem:s17], [sflag:$0x2] =	stream.indirect.gather [hbm4b:s5+s14], $0x80, s31, s14, $0xb8;
	[tilespmem:$0x1E800] =	vst v63  }
0x61: {  	_ =	swait.ge [sflag:s2], $0x2000  }
0x62: {  	[sflag:s2] =	ssyncset.done $0x0  }
0x63: {  	s26 =	simm.s32 $0x800;
	s29 =	simm.s32 $0x1780;
	[sflag:s2] =	ssyncadd.s32 $0xFFFFE000  }
.LBB2_2:
0x64: {  	[spmem:s3] =	stream.indirect.scatter.add.f32 [tilespmem:s23], [sflag:$0x8], $0x80, s29, s14, $0xb8;
	[tilespmem:$0x1E800] =	vst v63  }
0x65: {  	s29 =	smov.u32 s26  }
0x66: {  	p0 =	sne.s32 s26, $0x3800;
	s26 =	sadd.s32 $0x800, s26;
	_ =	swait.ge [sflag:s10], $0x2000  }
0x67: {  	s29 =	sshra.s32 s29, $0x2;
	[sflag:s10] =	ssyncset.done $0x0  }
0x68: {  	s31 =	sadd.s32 $0x300, s29;
	[sflag:s10] =	ssyncadd.s32 $0xFFFFE000  }
0x69: {  	[tilespmem:s20], [sflag:$0x3] =	stream.indirect.gather [hbm4b:s5+s14], $0x80, s31, s14, $0xb8;
	[tilespmem:$0x1E800] =	vst v63  }
0x6a: {  	_ =	swait.ge [sflag:s21], $0x2000  }
0x6b: {  	[sflag:s21] =	ssyncset.done $0x0  }
0x6c: {  	s31 =	sadd.s32 $0x1600, s29;
	[sflag:s21] =	ssyncadd.s32 $0xFFFFE000  }
0x6d: {  	[spmem:s3] =	stream.indirect.scatter.add.f32 [tilespmem:s15], [sflag:$0x5], $0x80, s31, s14, $0xb8;
	[tilespmem:$0x1E800] =	vst v63  }
0x6e: {  	_ =	swait.ge [sflag:s24], $0x2000  }
0x6f: {  	[sflag:s24] =	ssyncset.done $0x0  }
0x70: {  	s31 =	sadd.s32 $0x380, s29;
	[sflag:s24] =	ssyncadd.s32 $0xFFFFE000  }
0x71: {  	[tilespmem:s23], [sflag:$0x4] =	stream.indirect.gather [hbm4b:s5+s14], $0x80, s31, s14, $0xb8;
	[tilespmem:$0x1E800] =	vst v63  }
0x72: {  	_ =	swait.ge [sflag:s25], $0x2000  }
0x73: {  	[sflag:s25] =	ssyncset.done $0x0  }
0x74: {  	s31 =	sadd.s32 $0x1680, s29;
	[sflag:s25] =	ssyncadd.s32 $0xFFFFE000  }
0x75: {  	[spmem:s3] =	stream.indirect.scatter.add.f32 [tilespmem:s17], [sflag:$0x6], $0x80, s31, s14, $0xb8;
	[tilespmem:$0x1E800] =	vst v63  }
0x76: {  	_ =	swait.ge [sflag:s28], $0x2000  }
0x77: {  	[sflag:s28] =	ssyncset.done $0x0  }
0x78: {  	s31 =	sadd.s32 $0x400, s29;
	[sflag:s28] =	ssyncadd.s32 $0xFFFFE000  }
0x79: {  	[tilespmem:s15], [sflag:$0x1] =	stream.indirect.gather [hbm4b:s5+s14], $0x80, s31, s14, $0xb8;
	[tilespmem:$0x1E800] =	vst v63  }
0x7a: {  	_ =	swait.ge [sflag:s30], $0x2000  }
0x7b: {  	[sflag:s30] =	ssyncset.done $0x0  }
0x7c: {  	s31 =	sadd.s32 $0x1700, s29;
	[sflag:s30] =	ssyncadd.s32 $0xFFFFE000  }
0x7d: {  	[spmem:s3] =	stream.indirect.scatter.add.f32 [tilespmem:s20], [sflag:$0x7], $0x80, s31, s14, $0xb8;
	[tilespmem:$0x1E800] =	vst v63  }
0x7e: {  	_ =	swait.ge [sflag:s1], $0x2000  }
0x7f: {  	[sflag:s1] =	ssyncset.done $0x0  }
.Ltmp0:
0x80: {  	s31 =	sadd.s32 $0x480, s29;
	[sflag:s1] =	ssyncadd.s32 $0xFFFFE000;
	(pc) =	sbr.rel @p0 .LBB2_2-.Ltmp0, $4  }
0x81: {  	[tilespmem:s17], [sflag:$0x2] =	stream.indirect.gather [hbm4b:s5+s14], $0x80, s31, s14, $0xb8;
	[tilespmem:$0x1E800] =	vst v63  }
0x82: {  	_ =	swait.ge [sflag:s2], $0x2000  }
0x83: {  	[sflag:s2] =	ssyncset.done $0x0  }
0x84: {  	s29 =	sadd.s32 $0x1780, s29;
	[sflag:s2] =	ssyncadd.s32 $0xFFFFE000  }
0x85: {  	[spmem:s3] =	stream.indirect.scatter.add.f32 [tilespmem:s23], [sflag:$0x8], $0x80, s29, s14, $0xb8;
	[tilespmem:$0x1E800] =	vst v63  }
0x86: {  	_ =	swait.ge [sflag:s10], $0x2000  }
0x87: {  	[sflag:s10] =	ssyncset.done $0x0  }
0x88: {  	[sflag:s10] =	ssyncadd.s32 $0xFFFFE000  }
0x89: {  	[tilespmem:s20], [sflag:$0x3] =	stream.indirect.gather [hbm4b:s5+s14], $0x80, s6, s14, $0xb8;
	[tilespmem:$0x1E800] =	vst v63  }
0x8a: {  	_ =	swait.ge [sflag:s21], $0x2000  }
0x8b: {  	[sflag:s21] =	ssyncset.done $0x0  }
0x8c: {  	[sflag:s21] =	ssyncadd.s32 $0xFFFFE000  }
0x8d: {  	[spmem:s3] =	stream.indirect.scatter.add.f32 [tilespmem:s15], [sflag:$0x5], $0x80, s4, s14, $0xb8;
	[tilespmem:$0x1E800] =	vst v63  }
0x8e: {  	_ =	swait.ge [sflag:s24], $0x2000  }
0x8f: {  	[sflag:s24] =	ssyncset.done $0x0  }
0x90: {  	[sflag:s24] =	ssyncadd.s32 $0xFFFFE000  }
0x91: {  	[tilespmem:s23], [sflag:$0x4] =	stream.indirect.gather [hbm4b:s5+s14], $0x80, s18, s14, $0xb8;
	[tilespmem:$0x1E800] =	vst v63  }
0x92: {  	_ =	swait.ge [sflag:s25], $0x2000  }
0x93: {  	[sflag:s25] =	ssyncset.done $0x0  }
0x94: {  	[sflag:s25] =	ssyncadd.s32 $0xFFFFE000  }
0x95: {  	[spmem:s3] =	stream.indirect.scatter.add.f32 [tilespmem:s17], [sflag:$0x6], $0x80, s16, s14, $0xb8;
	[tilespmem:$0x1E800] =	vst v63  }
0x96: {  	_ =	swait.ge [sflag:s30], $0x2000  }
0x97: {  	[sflag:s30] =	ssyncset.done $0x0  }
0x98: {  	[sflag:s30] =	ssyncadd.s32 $0xFFFFE000  }
0x99: {  	[spmem:s3] =	stream.indirect.scatter.add.f32 [tilespmem:s20], [sflag:$0x7], $0x80, s11, s14, $0xb8;
	[tilespmem:$0x1E800] =	vst v63  }
0x9a: {  	_ =	swait.ge [sflag:s2], $0x2000  }
0x9b: {  	[sflag:s2] =	ssyncset.done $0x0  }
0x9c: {  	[sflag:s2] =	ssyncadd.s32 $0xFFFFE000  }
0x9d: {  	[spmem:s3] =	stream.indirect.scatter.add.f32 [tilespmem:s23], [sflag:$0x8], $0x80, s19, s14, $0xb8;
	[tilespmem:$0x1E800] =	vst v63  }
0x9e: {  	_ =	swait.ge [sflag:s28], $0x2000  }
0x9f: {  	[sflag:s28] =	ssyncset.done $0x0  }
0xa0: {  	[sflag:s28] =	ssyncadd.s32 $0xFFFFE000  }
0xa1: {  	_ =	swait.ge [sflag:s1], $0x2000  }
0xa2: {  	[sflag:s1] =	ssyncset.done $0x0  }
0xa3: {  	[sflag:s1] =	ssyncadd.s32 $0xFFFFE000  }
0xa4: {  	_ =	swait.ge [sflag:s10], $0x2000  }
0xa5: {  	[sflag:s10] =	ssyncset.done $0x0  }
0xa6: {  	[sflag:s10] =	ssyncadd.s32 $0xFFFFE000  }
0xa7: {  	_ =	swait.ge [sflag:s24], $0x2000  }
0xa8: {  	[sflag:s24] =	ssyncset.done $0x0  }
0xa9: {  	s26 =	sadd.s32 $0x280, s8;
	s29 =	simm.s32 $0x0;
	[sflag:s24] =	ssyncadd.s32 $0xFFFFE000  }
0xaa: {  	[tilespmem:s29], [sflag:$0xA] =	stream.linear.gather [hbm4b:s26+s29], $0x1400, $0x38;
	[tilespmem:$0x1E800] =	vst v63  }
0xab: {  	s31 =	sadd.s32 $0x280, s9  }
0xac: {  	[tilespmem:s12], [sflag:$0xA] =	stream.linear.gather [hbm4b:s31+s29], $0x1400, $0x38;
	[tilespmem:$0x1E800] =	vst v63  }
0xad: {  	_ =	swait.ge [sflag:s13], $0x1400  }
0xae: {  	[sflag:s13] =	ssyncset.done $0x0  }
0xaf: {  	[sflag:s13] =	ssyncadd.s32 $0xFFFFEC00  }
0xb0: {  	_ =	swait.ge [sflag:s13], $0x1400  }
0xb1: {  	[sflag:s13] =	ssyncset.done $0x0  }
0xb2: {  	[sflag:s13] =	ssyncadd.s32 $0xFFFFEC00  }
0xb3: {  	[tilespmem:s15], [sflag:$0x1] =	stream.indirect.gather [hbm4b:s5+s14], $0x80, s29, s14, $0xb8;
	[tilespmem:$0x1E800] =	vst v63  }
0xb4: {  	s31 =	simm.s32 $0x80  }
0xb5: {  	[tilespmem:s17], [sflag:$0x2] =	stream.indirect.gather [hbm4b:s5+s14], $0x80, s31, s14, $0xb8;
	[tilespmem:$0x1E800] =	vst v63  }
0xb6: {  	s31 =	simm.s32 $0x100  }
0xb7: {  	[tilespmem:s20], [sflag:$0x3] =	stream.indirect.gather [hbm4b:s5+s14], $0x80, s31, s14, $0xb8;
	[tilespmem:$0x1E800] =	vst v63  }
0xb8: {  	_ =	swait.ge [sflag:s21], $0x2000  }
0xb9: {  	[sflag:s21] =	ssyncset.done $0x0  }
0xba: {  	[sflag:s21] =	ssyncadd.s32 $0xFFFFE000  }
0xbb: {  	[spmem:s3] =	stream.indirect.scatter.add.f32 [tilespmem:s15], [sflag:$0x5], $0x80, s12, s14, $0xb8;
	[tilespmem:$0x1E800] =	vst v63  }
0xbc: {  	s31 =	simm.s32 $0x180  }
0xbd: {  	[tilespmem:s23], [sflag:$0x4] =	stream.indirect.gather [hbm4b:s5+s14], $0x80, s31, s14, $0xb8;
	[tilespmem:$0x1E800] =	vst v63  }
0xbe: {  	_ =	swait.ge [sflag:s25], $0x2000  }
0xbf: {  	[sflag:s25] =	ssyncset.done $0x0  }
0xc0: {  	s31 =	simm.s32 $0x1480;
	[sflag:s25] =	ssyncadd.s32 $0xFFFFE000  }
0xc1: {  	[spmem:s3] =	stream.indirect.scatter.add.f32 [tilespmem:s17], [sflag:$0x6], $0x80, s31, s14, $0xb8;
	[tilespmem:$0x1E800] =	vst v63  }
0xc2: {  	_ =	swait.ge [sflag:s28], $0x2000  }
0xc3: {  	[sflag:s28] =	ssyncset.done $0x0  }
0xc4: {  	s31 =	simm.s32 $0x200;
	[sflag:s28] =	ssyncadd.s32 $0xFFFFE000  }
0xc5: {  	[tilespmem:s15], [sflag:$0x1] =	stream.indirect.gather [hbm4b:s5+s14], $0x80, s31, s14, $0xb8;
	[tilespmem:$0x1E800] =	vst v63  }
0xc6: {  	_ =	swait.ge [sflag:s30], $0x2000  }
0xc7: {  	[sflag:s30] =	ssyncset.done $0x0  }
0xc8: {  	s31 =	simm.s32 $0x1500;
	[sflag:s30] =	ssyncadd.s32 $0xFFFFE000  }
0xc9: {  	[spmem:s3] =	stream.indirect.scatter.add.f32 [tilespmem:s20], [sflag:$0x7], $0x80, s31, s14, $0xb8;
	[tilespmem:$0x1E800] =	vst v63  }
0xca: {  	_ =	swait.ge [sflag:s1], $0x2000  }
0xcb: {  	[sflag:s1] =	ssyncset.done $0x0  }
0xcc: {  	s31 =	simm.s32 $0x280;
	[sflag:s1] =	ssyncadd.s32 $0xFFFFE000  }
0xcd: {  	[tilespmem:s17], [sflag:$0x2] =	stream.indirect.gather [hbm4b:s5+s14], $0x80, s31, s14, $0xb8;
	[tilespmem:$0x1E800] =	vst v63  }
0xce: {  	_ =	swait.ge [sflag:s2], $0x2000  }
0xcf: {  	[sflag:s2] =	ssyncset.done $0x0  }
0xd0: {  	[sflag:s2] =	ssyncadd.s32 $0xFFFFE000  }
0xd1: {  	[spmem:s3] =	stream.indirect.scatter.add.f32 [tilespmem:s23], [sflag:$0x8], $0x80, s7, s14, $0xb8;
	[tilespmem:$0x1E800] =	vst v63  }
0xd2: {  	_ =	swait.ge [sflag:s10], $0x2000  }
0xd3: {  	[sflag:s10] =	ssyncset.done $0x0  }
0xd4: {  	s31 =	simm.s32 $0x300;
	[sflag:s10] =	ssyncadd.s32 $0xFFFFE000  }
0xd5: {  	[tilespmem:s20], [sflag:$0x3] =	stream.indirect.gather [hbm4b:s5+s14], $0x80, s31, s14, $0xb8;
	[tilespmem:$0x1E800] =	vst v63  }
0xd6: {  	_ =	swait.ge [sflag:s21], $0x2000  }
0xd7: {  	[sflag:s21] =	ssyncset.done $0x0  }
0xd8: {  	s31 =	simm.s32 $0x1600;
	[sflag:s21] =	ssyncadd.s32 $0xFFFFE000  }
0xd9: {  	[spmem:s3] =	stream.indirect.scatter.add.f32 [tilespmem:s15], [sflag:$0x5], $0x80, s31, s14, $0xb8;
	[tilespmem:$0x1E800] =	vst v63  }
0xda: {  	_ =	swait.ge [sflag:s24], $0x2000  }
0xdb: {  	[sflag:s24] =	ssyncset.done $0x0  }
0xdc: {  	s31 =	simm.s32 $0x380;
	[sflag:s24] =	ssyncadd.s32 $0xFFFFE000  }
0xdd: {  	[tilespmem:s23], [sflag:$0x4] =	stream.indirect.gather [hbm4b:s5+s14], $0x80, s31, s14, $0xb8;
	[tilespmem:$0x1E800] =	vst v63  }
0xde: {  	_ =	swait.ge [sflag:s25], $0x2000  }
0xdf: {  	[sflag:s25] =	ssyncset.done $0x0  }
0xe0: {  	s31 =	simm.s32 $0x1680;
	[sflag:s25] =	ssyncadd.s32 $0xFFFFE000  }
0xe1: {  	[spmem:s3] =	stream.indirect.scatter.add.f32 [tilespmem:s17], [sflag:$0x6], $0x80, s31, s14, $0xb8;
	[tilespmem:$0x1E800] =	vst v63  }
0xe2: {  	_ =	swait.ge [sflag:s28], $0x2000  }
0xe3: {  	[sflag:s28] =	ssyncset.done $0x0  }
0xe4: {  	s31 =	simm.s32 $0x400;
	[sflag:s28] =	ssyncadd.s32 $0xFFFFE000  }
0xe5: {  	[tilespmem:s15], [sflag:$0x1] =	stream.indirect.gather [hbm4b:s5+s14], $0x80, s31, s14, $0xb8;
	[tilespmem:$0x1E800] =	vst v63  }
0xe6: {  	_ =	swait.ge [sflag:s30], $0x2000  }
0xe7: {  	[sflag:s30] =	ssyncset.done $0x0  }
0xe8: {  	s31 =	simm.s32 $0x1700;
	[sflag:s30] =	ssyncadd.s32 $0xFFFFE000  }
0xe9: {  	[spmem:s3] =	stream.indirect.scatter.add.f32 [tilespmem:s20], [sflag:$0x7], $0x80, s31, s14, $0xb8;
	[tilespmem:$0x1E800] =	vst v63  }
0xea: {  	_ =	swait.ge [sflag:s1], $0x2000  }
0xeb: {  	[sflag:s1] =	ssyncset.done $0x0  }
0xec: {  	s31 =	simm.s32 $0x480;
	[sflag:s1] =	ssyncadd.s32 $0xFFFFE000  }
0xed: {  	[tilespmem:s17], [sflag:$0x2] =	stream.indirect.gather [hbm4b:s5+s14], $0x80, s31, s14, $0xb8;
	[tilespmem:$0x1E800] =	vst v63  }
0xee: {  	_ =	swait.ge [sflag:s2], $0x2000  }
0xef: {  	[sflag:s2] =	ssyncset.done $0x0  }
0xf0: {  	s26 =	simm.s32 $0x800;
	s29 =	simm.s32 $0x1780;
	[sflag:s2] =	ssyncadd.s32 $0xFFFFE000  }
.LBB2_4:
0xf1: {  	[spmem:s3] =	stream.indirect.scatter.add.f32 [tilespmem:s23], [sflag:$0x8], $0x80, s29, s14, $0xb8;
	[tilespmem:$0x1E800] =	vst v63  }
0xf2: {  	s29 =	smov.u32 s26  }
0xf3: {  	p0 =	sne.s32 s26, $0x3800;
	s26 =	sadd.s32 $0x800, s26;
	_ =	swait.ge [sflag:s10], $0x2000  }
0xf4: {  	s29 =	sshra.s32 s29, $0x2;
	[sflag:s10] =	ssyncset.done $0x0  }
0xf5: {  	s31 =	sadd.s32 $0x300, s29;
	[sflag:s10] =	ssyncadd.s32 $0xFFFFE000  }
0xf6: {  	[tilespmem:s20], [sflag:$0x3] =	stream.indirect.gather [hbm4b:s5+s14], $0x80, s31, s14, $0xb8;
	[tilespmem:$0x1E800] =	vst v63  }
0xf7: {  	_ =	swait.ge [sflag:s21], $0x2000  }
0xf8: {  	[sflag:s21] =	ssyncset.done $0x0  }
0xf9: {  	s31 =	sadd.s32 $0x1600, s29;
	[sflag:s21] =	ssyncadd.s32 $0xFFFFE000  }
0xfa: {  	[spmem:s3] =	stream.indirect.scatter.add.f32 [tilespmem:s15], [sflag:$0x5], $0x80, s31, s14, $0xb8;
	[tilespmem:$0x1E800] =	vst v63  }
0xfb: {  	_ =	swait.ge [sflag:s24], $0x2000  }
0xfc: {  	[sflag:s24] =	ssyncset.done $0x0  }
0xfd: {  	s31 =	sadd.s32 $0x380, s29;
	[sflag:s24] =	ssyncadd.s32 $0xFFFFE000  }
0xfe: {  	[tilespmem:s23], [sflag:$0x4] =	stream.indirect.gather [hbm4b:s5+s14], $0x80, s31, s14, $0xb8;
	[tilespmem:$0x1E800] =	vst v63  }
0xff: {  	_ =	swait.ge [sflag:s25], $0x2000  }
0x100: {  	[sflag:s25] =	ssyncset.done $0x0  }
0x101: {  	s31 =	sadd.s32 $0x1680, s29;
	[sflag:s25] =	ssyncadd.s32 $0xFFFFE000  }
0x102: {  	[spmem:s3] =	stream.indirect.scatter.add.f32 [tilespmem:s17], [sflag:$0x6], $0x80, s31, s14, $0xb8;
	[tilespmem:$0x1E800] =	vst v63  }
0x103: {  	_ =	swait.ge [sflag:s28], $0x2000  }
0x104: {  	[sflag:s28] =	ssyncset.done $0x0  }
0x105: {  	s31 =	sadd.s32 $0x400, s29;
	[sflag:s28] =	ssyncadd.s32 $0xFFFFE000  }
0x106: {  	[tilespmem:s15], [sflag:$0x1] =	stream.indirect.gather [hbm4b:s5+s14], $0x80, s31, s14, $0xb8;
	[tilespmem:$0x1E800] =	vst v63  }
0x107: {  	_ =	swait.ge [sflag:s30], $0x2000  }
0x108: {  	[sflag:s30] =	ssyncset.done $0x0  }
0x109: {  	s31 =	sadd.s32 $0x1700, s29;
	[sflag:s30] =	ssyncadd.s32 $0xFFFFE000  }
0x10a: {  	[spmem:s3] =	stream.indirect.scatter.add.f32 [tilespmem:s20], [sflag:$0x7], $0x80, s31, s14, $0xb8;
	[tilespmem:$0x1E800] =	vst v63  }
0x10b: {  	_ =	swait.ge [sflag:s1], $0x2000  }
0x10c: {  	[sflag:s1] =	ssyncset.done $0x0  }
.Ltmp1:
0x10d: {  	s31 =	sadd.s32 $0x480, s29;
	[sflag:s1] =	ssyncadd.s32 $0xFFFFE000;
	(pc) =	sbr.rel @p0 .LBB2_4-.Ltmp1, $4  }
0x10e: {  	[tilespmem:s17], [sflag:$0x2] =	stream.indirect.gather [hbm4b:s5+s14], $0x80, s31, s14, $0xb8;
	[tilespmem:$0x1E800] =	vst v63  }
0x10f: {  	_ =	swait.ge [sflag:s2], $0x2000  }
0x110: {  	[sflag:s2] =	ssyncset.done $0x0  }
0x111: {  	s29 =	sadd.s32 $0x1780, s29;
	[sflag:s2] =	ssyncadd.s32 $0xFFFFE000  }
0x112: {  	[spmem:s3] =	stream.indirect.scatter.add.f32 [tilespmem:s23], [sflag:$0x8], $0x80, s29, s14, $0xb8;
	[tilespmem:$0x1E800] =	vst v63  }
0x113: {  	_ =	swait.ge [sflag:s10], $0x2000  }
0x114: {  	[sflag:s10] =	ssyncset.done $0x0  }
0x115: {  	[sflag:s10] =	ssyncadd.s32 $0xFFFFE000  }
0x116: {  	[tilespmem:s20], [sflag:$0x3] =	stream.indirect.gather [hbm4b:s5+s14], $0x80, s6, s14, $0xb8;
	[tilespmem:$0x1E800] =	vst v63  }
0x117: {  	_ =	swait.ge [sflag:s21], $0x2000  }
0x118: {  	[sflag:s21] =	ssyncset.done $0x0  }
0x119: {  	[sflag:s21] =	ssyncadd.s32 $0xFFFFE000  }
0x11a: {  	[spmem:s3] =	stream.indirect.scatter.add.f32 [tilespmem:s15], [sflag:$0x5], $0x80, s4, s14, $0xb8;
	[tilespmem:$0x1E800] =	vst v63  }
0x11b: {  	_ =	swait.ge [sflag:s24], $0x2000  }
0x11c: {  	[sflag:s24] =	ssyncset.done $0x0  }
0x11d: {  	[sflag:s24] =	ssyncadd.s32 $0xFFFFE000  }
0x11e: {  	[tilespmem:s23], [sflag:$0x4] =	stream.indirect.gather [hbm4b:s5+s14], $0x80, s18, s14, $0xb8;
	[tilespmem:$0x1E800] =	vst v63  }
0x11f: {  	_ =	swait.ge [sflag:s25], $0x2000  }
0x120: {  	[sflag:s25] =	ssyncset.done $0x0  }
0x121: {  	[sflag:s25] =	ssyncadd.s32 $0xFFFFE000  }
0x122: {  	[spmem:s3] =	stream.indirect.scatter.add.f32 [tilespmem:s17], [sflag:$0x6], $0x80, s16, s14, $0xb8;
	[tilespmem:$0x1E800] =	vst v63  }
0x123: {  	_ =	swait.ge [sflag:s30], $0x2000  }
0x124: {  	[sflag:s30] =	ssyncset.done $0x0  }
0x125: {  	[sflag:s30] =	ssyncadd.s32 $0xFFFFE000  }
0x126: {  	[spmem:s3] =	stream.indirect.scatter.add.f32 [tilespmem:s20], [sflag:$0x7], $0x80, s11, s14, $0xb8;
	[tilespmem:$0x1E800] =	vst v63  }
0x127: {  	_ =	swait.ge [sflag:s2], $0x2000  }
0x128: {  	[sflag:s2] =	ssyncset.done $0x0  }
0x129: {  	[sflag:s2] =	ssyncadd.s32 $0xFFFFE000  }
0x12a: {  	[spmem:s3] =	stream.indirect.scatter.add.f32 [tilespmem:s23], [sflag:$0x8], $0x80, s19, s14, $0xb8;
	[tilespmem:$0x1E800] =	vst v63  }
0x12b: {  	_ =	swait.ge [sflag:s28], $0x2000  }
0x12c: {  	[sflag:s28] =	ssyncset.done $0x0  }
0x12d: {  	[sflag:s28] =	ssyncadd.s32 $0xFFFFE000  }
0x12e: {  	_ =	swait.ge [sflag:s1], $0x2000  }
0x12f: {  	[sflag:s1] =	ssyncset.done $0x0  }
0x130: {  	[sflag:s1] =	ssyncadd.s32 $0xFFFFE000  }
0x131: {  	_ =	swait.ge [sflag:s10], $0x2000  }
0x132: {  	[sflag:s10] =	ssyncset.done $0x0  }
0x133: {  	[sflag:s10] =	ssyncadd.s32 $0xFFFFE000  }
0x134: {  	_ =	swait.ge [sflag:s24], $0x2000  }
0x135: {  	[sflag:s24] =	ssyncset.done $0x0  }
0x136: {  	s26 =	sadd.s32 $0x500, s8;
	s29 =	simm.s32 $0x0;
	[sflag:s24] =	ssyncadd.s32 $0xFFFFE000  }
0x137: {  	[tilespmem:s29], [sflag:$0xA] =	stream.linear.gather [hbm4b:s26+s29], $0x1400, $0x38;
	[tilespmem:$0x1E800] =	vst v63  }
0x138: {  	s31 =	sadd.s32 $0x500, s9  }
0x139: {  	[tilespmem:s12], [sflag:$0xA] =	stream.linear.gather [hbm4b:s31+s29], $0x1400, $0x38;
	[tilespmem:$0x1E800] =	vst v63  }
0x13a: {  	_ =	swait.ge [sflag:s13], $0x1400  }
0x13b: {  	[sflag:s13] =	ssyncset.done $0x0  }
0x13c: {  	[sflag:s13] =	ssyncadd.s32 $0xFFFFEC00  }
0x13d: {  	_ =	swait.ge [sflag:s13], $0x1400  }
0x13e: {  	[sflag:s13] =	ssyncset.done $0x0  }
0x13f: {  	[sflag:s13] =	ssyncadd.s32 $0xFFFFEC00  }
0x140: {  	[tilespmem:s15], [sflag:$0x1] =	stream.indirect.gather [hbm4b:s5+s14], $0x80, s29, s14, $0xb8;
	[tilespmem:$0x1E800] =	vst v63  }
0x141: {  	s31 =	simm.s32 $0x80  }
0x142: {  	[tilespmem:s17], [sflag:$0x2] =	stream.indirect.gather [hbm4b:s5+s14], $0x80, s31, s14, $0xb8;
	[tilespmem:$0x1E800] =	vst v63  }
0x143: {  	s31 =	simm.s32 $0x100  }
0x144: {  	[tilespmem:s20], [sflag:$0x3] =	stream.indirect.gather [hbm4b:s5+s14], $0x80, s31, s14, $0xb8;
	[tilespmem:$0x1E800] =	vst v63  }
0x145: {  	_ =	swait.ge [sflag:s21], $0x2000  }
0x146: {  	[sflag:s21] =	ssyncset.done $0x0  }
0x147: {  	[sflag:s21] =	ssyncadd.s32 $0xFFFFE000  }
0x148: {  	[spmem:s3] =	stream.indirect.scatter.add.f32 [tilespmem:s15], [sflag:$0x5], $0x80, s12, s14, $0xb8;
	[tilespmem:$0x1E800] =	vst v63  }
0x149: {  	s31 =	simm.s32 $0x180  }
0x14a: {  	[tilespmem:s23], [sflag:$0x4] =	stream.indirect.gather [hbm4b:s5+s14], $0x80, s31, s14, $0xb8;
	[tilespmem:$0x1E800] =	vst v63  }
0x14b: {  	_ =	swait.ge [sflag:s25], $0x2000  }
0x14c: {  	[sflag:s25] =	ssyncset.done $0x0  }
0x14d: {  	s31 =	simm.s32 $0x1480;
	[sflag:s25] =	ssyncadd.s32 $0xFFFFE000  }
0x14e: {  	[spmem:s3] =	stream.indirect.scatter.add.f32 [tilespmem:s17], [sflag:$0x6], $0x80, s31, s14, $0xb8;
	[tilespmem:$0x1E800] =	vst v63  }
0x14f: {  	_ =	swait.ge [sflag:s28], $0x2000  }
0x150: {  	[sflag:s28] =	ssyncset.done $0x0  }
0x151: {  	s31 =	simm.s32 $0x200;
	[sflag:s28] =	ssyncadd.s32 $0xFFFFE000  }
0x152: {  	[tilespmem:s15], [sflag:$0x1] =	stream.indirect.gather [hbm4b:s5+s14], $0x80, s31, s14, $0xb8;
	[tilespmem:$0x1E800] =	vst v63  }
0x153: {  	_ =	swait.ge [sflag:s30], $0x2000  }
0x154: {  	[sflag:s30] =	ssyncset.done $0x0  }
0x155: {  	s31 =	simm.s32 $0x1500;
	[sflag:s30] =	ssyncadd.s32 $0xFFFFE000  }
0x156: {  	[spmem:s3] =	stream.indirect.scatter.add.f32 [tilespmem:s20], [sflag:$0x7], $0x80, s31, s14, $0xb8;
	[tilespmem:$0x1E800] =	vst v63  }
0x157: {  	_ =	swait.ge [sflag:s1], $0x2000  }
0x158: {  	[sflag:s1] =	ssyncset.done $0x0  }
0x159: {  	s31 =	simm.s32 $0x280;
	[sflag:s1] =	ssyncadd.s32 $0xFFFFE000  }
0x15a: {  	[tilespmem:s17], [sflag:$0x2] =	stream.indirect.gather [hbm4b:s5+s14], $0x80, s31, s14, $0xb8;
	[tilespmem:$0x1E800] =	vst v63  }
0x15b: {  	_ =	swait.ge [sflag:s2], $0x2000  }
0x15c: {  	[sflag:s2] =	ssyncset.done $0x0  }
0x15d: {  	[sflag:s2] =	ssyncadd.s32 $0xFFFFE000  }
0x15e: {  	[spmem:s3] =	stream.indirect.scatter.add.f32 [tilespmem:s23], [sflag:$0x8], $0x80, s7, s14, $0xb8;
	[tilespmem:$0x1E800] =	vst v63  }
0x15f: {  	_ =	swait.ge [sflag:s10], $0x2000  }
0x160: {  	[sflag:s10] =	ssyncset.done $0x0  }
0x161: {  	s31 =	simm.s32 $0x300;
	[sflag:s10] =	ssyncadd.s32 $0xFFFFE000  }
0x162: {  	[tilespmem:s20], [sflag:$0x3] =	stream.indirect.gather [hbm4b:s5+s14], $0x80, s31, s14, $0xb8;
	[tilespmem:$0x1E800] =	vst v63  }
0x163: {  	_ =	swait.ge [sflag:s21], $0x2000  }
0x164: {  	[sflag:s21] =	ssyncset.done $0x0  }
0x165: {  	s31 =	simm.s32 $0x1600;
	[sflag:s21] =	ssyncadd.s32 $0xFFFFE000  }
0x166: {  	[spmem:s3] =	stream.indirect.scatter.add.f32 [tilespmem:s15], [sflag:$0x5], $0x80, s31, s14, $0xb8;
	[tilespmem:$0x1E800] =	vst v63  }
0x167: {  	_ =	swait.ge [sflag:s24], $0x2000  }
0x168: {  	[sflag:s24] =	ssyncset.done $0x0  }
0x169: {  	s31 =	simm.s32 $0x380;
	[sflag:s24] =	ssyncadd.s32 $0xFFFFE000  }
0x16a: {  	[tilespmem:s23], [sflag:$0x4] =	stream.indirect.gather [hbm4b:s5+s14], $0x80, s31, s14, $0xb8;
	[tilespmem:$0x1E800] =	vst v63  }
0x16b: {  	_ =	swait.ge [sflag:s25], $0x2000  }
0x16c: {  	[sflag:s25] =	ssyncset.done $0x0  }
0x16d: {  	s31 =	simm.s32 $0x1680;
	[sflag:s25] =	ssyncadd.s32 $0xFFFFE000  }
0x16e: {  	[spmem:s3] =	stream.indirect.scatter.add.f32 [tilespmem:s17], [sflag:$0x6], $0x80, s31, s14, $0xb8;
	[tilespmem:$0x1E800] =	vst v63  }
0x16f: {  	_ =	swait.ge [sflag:s28], $0x2000  }
0x170: {  	[sflag:s28] =	ssyncset.done $0x0  }
0x171: {  	s31 =	simm.s32 $0x400;
	[sflag:s28] =	ssyncadd.s32 $0xFFFFE000  }
0x172: {  	[tilespmem:s15], [sflag:$0x1] =	stream.indirect.gather [hbm4b:s5+s14], $0x80, s31, s14, $0xb8;
	[tilespmem:$0x1E800] =	vst v63  }
0x173: {  	_ =	swait.ge [sflag:s30], $0x2000  }
0x174: {  	[sflag:s30] =	ssyncset.done $0x0  }
0x175: {  	s31 =	simm.s32 $0x1700;
	[sflag:s30] =	ssyncadd.s32 $0xFFFFE000  }
0x176: {  	[spmem:s3] =	stream.indirect.scatter.add.f32 [tilespmem:s20], [sflag:$0x7], $0x80, s31, s14, $0xb8;
	[tilespmem:$0x1E800] =	vst v63  }
0x177: {  	_ =	swait.ge [sflag:s1], $0x2000  }
0x178: {  	[sflag:s1] =	ssyncset.done $0x0  }
0x179: {  	s31 =	simm.s32 $0x480;
	[sflag:s1] =	ssyncadd.s32 $0xFFFFE000  }
0x17a: {  	[tilespmem:s17], [sflag:$0x2] =	stream.indirect.gather [hbm4b:s5+s14], $0x80, s31, s14, $0xb8;
	[tilespmem:$0x1E800] =	vst v63  }
0x17b: {  	_ =	swait.ge [sflag:s2], $0x2000  }
0x17c: {  	[sflag:s2] =	ssyncset.done $0x0  }
0x17d: {  	s26 =	simm.s32 $0x800;
	s29 =	simm.s32 $0x1780;
	[sflag:s2] =	ssyncadd.s32 $0xFFFFE000  }
.LBB2_6:
0x17e: {  	[spmem:s3] =	stream.indirect.scatter.add.f32 [tilespmem:s23], [sflag:$0x8], $0x80, s29, s14, $0xb8;
	[tilespmem:$0x1E800] =	vst v63  }
0x17f: {  	s29 =	smov.u32 s26  }
0x180: {  	p0 =	sne.s32 s26, $0x3800;
	s26 =	sadd.s32 $0x800, s26;
	_ =	swait.ge [sflag:s10], $0x2000  }
0x181: {  	s29 =	sshra.s32 s29, $0x2;
	[sflag:s10] =	ssyncset.done $0x0  }
0x182: {  	s31 =	sadd.s32 $0x300, s29;
	[sflag:s10] =	ssyncadd.s32 $0xFFFFE000  }
0x183: {  	[tilespmem:s20], [sflag:$0x3] =	stream.indirect.gather [hbm4b:s5+s14], $0x80, s31, s14, $0xb8;
	[tilespmem:$0x1E800] =	vst v63  }
0x184: {  	_ =	swait.ge [sflag:s21], $0x2000  }
0x185: {  	[sflag:s21] =	ssyncset.done $0x0  }
0x186: {  	s31 =	sadd.s32 $0x1600, s29;
	[sflag:s21] =	ssyncadd.s32 $0xFFFFE000  }
0x187: {  	[spmem:s3] =	stream.indirect.scatter.add.f32 [tilespmem:s15], [sflag:$0x5], $0x80, s31, s14, $0xb8;
	[tilespmem:$0x1E800] =	vst v63  }
0x188: {  	_ =	swait.ge [sflag:s24], $0x2000  }
0x189: {  	[sflag:s24] =	ssyncset.done $0x0  }
0x18a: {  	s31 =	sadd.s32 $0x380, s29;
	[sflag:s24] =	ssyncadd.s32 $0xFFFFE000  }
0x18b: {  	[tilespmem:s23], [sflag:$0x4] =	stream.indirect.gather [hbm4b:s5+s14], $0x80, s31, s14, $0xb8;
	[tilespmem:$0x1E800] =	vst v63  }
0x18c: {  	_ =	swait.ge [sflag:s25], $0x2000  }
0x18d: {  	[sflag:s25] =	ssyncset.done $0x0  }
0x18e: {  	s31 =	sadd.s32 $0x1680, s29;
	[sflag:s25] =	ssyncadd.s32 $0xFFFFE000  }
0x18f: {  	[spmem:s3] =	stream.indirect.scatter.add.f32 [tilespmem:s17], [sflag:$0x6], $0x80, s31, s14, $0xb8;
	[tilespmem:$0x1E800] =	vst v63  }
0x190: {  	_ =	swait.ge [sflag:s28], $0x2000  }
0x191: {  	[sflag:s28] =	ssyncset.done $0x0  }
0x192: {  	s31 =	sadd.s32 $0x400, s29;
	[sflag:s28] =	ssyncadd.s32 $0xFFFFE000  }
0x193: {  	[tilespmem:s15], [sflag:$0x1] =	stream.indirect.gather [hbm4b:s5+s14], $0x80, s31, s14, $0xb8;
	[tilespmem:$0x1E800] =	vst v63  }
0x194: {  	_ =	swait.ge [sflag:s30], $0x2000  }
0x195: {  	[sflag:s30] =	ssyncset.done $0x0  }
0x196: {  	s31 =	sadd.s32 $0x1700, s29;
	[sflag:s30] =	ssyncadd.s32 $0xFFFFE000  }
0x197: {  	[spmem:s3] =	stream.indirect.scatter.add.f32 [tilespmem:s20], [sflag:$0x7], $0x80, s31, s14, $0xb8;
	[tilespmem:$0x1E800] =	vst v63  }
0x198: {  	_ =	swait.ge [sflag:s1], $0x2000  }
0x199: {  	[sflag:s1] =	ssyncset.done $0x0  }
.Ltmp2:
0x19a: {  	s31 =	sadd.s32 $0x480, s29;
	[sflag:s1] =	ssyncadd.s32 $0xFFFFE000;
	(pc) =	sbr.rel @p0 .LBB2_6-.Ltmp2, $4  }
0x19b: {  	[tilespmem:s17], [sflag:$0x2] =	stream.indirect.gather [hbm4b:s5+s14], $0x80, s31, s14, $0xb8;
	[tilespmem:$0x1E800] =	vst v63  }
0x19c: {  	_ =	swait.ge [sflag:s2], $0x2000  }
0x19d: {  	[sflag:s2] =	ssyncset.done $0x0  }
0x19e: {  	s29 =	sadd.s32 $0x1780, s29;
	[sflag:s2] =	ssyncadd.s32 $0xFFFFE000  }
0x19f: {  	[spmem:s3] =	stream.indirect.scatter.add.f32 [tilespmem:s23], [sflag:$0x8], $0x80, s29, s14, $0xb8;
	[tilespmem:$0x1E800] =	vst v63  }
0x1a0: {  	_ =	swait.ge [sflag:s10], $0x2000  }
0x1a1: {  	[sflag:s10] =	ssyncset.done $0x0  }
0x1a2: {  	[sflag:s10] =	ssyncadd.s32 $0xFFFFE000  }
0x1a3: {  	[tilespmem:s20], [sflag:$0x3] =	stream.indirect.gather [hbm4b:s5+s14], $0x80, s6, s14, $0xb8;
	[tilespmem:$0x1E800] =	vst v63  }
0x1a4: {  	_ =	swait.ge [sflag:s21], $0x2000  }
0x1a5: {  	[sflag:s21] =	ssyncset.done $0x0  }
0x1a6: {  	[sflag:s21] =	ssyncadd.s32 $0xFFFFE000  }
0x1a7: {  	[spmem:s3] =	stream.indirect.scatter.add.f32 [tilespmem:s15], [sflag:$0x5], $0x80, s4, s14, $0xb8;
	[tilespmem:$0x1E800] =	vst v63  }
0x1a8: {  	_ =	swait.ge [sflag:s24], $0x2000  }
0x1a9: {  	[sflag:s24] =	ssyncset.done $0x0  }
0x1aa: {  	[sflag:s24] =	ssyncadd.s32 $0xFFFFE000  }
0x1ab: {  	[tilespmem:s23], [sflag:$0x4] =	stream.indirect.gather [hbm4b:s5+s14], $0x80, s18, s14, $0xb8;
	[tilespmem:$0x1E800] =	vst v63  }
0x1ac: {  	_ =	swait.ge [sflag:s25], $0x2000  }
0x1ad: {  	[sflag:s25] =	ssyncset.done $0x0  }
0x1ae: {  	[sflag:s25] =	ssyncadd.s32 $0xFFFFE000  }
0x1af: {  	[spmem:s3] =	stream.indirect.scatter.add.f32 [tilespmem:s17], [sflag:$0x6], $0x80, s16, s14, $0xb8;
	[tilespmem:$0x1E800] =	vst v63  }
0x1b0: {  	_ =	swait.ge [sflag:s30], $0x2000  }
0x1b1: {  	[sflag:s30] =	ssyncset.done $0x0  }
0x1b2: {  	[sflag:s30] =	ssyncadd.s32 $0xFFFFE000  }
0x1b3: {  	[spmem:s3] =	stream.indirect.scatter.add.f32 [tilespmem:s20], [sflag:$0x7], $0x80, s11, s14, $0xb8;
	[tilespmem:$0x1E800] =	vst v63  }
0x1b4: {  	_ =	swait.ge [sflag:s2], $0x2000  }
0x1b5: {  	[sflag:s2] =	ssyncset.done $0x0  }
0x1b6: {  	[sflag:s2] =	ssyncadd.s32 $0xFFFFE000  }
0x1b7: {  	[spmem:s3] =	stream.indirect.scatter.add.f32 [tilespmem:s23], [sflag:$0x8], $0x80, s19, s14, $0xb8;
	[tilespmem:$0x1E800] =	vst v63  }
0x1b8: {  	_ =	swait.ge [sflag:s28], $0x2000  }
0x1b9: {  	[sflag:s28] =	ssyncset.done $0x0  }
0x1ba: {  	[sflag:s28] =	ssyncadd.s32 $0xFFFFE000  }
0x1bb: {  	_ =	swait.ge [sflag:s1], $0x2000  }
0x1bc: {  	[sflag:s1] =	ssyncset.done $0x0  }
0x1bd: {  	[sflag:s1] =	ssyncadd.s32 $0xFFFFE000  }
0x1be: {  	_ =	swait.ge [sflag:s10], $0x2000  }
0x1bf: {  	[sflag:s10] =	ssyncset.done $0x0  }
0x1c0: {  	[sflag:s10] =	ssyncadd.s32 $0xFFFFE000  }
0x1c1: {  	_ =	swait.ge [sflag:s24], $0x2000  }
0x1c2: {  	[sflag:s24] =	ssyncset.done $0x0  }
0x1c3: {  	s26 =	sadd.s32 $0x780, s8;
	s29 =	simm.s32 $0x0;
	[sflag:s24] =	ssyncadd.s32 $0xFFFFE000  }
0x1c4: {  	[tilespmem:s29], [sflag:$0xA] =	stream.linear.gather [hbm4b:s26+s29], $0x1400, $0x38;
	[tilespmem:$0x1E800] =	vst v63  }
0x1c5: {  	s31 =	sadd.s32 $0x780, s9  }
0x1c6: {  	[tilespmem:s12], [sflag:$0xA] =	stream.linear.gather [hbm4b:s31+s29], $0x1400, $0x38;
	[tilespmem:$0x1E800] =	vst v63  }
0x1c7: {  	_ =	swait.ge [sflag:s13], $0x1400  }
0x1c8: {  	[sflag:s13] =	ssyncset.done $0x0  }
0x1c9: {  	[sflag:s13] =	ssyncadd.s32 $0xFFFFEC00  }
0x1ca: {  	_ =	swait.ge [sflag:s13], $0x1400  }
0x1cb: {  	[sflag:s13] =	ssyncset.done $0x0  }
0x1cc: {  	[sflag:s13] =	ssyncadd.s32 $0xFFFFEC00  }
0x1cd: {  	[tilespmem:s15], [sflag:$0x1] =	stream.indirect.gather [hbm4b:s5+s14], $0x80, s29, s14, $0xb8;
	[tilespmem:$0x1E800] =	vst v63  }
0x1ce: {  	s31 =	simm.s32 $0x80  }
0x1cf: {  	[tilespmem:s17], [sflag:$0x2] =	stream.indirect.gather [hbm4b:s5+s14], $0x80, s31, s14, $0xb8;
	[tilespmem:$0x1E800] =	vst v63  }
0x1d0: {  	s31 =	simm.s32 $0x100  }
0x1d1: {  	[tilespmem:s20], [sflag:$0x3] =	stream.indirect.gather [hbm4b:s5+s14], $0x80, s31, s14, $0xb8;
	[tilespmem:$0x1E800] =	vst v63  }
0x1d2: {  	_ =	swait.ge [sflag:s21], $0x2000  }
0x1d3: {  	[sflag:s21] =	ssyncset.done $0x0  }
0x1d4: {  	[sflag:s21] =	ssyncadd.s32 $0xFFFFE000  }
0x1d5: {  	[spmem:s3] =	stream.indirect.scatter.add.f32 [tilespmem:s15], [sflag:$0x5], $0x80, s12, s14, $0xb8;
	[tilespmem:$0x1E800] =	vst v63  }
0x1d6: {  	s31 =	simm.s32 $0x180  }
0x1d7: {  	[tilespmem:s23], [sflag:$0x4] =	stream.indirect.gather [hbm4b:s5+s14], $0x80, s31, s14, $0xb8;
	[tilespmem:$0x1E800] =	vst v63  }
0x1d8: {  	_ =	swait.ge [sflag:s25], $0x2000  }
0x1d9: {  	[sflag:s25] =	ssyncset.done $0x0  }
0x1da: {  	s31 =	simm.s32 $0x1480;
	[sflag:s25] =	ssyncadd.s32 $0xFFFFE000  }
0x1db: {  	[spmem:s3] =	stream.indirect.scatter.add.f32 [tilespmem:s17], [sflag:$0x6], $0x80, s31, s14, $0xb8;
	[tilespmem:$0x1E800] =	vst v63  }
0x1dc: {  	_ =	swait.ge [sflag:s28], $0x2000  }
0x1dd: {  	[sflag:s28] =	ssyncset.done $0x0  }
0x1de: {  	s31 =	simm.s32 $0x200;
	[sflag:s28] =	ssyncadd.s32 $0xFFFFE000  }
0x1df: {  	[tilespmem:s15], [sflag:$0x1] =	stream.indirect.gather [hbm4b:s5+s14], $0x80, s31, s14, $0xb8;
	[tilespmem:$0x1E800] =	vst v63  }
0x1e0: {  	_ =	swait.ge [sflag:s30], $0x2000  }
0x1e1: {  	[sflag:s30] =	ssyncset.done $0x0  }
0x1e2: {  	s31 =	simm.s32 $0x1500;
	[sflag:s30] =	ssyncadd.s32 $0xFFFFE000  }
0x1e3: {  	[spmem:s3] =	stream.indirect.scatter.add.f32 [tilespmem:s20], [sflag:$0x7], $0x80, s31, s14, $0xb8;
	[tilespmem:$0x1E800] =	vst v63  }
0x1e4: {  	_ =	swait.ge [sflag:s1], $0x2000  }
0x1e5: {  	[sflag:s1] =	ssyncset.done $0x0  }
0x1e6: {  	s31 =	simm.s32 $0x280;
	[sflag:s1] =	ssyncadd.s32 $0xFFFFE000  }
0x1e7: {  	[tilespmem:s17], [sflag:$0x2] =	stream.indirect.gather [hbm4b:s5+s14], $0x80, s31, s14, $0xb8;
	[tilespmem:$0x1E800] =	vst v63  }
0x1e8: {  	_ =	swait.ge [sflag:s2], $0x2000  }
0x1e9: {  	[sflag:s2] =	ssyncset.done $0x0  }
0x1ea: {  	[sflag:s2] =	ssyncadd.s32 $0xFFFFE000  }
0x1eb: {  	[spmem:s3] =	stream.indirect.scatter.add.f32 [tilespmem:s23], [sflag:$0x8], $0x80, s7, s14, $0xb8;
	[tilespmem:$0x1E800] =	vst v63  }
0x1ec: {  	_ =	swait.ge [sflag:s10], $0x2000  }
0x1ed: {  	[sflag:s10] =	ssyncset.done $0x0  }
0x1ee: {  	s31 =	simm.s32 $0x300;
	[sflag:s10] =	ssyncadd.s32 $0xFFFFE000  }
0x1ef: {  	[tilespmem:s20], [sflag:$0x3] =	stream.indirect.gather [hbm4b:s5+s14], $0x80, s31, s14, $0xb8;
	[tilespmem:$0x1E800] =	vst v63  }
0x1f0: {  	_ =	swait.ge [sflag:s21], $0x2000  }
0x1f1: {  	[sflag:s21] =	ssyncset.done $0x0  }
0x1f2: {  	s31 =	simm.s32 $0x1600;
	[sflag:s21] =	ssyncadd.s32 $0xFFFFE000  }
0x1f3: {  	[spmem:s3] =	stream.indirect.scatter.add.f32 [tilespmem:s15], [sflag:$0x5], $0x80, s31, s14, $0xb8;
	[tilespmem:$0x1E800] =	vst v63  }
0x1f4: {  	_ =	swait.ge [sflag:s24], $0x2000  }
0x1f5: {  	[sflag:s24] =	ssyncset.done $0x0  }
0x1f6: {  	s31 =	simm.s32 $0x380;
	[sflag:s24] =	ssyncadd.s32 $0xFFFFE000  }
0x1f7: {  	[tilespmem:s23], [sflag:$0x4] =	stream.indirect.gather [hbm4b:s5+s14], $0x80, s31, s14, $0xb8;
	[tilespmem:$0x1E800] =	vst v63  }
0x1f8: {  	_ =	swait.ge [sflag:s25], $0x2000  }
0x1f9: {  	[sflag:s25] =	ssyncset.done $0x0  }
0x1fa: {  	s31 =	simm.s32 $0x1680;
	[sflag:s25] =	ssyncadd.s32 $0xFFFFE000  }
0x1fb: {  	[spmem:s3] =	stream.indirect.scatter.add.f32 [tilespmem:s17], [sflag:$0x6], $0x80, s31, s14, $0xb8;
	[tilespmem:$0x1E800] =	vst v63  }
0x1fc: {  	_ =	swait.ge [sflag:s28], $0x2000  }
0x1fd: {  	[sflag:s28] =	ssyncset.done $0x0  }
0x1fe: {  	s31 =	simm.s32 $0x400;
	[sflag:s28] =	ssyncadd.s32 $0xFFFFE000  }
0x1ff: {  	[tilespmem:s15], [sflag:$0x1] =	stream.indirect.gather [hbm4b:s5+s14], $0x80, s31, s14, $0xb8;
	[tilespmem:$0x1E800] =	vst v63  }
0x200: {  	_ =	swait.ge [sflag:s30], $0x2000  }
0x201: {  	[sflag:s30] =	ssyncset.done $0x0  }
0x202: {  	s31 =	simm.s32 $0x1700;
	[sflag:s30] =	ssyncadd.s32 $0xFFFFE000  }
0x203: {  	[spmem:s3] =	stream.indirect.scatter.add.f32 [tilespmem:s20], [sflag:$0x7], $0x80, s31, s14, $0xb8;
	[tilespmem:$0x1E800] =	vst v63  }
0x204: {  	_ =	swait.ge [sflag:s1], $0x2000  }
0x205: {  	[sflag:s1] =	ssyncset.done $0x0  }
0x206: {  	s31 =	simm.s32 $0x480;
	[sflag:s1] =	ssyncadd.s32 $0xFFFFE000  }
0x207: {  	[tilespmem:s17], [sflag:$0x2] =	stream.indirect.gather [hbm4b:s5+s14], $0x80, s31, s14, $0xb8;
	[tilespmem:$0x1E800] =	vst v63  }
0x208: {  	_ =	swait.ge [sflag:s2], $0x2000  }
0x209: {  	[sflag:s2] =	ssyncset.done $0x0  }
0x20a: {  	s26 =	simm.s32 $0x800;
	s29 =	simm.s32 $0x1780;
	[sflag:s2] =	ssyncadd.s32 $0xFFFFE000  }
.LBB2_8:
0x20b: {  	[spmem:s3] =	stream.indirect.scatter.add.f32 [tilespmem:s23], [sflag:$0x8], $0x80, s29, s14, $0xb8;
	[tilespmem:$0x1E800] =	vst v63  }
0x20c: {  	s29 =	smov.u32 s26  }
0x20d: {  	p0 =	sne.s32 s26, $0x3800;
	s26 =	sadd.s32 $0x800, s26;
	_ =	swait.ge [sflag:s10], $0x2000  }
0x20e: {  	s29 =	sshra.s32 s29, $0x2;
	[sflag:s10] =	ssyncset.done $0x0  }
0x20f: {  	s31 =	sadd.s32 $0x300, s29;
	[sflag:s10] =	ssyncadd.s32 $0xFFFFE000  }
0x210: {  	[tilespmem:s20], [sflag:$0x3] =	stream.indirect.gather [hbm4b:s5+s14], $0x80, s31, s14, $0xb8;
	[tilespmem:$0x1E800] =	vst v63  }
0x211: {  	_ =	swait.ge [sflag:s21], $0x2000  }
0x212: {  	[sflag:s21] =	ssyncset.done $0x0  }
0x213: {  	s31 =	sadd.s32 $0x1600, s29;
	[sflag:s21] =	ssyncadd.s32 $0xFFFFE000  }
0x214: {  	[spmem:s3] =	stream.indirect.scatter.add.f32 [tilespmem:s15], [sflag:$0x5], $0x80, s31, s14, $0xb8;
	[tilespmem:$0x1E800] =	vst v63  }
0x215: {  	_ =	swait.ge [sflag:s24], $0x2000  }
0x216: {  	[sflag:s24] =	ssyncset.done $0x0  }
0x217: {  	s31 =	sadd.s32 $0x380, s29;
	[sflag:s24] =	ssyncadd.s32 $0xFFFFE000  }
0x218: {  	[tilespmem:s23], [sflag:$0x4] =	stream.indirect.gather [hbm4b:s5+s14], $0x80, s31, s14, $0xb8;
	[tilespmem:$0x1E800] =	vst v63  }
0x219: {  	_ =	swait.ge [sflag:s25], $0x2000  }
0x21a: {  	[sflag:s25] =	ssyncset.done $0x0  }
0x21b: {  	s31 =	sadd.s32 $0x1680, s29;
	[sflag:s25] =	ssyncadd.s32 $0xFFFFE000  }
0x21c: {  	[spmem:s3] =	stream.indirect.scatter.add.f32 [tilespmem:s17], [sflag:$0x6], $0x80, s31, s14, $0xb8;
	[tilespmem:$0x1E800] =	vst v63  }
0x21d: {  	_ =	swait.ge [sflag:s28], $0x2000  }
0x21e: {  	[sflag:s28] =	ssyncset.done $0x0  }
0x21f: {  	s31 =	sadd.s32 $0x400, s29;
	[sflag:s28] =	ssyncadd.s32 $0xFFFFE000  }
0x220: {  	[tilespmem:s15], [sflag:$0x1] =	stream.indirect.gather [hbm4b:s5+s14], $0x80, s31, s14, $0xb8;
	[tilespmem:$0x1E800] =	vst v63  }
0x221: {  	_ =	swait.ge [sflag:s30], $0x2000  }
0x222: {  	[sflag:s30] =	ssyncset.done $0x0  }
0x223: {  	s31 =	sadd.s32 $0x1700, s29;
	[sflag:s30] =	ssyncadd.s32 $0xFFFFE000  }
0x224: {  	[spmem:s3] =	stream.indirect.scatter.add.f32 [tilespmem:s20], [sflag:$0x7], $0x80, s31, s14, $0xb8;
	[tilespmem:$0x1E800] =	vst v63  }
0x225: {  	_ =	swait.ge [sflag:s1], $0x2000  }
0x226: {  	[sflag:s1] =	ssyncset.done $0x0  }
.Ltmp3:
0x227: {  	s31 =	sadd.s32 $0x480, s29;
	[sflag:s1] =	ssyncadd.s32 $0xFFFFE000;
	(pc) =	sbr.rel @p0 .LBB2_8-.Ltmp3, $4  }
0x228: {  	[tilespmem:s17], [sflag:$0x2] =	stream.indirect.gather [hbm4b:s5+s14], $0x80, s31, s14, $0xb8;
	[tilespmem:$0x1E800] =	vst v63  }
0x229: {  	_ =	swait.ge [sflag:s2], $0x2000  }
0x22a: {  	[sflag:s2] =	ssyncset.done $0x0  }
0x22b: {  	s29 =	sadd.s32 $0x1780, s29;
	[sflag:s2] =	ssyncadd.s32 $0xFFFFE000  }
0x22c: {  	[spmem:s3] =	stream.indirect.scatter.add.f32 [tilespmem:s23], [sflag:$0x8], $0x80, s29, s14, $0xb8;
	[tilespmem:$0x1E800] =	vst v63  }
0x22d: {  	_ =	swait.ge [sflag:s10], $0x2000  }
0x22e: {  	[sflag:s10] =	ssyncset.done $0x0  }
0x22f: {  	[sflag:s10] =	ssyncadd.s32 $0xFFFFE000  }
0x230: {  	[tilespmem:s20], [sflag:$0x3] =	stream.indirect.gather [hbm4b:s5+s14], $0x80, s6, s14, $0xb8;
	[tilespmem:$0x1E800] =	vst v63  }
0x231: {  	_ =	swait.ge [sflag:s21], $0x2000  }
0x232: {  	[sflag:s21] =	ssyncset.done $0x0  }
0x233: {  	[sflag:s21] =	ssyncadd.s32 $0xFFFFE000  }
0x234: {  	[spmem:s3] =	stream.indirect.scatter.add.f32 [tilespmem:s15], [sflag:$0x5], $0x80, s4, s14, $0xb8;
	[tilespmem:$0x1E800] =	vst v63  }
0x235: {  	_ =	swait.ge [sflag:s24], $0x2000  }
0x236: {  	[sflag:s24] =	ssyncset.done $0x0  }
0x237: {  	[sflag:s24] =	ssyncadd.s32 $0xFFFFE000  }
0x238: {  	[tilespmem:s23], [sflag:$0x4] =	stream.indirect.gather [hbm4b:s5+s14], $0x80, s18, s14, $0xb8;
	[tilespmem:$0x1E800] =	vst v63  }
0x239: {  	_ =	swait.ge [sflag:s25], $0x2000  }
0x23a: {  	[sflag:s25] =	ssyncset.done $0x0  }
0x23b: {  	[sflag:s25] =	ssyncadd.s32 $0xFFFFE000  }
0x23c: {  	[spmem:s3] =	stream.indirect.scatter.add.f32 [tilespmem:s17], [sflag:$0x6], $0x80, s16, s14, $0xb8;
	[tilespmem:$0x1E800] =	vst v63  }
0x23d: {  	_ =	swait.ge [sflag:s30], $0x2000  }
0x23e: {  	[sflag:s30] =	ssyncset.done $0x0  }
0x23f: {  	[sflag:s30] =	ssyncadd.s32 $0xFFFFE000  }
0x240: {  	[spmem:s3] =	stream.indirect.scatter.add.f32 [tilespmem:s20], [sflag:$0x7], $0x80, s11, s14, $0xb8;
	[tilespmem:$0x1E800] =	vst v63  }
0x241: {  	_ =	swait.ge [sflag:s2], $0x2000  }
0x242: {  	[sflag:s2] =	ssyncset.done $0x0  }
0x243: {  	[sflag:s2] =	ssyncadd.s32 $0xFFFFE000  }
0x244: {  	[spmem:s3] =	stream.indirect.scatter.add.f32 [tilespmem:s23], [sflag:$0x8], $0x80, s19, s14, $0xb8;
	[tilespmem:$0x1E800] =	vst v63  }
0x245: {  	_ =	swait.ge [sflag:s28], $0x2000  }
0x246: {  	[sflag:s28] =	ssyncset.done $0x0  }
0x247: {  	[sflag:s28] =	ssyncadd.s32 $0xFFFFE000  }
0x248: {  	_ =	swait.ge [sflag:s1], $0x2000  }
0x249: {  	[sflag:s1] =	ssyncset.done $0x0  }
0x24a: {  	[sflag:s1] =	ssyncadd.s32 $0xFFFFE000  }
0x24b: {  	_ =	swait.ge [sflag:s10], $0x2000  }
0x24c: {  	[sflag:s10] =	ssyncset.done $0x0  }
0x24d: {  	[sflag:s10] =	ssyncadd.s32 $0xFFFFE000  }
0x24e: {  	_ =	swait.ge [sflag:s24], $0x2000  }
0x24f: {  	[sflag:s24] =	ssyncset.done $0x0  }
0x250: {  	[sflag:s24] =	ssyncadd.s32 $0xFFFFE000  }
0x251: {  	[bflag:$0x0] =	sbarrier.arrive $0xFFFF  }
0x252: {  	s31 =	smov.u32 s0;
	s26 =	rddreg [dreg:$0x4]  }
0x253: {  	s0 =	simm.s32 $0xB;
	s29 =	rddreg [dreg:$0x7];
	s26 =	sor.u32 $0x1C0B, s26  }
0x254: {  	[hbm:s29], [sflag:s26] =	dma.local [spmem:s31], $0x2800  }
0x255: {  	_ =	swait.ge [sflag:s0], $0x2800  }
0x256: {  	s22 =	sadd.s32 $0x1, s22;
	s29 =	rddreg [dreg:$0x6]  }
0x257: {  	p0 =	sne.s32 s22, s29  }
.Ltmp4:
0x258: {  	_ = 	snop;
	(pc) =	sbr.rel @p0 .LBB2_1-.Ltmp4, $3  }
0x259: {  	_ =	sdelay $0x1  }
0x25a: {  	[sflag:s0] =	ssyncset.done $0x0  }
0x25b: {  	[sflag:s0] =	ssyncadd.s32 $0xFFFFD800  }
0x25c: {  	_ =	sfence.sel $0x180000  }
0x25d: {  	[bflag:$0x0] =	sbarrier.arrive $0xFFFF  }
0x25e: {  	_ =	strace $0x9000004A  }
0x25f: {  	s0 =	stileid.u32;
	[bflag:$0x2] =	sbarrier.arrive $0xFFFF  }
0x260: {  	p0 =	sne.s32 s0, $0x0;
	s0 =	rddreg [dreg:$0x3]  }
0x261: {  	s0 =	sadd.s32 @!p0 $0x100000, s0  }
0x262: {  	[sflag:s0] =	ssyncadd.tile.s32 @!p0 $0x1;
	_ =	shalt  }
.Lfunc_end2:
_tile_overlayer_lowered:
.L_overlay_start_2:
0x263: {  	(tag) =	ssettag $0x2  }
0x264: {  	s0 =	rddreg [dreg:$0x0];
	s2 =	stileid.u32  }
0x265: {  	s1 =	rddreg [dreg:$0x1];
	p0 =	sne.s32 s2, $0x0  }
0x266: {  	s3 =	rddreg [dreg:$0x2];
	[bflag:$0x3] =	sbarrier.arrive $0xFFFF;
	s2 =	simm.s32 @!p0 $0x1C0B  }
0x267: {  	[timem:s3], [sflag:s2] =	dma.local @!p0 [hbm:s0], s1  }
0x268: {  	s0 =	simm.s32 @!p0 $0xB  }
0x269: {  	_ =	swait.ge @!p0 [sflag:s0], s1  }
0x26a: {  	s1 =	ssub.s32 @!p0 $0x0, s1;
	[sflag:s0] =	ssyncset.done @!p0 $0x0  }
0x26b: {  	[sflag:s0] =	ssyncadd.s32 @!p0 s1  }
0x26c: {  	[bflag:$0x3] =	sbarrier.arrive $0xFFFF  }
0x26d: {  	_ =	shalt  }

</sc_bundles>
